<compile_context>
chip_gen: v7x
topology: tpu7x:2x2x1
jax: 0.10.2.dev20260603
libtpu: 0.0.44.dev20260713+nightly
codegen_flags: <defaults>
</compile_context>

<pallas_src>
import functools

import jax
import jax.numpy as jnp
from jax import lax
from jax.experimental import pallas as pl
from jax.experimental.pallas import tpu as pltpu
from jax.experimental.pallas import tpu_sc as plsc

N = 10000
E = 160000
LAT = 128
DIM = 3
SEQ = 6
NTYPES = 9
R = 0.05
BOUNDS = ((0.0, 1.0), (0.0, 1.0), (0.0, 1.0))

NC = 2
NS = 16
NW = NC * NS
CH = 128
CPW = 40
E_PAD = NW * CPW * CH
N_CHUNKS = NW * CPW
N_ACC = 10112
ZPT = N_ACC // NS
OPT = 624

BN = 2000
BEB = 2048

@functools.cache
def _mesh():
    return plsc.VectorSubcoreMesh(
        core_axis_name="c", subcore_axis_name="s", num_cores=NC, num_subcores=NS)


def _ln(x):
    m = jnp.mean(x, axis=-1, keepdims=True)
    xc = x - m
    v = jnp.mean(xc * xc, axis=-1, keepdims=True)
    return xc * lax.rsqrt(v + 1e-5)


def _dot(a, b):
    return jnp.dot(a, b, preferred_element_type=jnp.float32)


def _full(shape):
    return pl.BlockSpec(shape, lambda i: (0, 0))


def _rows(bn, w):
    return pl.BlockSpec((bn, w), lambda i: (i, 0))



def _node_enc(feats, W0, b0, W1, b1, Ws, Wr):
    F = feats.shape[1]

    def body(f_ref, W0_ref, b0_ref, W1_ref, b1_ref, Ws_ref, Wr_ref,
             nl_ref, sp_ref, rp_ref):
        x = f_ref[...]
        h = jnp.maximum(_dot(x, W0_ref[...]) + b0_ref[0:1, :], 0.0)
        nl = _ln(_dot(h, W1_ref[...]) + b1_ref[0:1, :])
        nl_ref[...] = nl
        sp_ref[...] = _dot(nl, Ws_ref[...])
        rp_ref[...] = _dot(nl, Wr_ref[...])

    out = pl.pallas_call(
        body,
        grid=(N // BN,),
        in_specs=[
            _rows(BN, F), _full((F, LAT)), _full((8, LAT)),
            _full((LAT, LAT)), _full((8, LAT)),
            _full((LAT, LAT)), _full((LAT, LAT)),
        ],
        out_specs=[_rows(BN, LAT)] * 3,
        out_shape=[jax.ShapeDtypeStruct((N, LAT), jnp.float32)] * 3,
    )(feats, W0, b0, W1, b1, Ws, Wr)
    return out


def _edge0(gs, gr, gps, gpr, eW0, eb0, eW1, eb1, W0e, b0, W1, b1):

    def body(gs_ref, gr_ref, gps_ref, gpr_ref, eW0_ref, eb0_ref, eW1_ref,
             eb1_ref, W0e_ref, b0_ref, W1_ref, b1_ref, el_ref):
        disp = (gps_ref[...] - gpr_ref[...]) * (1.0 / R)
        ed = jnp.sqrt(jnp.sum(disp * disp, axis=-1, keepdims=True))
        w = eW0_ref[...]
        h0 = (disp[:, 0:1] * w[0:1, :] + disp[:, 1:2] * w[1:2, :]
              + disp[:, 2:3] * w[2:3, :] + ed * w[3:4, :] + eb0_ref[0:1, :])
        el0 = _ln(_dot(jnp.maximum(h0, 0.0), eW1_ref[...]) + eb1_ref[0:1, :])
        h = jnp.maximum(
            _dot(el0, W0e_ref[...]) + gs_ref[...] + gr_ref[...] + b0_ref[0:1, :],
            0.0)
        el_ref[...] = el0 + _ln(_dot(h, W1_ref[...]) + b1_ref[0:1, :])

    return pl.pallas_call(
        body,
        grid=(E_PAD // BEB,),
        in_specs=[
            _rows(BEB, LAT), _rows(BEB, LAT), _rows(BEB, 16), _rows(BEB, 16),
            _full((8, LAT)), _full((8, LAT)), _full((LAT, LAT)), _full((8, LAT)),
            _full((LAT, LAT)), _full((8, LAT)), _full((LAT, LAT)), _full((8, LAT)),
        ],
        out_specs=_rows(BEB, LAT),
        out_shape=jax.ShapeDtypeStruct((E_PAD, LAT), jnp.float32),
    )(gs, gr, gps, gpr, eW0, eb0, eW1, eb1, W0e, b0, W1, b1)


def _edge_step(el, gs, gr, W0e, b0, W1, b1):
    def body(el_ref, gs_ref, gr_ref, W0e_ref, b0_ref, W1_ref, b1_ref, out_ref):
        el_ = el_ref[...]
        h = jnp.maximum(
            _dot(el_, W0e_ref[...]) + gs_ref[...] + gr_ref[...] + b0_ref[0:1, :],
            0.0)
        out_ref[...] = el_ + _ln(_dot(h, W1_ref[...]) + b1_ref[0:1, :])

    return pl.pallas_call(
        body,
        grid=(E_PAD // BEB,),
        in_specs=[
            _rows(BEB, LAT), _rows(BEB, LAT), _rows(BEB, LAT),
            _full((LAT, LAT)), _full((8, LAT)), _full((LAT, LAT)), _full((8, LAT)),
        ],
        out_specs=_rows(BEB, LAT),
        out_shape=jax.ShapeDtypeStruct((E_PAD, LAT), jnp.float32),
    )(el, gs, gr, W0e, b0, W1, b1)


def _node_update(nl, agg0, agg1, Wn, Wa, b0, W1, b1, Ws, Wr):
    def body(nl_ref, a0_ref, a1_ref, Wn_ref, Wa_ref, b0_ref, W1_ref, b1_ref,
             Ws_ref, Wr_ref, out_ref, sp_ref, rp_ref):
        nl_ = nl_ref[...]
        agg = a0_ref[...] + a1_ref[...]
        h = jnp.maximum(
            _dot(nl_, Wn_ref[...]) + _dot(agg, Wa_ref[...]) + b0_ref[0:1, :],
            0.0)
        nn = nl_ + _ln(_dot(h, W1_ref[...]) + b1_ref[0:1, :])
        out_ref[...] = nn
        sp_ref[...] = _dot(nn, Ws_ref[...])
        rp_ref[...] = _dot(nn, Wr_ref[...])

    return pl.pallas_call(
        body,
        grid=(N // BN,),
        in_specs=[
            _rows(BN, LAT), _rows(BN, LAT), _rows(BN, LAT),
            _full((LAT, LAT)), _full((LAT, LAT)), _full((8, LAT)),
            _full((LAT, LAT)), _full((8, LAT)),
            _full((LAT, LAT)), _full((LAT, LAT)),
        ],
        out_specs=[_rows(BN, LAT)] * 3,
        out_shape=[jax.ShapeDtypeStruct((N, LAT), jnp.float32)] * 3,
    )(nl, agg0, agg1, Wn, Wa, b0, W1, b1, Ws, Wr)


def _node_final(nl, agg0, agg1, Wn, Wa, b0, W1, b1, dW0, db0, dW1, db1):
    def body(nl_ref, a0_ref, a1_ref, Wn_ref, Wa_ref, b0_ref, W1_ref, b1_ref,
             dW0_ref, db0_ref, dW1_ref, db1_ref, acc_ref):
        nl_ = nl_ref[...]
        agg = a0_ref[...] + a1_ref[...]
        h = jnp.maximum(
            _dot(nl_, Wn_ref[...]) + _dot(agg, Wa_ref[...]) + b0_ref[0:1, :],
            0.0)
        nn = nl_ + _ln(_dot(h, W1_ref[...]) + b1_ref[0:1, :])
        dh = jnp.maximum(_dot(nn, dW0_ref[...]) + db0_ref[0:1, :], 0.0)
        acc_ref[...] = _dot(dh, dW1_ref[...]) + db1_ref[0:1, :]

    return pl.pallas_call(
        body,
        grid=(N // BN,),
        in_specs=[
            _rows(BN, LAT), _rows(BN, LAT), _rows(BN, LAT),
            _full((LAT, LAT)), _full((LAT, LAT)), _full((8, LAT)),
            _full((LAT, LAT)), _full((8, LAT)),
            _full((LAT, LAT)), _full((8, LAT)), _full((LAT, LAT)), _full((8, LAT)),
        ],
        out_specs=_rows(BN, LAT),
        out_shape=jax.ShapeDtypeStruct((N, LAT), jnp.float32),
    )(nl, agg0, agg1, Wn, Wa, b0, W1, b1, dW0, db0, dW1, db1)



def _sc_gather2(sp, rp, sidx, ridx):

    @functools.partial(
        pl.kernel,
        out_type=[jax.ShapeDtypeStruct((E_PAD, LAT), jnp.float32)] * 2,
        mesh=_mesh(),
        scratch_types=[
            pltpu.VMEM((CPW, CH), jnp.int32),
            pltpu.VMEM((CPW, CH), jnp.int32),
            pltpu.VMEM((CH, LAT), jnp.float32),
            pltpu.VMEM((CH, LAT), jnp.float32),
            pltpu.SemaphoreType.DMA,
            pltpu.SemaphoreType.DMA,
        ],
    )
    def k(sp_hbm, rp_hbm, sidx_hbm, ridx_hbm, gs_hbm, gr_hbm,
          si_v, ri_v, bs_v, br_v, sem_s, sem_r):
        w = lax.axis_index("s") * NC + lax.axis_index("c")
        lo = w * CPW
        pltpu.sync_copy(sidx_hbm.at[pl.ds(lo, CPW)], si_v)
        pltpu.sync_copy(ridx_hbm.at[pl.ds(lo, CPW)], ri_v)

        def body(j, carry):
            cid = lo + j
            cs = pltpu.async_copy(sp_hbm.at[si_v.at[j]], bs_v, sem_s)
            cr = pltpu.async_copy(rp_hbm.at[ri_v.at[j]], br_v, sem_r)
            cs.wait()
            cr.wait()
            pltpu.sync_copy(bs_v, gs_hbm.at[pl.ds(cid * CH, CH)])
            pltpu.sync_copy(br_v, gr_hbm.at[pl.ds(cid * CH, CH)])
            return carry

        lax.fori_loop(0, CPW, body, 0)

    return k(sp, rp, sidx, ridx)


def _sc_gather4(sp, rp, pos16, sidx, ridx):

    @functools.partial(
        pl.kernel,
        out_type=[
            jax.ShapeDtypeStruct((E_PAD, LAT), jnp.float32),
            jax.ShapeDtypeStruct((E_PAD, LAT), jnp.float32),
            jax.ShapeDtypeStruct((E_PAD, 16), jnp.float32),
            jax.ShapeDtypeStruct((E_PAD, 16), jnp.float32),
        ],
        mesh=_mesh(),
        compiler_params=pltpu.CompilerParams(use_tc_tiling_on_sc=False),
        scratch_types=[
            pltpu.VMEM((CPW, CH), jnp.int32),
            pltpu.VMEM((CPW, CH), jnp.int32),
            pltpu.VMEM((CH, LAT), jnp.float32),
            pltpu.VMEM((CH, LAT), jnp.float32),
            pltpu.VMEM((CH, 16), jnp.float32),
            pltpu.VMEM((CH, 16), jnp.float32),
            pltpu.SemaphoreType.DMA,
            pltpu.SemaphoreType.DMA,
        ],
    )
    def k(sp_hbm, rp_hbm, pos_hbm, sidx_hbm, ridx_hbm,
          gs_hbm, gr_hbm, gps_hbm, gpr_hbm,
          si_v, ri_v, bs_v, br_v, ps_v, pr_v, sem_a, sem_b):
        w = lax.axis_index("s") * NC + lax.axis_index("c")
        lo = w * CPW
        pltpu.sync_copy(sidx_hbm.at[pl.ds(lo, CPW)], si_v)
        pltpu.sync_copy(ridx_hbm.at[pl.ds(lo, CPW)], ri_v)

        def body(j, carry):
            cid = lo + j
            c1 = pltpu.async_copy(sp_hbm.at[si_v.at[j]], bs_v, sem_a)
            c2 = pltpu.async_copy(rp_hbm.at[ri_v.at[j]], br_v, sem_b)
            c3 = pltpu.async_copy(pos_hbm.at[si_v.at[j]], ps_v, sem_a)
            c4 = pltpu.async_copy(pos_hbm.at[ri_v.at[j]], pr_v, sem_b)
            c1.wait()
            c2.wait()
            c3.wait()
            c4.wait()
            pltpu.sync_copy(bs_v, gs_hbm.at[pl.ds(cid * CH, CH)])
            pltpu.sync_copy(br_v, gr_hbm.at[pl.ds(cid * CH, CH)])
            pltpu.sync_copy(ps_v, gps_hbm.at[pl.ds(cid * CH, CH)])
            pltpu.sync_copy(pr_v, gpr_hbm.at[pl.ds(cid * CH, CH)])
            return carry

        lax.fori_loop(0, CPW, body, 0)

    return k(sp, rp, pos16, sidx, ridx)


def _sc_scatter(el, scidx, zeros_acc):

    @functools.partial(
        pl.kernel,
        out_type=jax.ShapeDtypeStruct((NC, N, LAT), jnp.float32),
        mesh=_mesh(),
        scratch_types=[
            pltpu.VMEM((CPW, CH), jnp.int32),
            pltpu.VMEM((CH, LAT), jnp.float32),
            pltpu.VMEM_SHARED((N_ACC, LAT), jnp.float32),
        ],
    )
    def k(el_hbm, idx_hbm, z_hbm, agg_hbm, idx_v, buf_v, acc_sh):
        c = lax.axis_index("c")
        s = lax.axis_index("s")
        w = s * NC + c
        lo = w * CPW
        pltpu.sync_copy(z_hbm.at[pl.ds(s * ZPT, ZPT)], acc_sh.at[pl.ds(s * ZPT, ZPT)])
        pltpu.sync_copy(idx_hbm.at[pl.ds(lo, CPW)], idx_v)
        plsc.subcore_barrier()

        def body(j, carry):
            cid = lo + j
            pltpu.sync_copy(el_hbm.at[pl.ds(cid * CH, CH)], buf_v)
            pltpu.sync_copy(buf_v, acc_sh.at[idx_v.at[j]], add=True)
            return carry

        lax.fori_loop(0, CPW, body, 0)
        plsc.subcore_barrier()
        pltpu.sync_copy(acc_sh.at[pl.ds(s * OPT, OPT)],
                        agg_hbm.at[c].at[pl.ds(s * OPT, OPT)])

        @pl.when(s == NS - 1)
        def _tail():
            pltpu.sync_copy(acc_sh.at[pl.ds(NS * OPT, N - NS * OPT)],
                            agg_hbm.at[c].at[pl.ds(NS * OPT, N - NS * OPT)])

    return k(el, scidx, zeros_acc)



def kernel(position_sequence, n_particles_per_example, particle_types, senders,
           receivers, type_emb, enc_node_W0, enc_node_b0, enc_node_W1,
           enc_node_b1, enc_edge_W0, enc_edge_b0, enc_edge_W1, enc_edge_b1,
           pe_W0, pe_b0, pe_W1, pe_b1, pn_W0, pn_b0, pn_W1, pn_b1, dec_W0,
           dec_b0, dec_W1, dec_b1):
    del n_particles_per_example
    f32 = jnp.float32

    pos_last = position_sequence[:, -1]
    pos_prev = position_sequence[:, -2]

    vel = jnp.diff(position_sequence, axis=1).reshape(N, (SEQ - 1) * DIM)
    bnd = jnp.array(BOUNDS, dtype=f32)
    dist = jnp.clip(
        jnp.concatenate([pos_last - bnd[:, 0], bnd[:, 1] - pos_last], axis=1) / R,
        -1.0, 1.0)
    onehot = (particle_types[:, None] == jnp.arange(NTYPES)[None, :]).astype(f32)
    feats = jnp.concatenate([vel, dist, onehot], axis=1)
    feats = jnp.pad(feats, ((0, 0), (0, 2)))

    W0n = jnp.concatenate(
        [enc_node_W0[: (SEQ - 1) * DIM + 2 * DIM],
         type_emb @ enc_node_W0[(SEQ - 1) * DIM + 2 * DIM:]], axis=0)
    W0n = jnp.pad(W0n, ((0, 2), (0, 0)))

    def b8(b):
        return jnp.pad(b.reshape(1, -1), ((0, 7), (0, 0)))

    eW0 = jnp.pad(enc_edge_W0, ((0, 4), (0, 0)))
    dW1 = jnp.pad(dec_W1, ((0, 0), (0, LAT - DIM)))
    db1 = jnp.pad(dec_b1, ((0, LAT - DIM),))

    padg = ((0, E_PAD - E),)
    sidx = jnp.pad(senders, padg).reshape(N_CHUNKS, CH)
    ridx = jnp.pad(receivers, padg).reshape(N_CHUNKS, CH)
    ridx_s = jnp.pad(receivers, padg, constant_values=N).reshape(N_CHUNKS, CH)

    pos16 = jnp.pad(pos_last, ((0, 0), (0, 16 - DIM)))
    zeros_acc = jnp.zeros((N_ACC, LAT), f32)

    nl, sp, rp = _node_enc(feats, W0n, b8(enc_node_b0), enc_node_W1,
                           b8(enc_node_b1), pe_W0[0, LAT:2 * LAT],
                           pe_W0[0, 2 * LAT:])
    gs, gr, gps, gpr = _sc_gather4(sp, rp, pos16, sidx, ridx)
    el = _edge0(gs, gr, gps, gpr, eW0, b8(enc_edge_b0), enc_edge_W1,
                b8(enc_edge_b1), pe_W0[0, :LAT], b8(pe_b0[0]), pe_W1[0],
                b8(pe_b1[0]))
    agg = _sc_scatter(el, ridx_s, zeros_acc)

    for s in range(2):
        nl, sp, rp = _node_update(
            nl, agg[0], agg[1], pn_W0[s, :LAT], pn_W0[s, LAT:], b8(pn_b0[s]),
            pn_W1[s], b8(pn_b1[s]), pe_W0[s + 1, LAT:2 * LAT],
            pe_W0[s + 1, 2 * LAT:])
        gs, gr = _sc_gather2(sp, rp, sidx, ridx)
        el = _edge_step(el, gs, gr, pe_W0[s + 1, :LAT], b8(pe_b0[s + 1]),
                        pe_W1[s + 1], b8(pe_b1[s + 1]))
        agg = _sc_scatter(el, ridx_s, zeros_acc)

    acc = _node_final(nl, agg[0], agg[1], pn_W0[2, :LAT], pn_W0[2, LAT:],
                      b8(pn_b0[2]), pn_W1[2], b8(pn_b1[2]), dec_W0, b8(dec_b0),
                      dW1, b8(db1))

    return pos_last + (pos_last - pos_prev) + acc[:, :DIM]

# --- scband reference (transcript-rebuilt; emitter-appended) ---
"""Pipeline reference for scband-learned-simulator-74852690035246 (READ-ONLY COPY).

The authoritative reference and input builder live on the scoring server;
editing this copy changes nothing except your own understanding.
"""

import jax, jax.numpy as jnp
import numpy as np

N = 10000; E = 160000; SEQ = 6; DIM = 3; LAT = 128; STEPS = 3; NTYPES = 9; EMB = 16; R = 0.05
VEL_MEAN = jnp.zeros((DIM,), jnp.float32); VEL_STD = jnp.ones((DIM,), jnp.float32)
ACC_MEAN = jnp.zeros((DIM,), jnp.float32); ACC_STD = jnp.ones((DIM,), jnp.float32)
BOUNDARIES = [[0.0, 1.0], [0.0, 1.0], [0.0, 1.0]]


def _ln(x):
    m = jnp.mean(x, axis=-1, keepdims=True)
    v = jnp.var(x, axis=-1, keepdims=True)
    return (x - m) / jnp.sqrt(v + 1e-5)


def _mlp(x, W0, b0, W1, b1):
    h = jax.nn.relu(x @ W0 + b0)
    return h @ W1 + b1


def _forward(position_sequence, type_emb, enc_node_W0, enc_node_b0, enc_node_W1, enc_node_b1, enc_edge_W0, enc_edge_b0, enc_edge_W1, enc_edge_b1, pe_W0, pe_b0, pe_W1, pe_b1, pn_W0, pn_b0, pn_W1, pn_b1, dec_W0, dec_b0, dec_W1, dec_b1, particle_types, senders, receivers):
    most_recent = position_sequence[:, -1]
    vel = jnp.diff(position_sequence, axis=1)
    nvel = (vel - VEL_MEAN) / VEL_STD
    flat_vel = nvel.reshape(nvel.shape[0], -1)
    bnd = jnp.array(BOUNDARIES, dtype=jnp.float32)
    d_low = most_recent - bnd[:, 0]
    d_up = bnd[:, 1] - most_recent
    dist = jnp.clip(jnp.concatenate([d_low, d_up], axis=1) / R, -1.0, 1.0)
    emb = jnp.take(type_emb, particle_types, axis=0)
    nodes = jnp.concatenate([flat_vel, dist, emb], axis=-1)
    disp = (jnp.take(most_recent, senders, axis=0) - jnp.take(most_recent, receivers, axis=0)) / R
    edist = jnp.linalg.norm(disp, axis=-1, keepdims=True)
    edges = jnp.concatenate([disp, edist], axis=-1)
    nl = _ln(_mlp(nodes, enc_node_W0, enc_node_b0, enc_node_W1, enc_node_b1))
    el = _ln(_mlp(edges, enc_edge_W0, enc_edge_b0, enc_edge_W1, enc_edge_b1))
    for s in range(STEPS):
        einp = jnp.concatenate([el, jnp.take(nl, senders, axis=0), jnp.take(nl, receivers, axis=0)], axis=-1)
        el = el + _ln(_mlp(einp, pe_W0[s], pe_b0[s], pe_W1[s], pe_b1[s]))
        agg = jax.ops.segment_sum(el, receivers, num_segments=nl.shape[0])
        ninp = jnp.concatenate([nl, agg], axis=-1)
        nl = nl + _ln(_mlp(ninp, pn_W0[s], pn_b0[s], pn_W1[s], pn_b1[s]))
    acc_norm = _mlp(nl, dec_W0, dec_b0, dec_W1, dec_b1)
    acc = acc_norm * ACC_STD + ACC_MEAN
    most_recent_velocity = most_recent - position_sequence[:, -2]
    return most_recent + most_recent_velocity + acc


def setup_inputs(seed: int = 0) -> dict:
    key = jax.random.key(seed)
    ks = jax.random.split(key, 20)

    def gl(k, shape):
        fan_in = shape[-2] if len(shape) > 1 else shape[0]
        return jax.random.normal(k, shape, dtype=jnp.float32) / np.sqrt(fan_in)

    node_in = (SEQ - 1) * DIM + 2 * DIM + EMB
    edge_in = DIM + 1
    return dict(
        position_sequence=jax.random.uniform(ks[0], (N, SEQ, DIM), dtype=jnp.float32),
        n_particles_per_example=jnp.array([N], dtype=jnp.int32),
        particle_types=jax.random.randint(ks[1], (N,), 0, NTYPES, dtype=jnp.int32),
        senders=jax.random.randint(ks[2], (E,), 0, N, dtype=jnp.int32),
        receivers=jax.random.randint(ks[3], (E,), 0, N, dtype=jnp.int32),
        type_emb=jax.random.normal(ks[4], (NTYPES, EMB), dtype=jnp.float32) * 0.1,
        enc_node_W0=gl(ks[5], (node_in, LAT)), enc_node_b0=jnp.zeros((LAT,), jnp.float32),
        enc_node_W1=gl(ks[6], (LAT, LAT)), enc_node_b1=jnp.zeros((LAT,), jnp.float32),
        enc_edge_W0=gl(ks[7], (edge_in, LAT)), enc_edge_b0=jnp.zeros((LAT,), jnp.float32),
        enc_edge_W1=gl(ks[8], (LAT, LAT)), enc_edge_b1=jnp.zeros((LAT,), jnp.float32),
        pe_W0=gl(ks[9], (STEPS, 3 * LAT, LAT)), pe_b0=jnp.zeros((STEPS, LAT), jnp.float32),
        pe_W1=gl(ks[10], (STEPS, LAT, LAT)), pe_b1=jnp.zeros((STEPS, LAT), jnp.float32),
        pn_W0=gl(ks[11], (STEPS, 2 * LAT, LAT)), pn_b0=jnp.zeros((STEPS, LAT), jnp.float32),
        pn_W1=gl(ks[12], (STEPS, LAT, LAT)), pn_b1=jnp.zeros((STEPS, LAT), jnp.float32),
        dec_W0=gl(ks[13], (LAT, LAT)), dec_b0=jnp.zeros((LAT,), jnp.float32),
        dec_W1=gl(ks[14], (LAT, DIM)), dec_b1=jnp.zeros((DIM,), jnp.float32),
    )


def reference(position_sequence, n_particles_per_example, particle_types, senders, receivers, type_emb, enc_node_W0, enc_node_b0, enc_node_W1, enc_node_b1, enc_edge_W0, enc_edge_b0, enc_edge_W1, enc_edge_b1, pe_W0, pe_b0, pe_W1, pe_b1, pn_W0, pn_b0, pn_W1, pn_b1, dec_W0, dec_b0, dec_W1, dec_b1):
    return _forward(position_sequence, type_emb, enc_node_W0, enc_node_b0, enc_node_W1, enc_node_b1, enc_edge_W0, enc_edge_b0, enc_edge_W1, enc_edge_b1, pe_W0, pe_b0, pe_W1, pe_b1, pn_W0, pn_b0, pn_W1, pn_b1, dec_W0, dec_b0, dec_W1, dec_b1, particle_types, senders, receivers)

if __name__ == "__main__":
    import jax
    _d = setup_inputs()
    print(jax.jit(kernel)(*tuple(_d.values())))

</pallas_src>

<mosaic_0001>
#map = affine_map<(d0, d1) -> (0, 0)>
module attributes {stable_mosaic.version = 14 : i64} {
  func.func @k(%arg0: i32, %arg1: i32, %arg2: memref<10000x128xf32, #tpu.memory_space<hbm>>, %arg3: memref<10000x128xf32, #tpu.memory_space<hbm>>, %arg4: memref<1280x128xi32, #tpu.memory_space<hbm>>, %arg5: memref<1280x128xi32, #tpu.memory_space<hbm>>, %arg6: memref<163840x128xf32, #tpu.memory_space<hbm>>, %arg7: memref<163840x128xf32, #tpu.memory_space<hbm>>, %arg8: memref<40x128xi32, #tpu.memory_space<vmem>>, %arg9: memref<40x128xi32, #tpu.memory_space<vmem>>, %arg10: memref<128x128xf32, #tpu.memory_space<vmem>>, %arg11: memref<128x128xf32, #tpu.memory_space<vmem>>, %arg12: memref<!tpu.dma_semaphore, #tpu.memory_space<semaphore_mem>>, %arg13: memref<!tpu.dma_semaphore, #tpu.memory_space<semaphore_mem>>) attributes {dimension_semantics = [#tpu.dimension_semantics<core_parallel>, #tpu.dimension_semantics<subcore_parallel>], iteration_bounds = array<i64: 2, 16>, scalar_prefetch = 0 : i64, scratch_operands = 6 : i64, tpu.core_type = #tpu.core_type<sc_vector_subcore>, window_params = [{transform_indices = #map}, {transform_indices = #map}, {transform_indices = #map}, {transform_indices = #map}, {transform_indices = #map}, {transform_indices = #map}]} {
    %mul3A = arith.constant 2 : i32
    %mul3A_0 = arith.muli %arg1, %mul3A : i32
    %add3A = arith.addi %mul3A_0, %arg0 : i32
    %mul3A_1 = arith.constant 40 : i32
    %mul3A_2 = arith.muli %add3A, %mul3A_1 : i32
    "tpu.region"() ({
      %run_scoped3A = tpu.sem_alloc : memref<!tpu.dma_semaphore, #tpu.memory_space<semaphore_mem>>
      %dma_start3A = arith.constant 0 : i32
      %dma_start3A_8 = tpu.memref_slice %arg4[%mul3A_2, %dma_start3A] : memref<1280x128xi32, #tpu.memory_space<hbm>> -> memref<40x128xi32, #tpu.memory_space<hbm>>
      %dma_start3A_9 = arith.constant 0 : i32
      %dma_start3A_10 = tpu.memref_slice %arg4[%mul3A_2, %dma_start3A_9] : memref<1280x128xi32, #tpu.memory_space<hbm>> -> memref<40x128xi32, #tpu.memory_space<hbm>>
      tpu.enqueue_dma source(%dma_start3A_10 : memref<40x128xi32, #tpu.memory_space<hbm>>) target(%arg8 : memref<40x128xi32, #tpu.memory_space<vmem>>) target_semaphore(%run_scoped3A : memref<!tpu.dma_semaphore, #tpu.memory_space<semaphore_mem>>)
      %dma_wait3A = arith.constant 0 : i32
      %dma_wait3A_11 = tpu.memref_slice %arg4[%mul3A_2, %dma_wait3A] : memref<1280x128xi32, #tpu.memory_space<hbm>> -> memref<40x128xi32, #tpu.memory_space<hbm>>
      %dma_wait3A_12 = arith.constant 0 : i32
      %dma_wait3A_13 = tpu.memref_slice %arg4[%mul3A_2, %dma_wait3A_12] : memref<1280x128xi32, #tpu.memory_space<hbm>> -> memref<40x128xi32, #tpu.memory_space<hbm>>
      tpu.wait_dma2 semaphore(%run_scoped3A : memref<!tpu.dma_semaphore, #tpu.memory_space<semaphore_mem>>) src(%dma_wait3A_13 : memref<40x128xi32, #tpu.memory_space<hbm>>) dst(%arg8 : memref<40x128xi32, #tpu.memory_space<vmem>>)
      tpu.yield
    }) : () -> ()
    "tpu.region"() ({
      %run_scoped3A = tpu.sem_alloc : memref<!tpu.dma_semaphore, #tpu.memory_space<semaphore_mem>>
      %dma_start3A = arith.constant 0 : i32
      %dma_start3A_8 = tpu.memref_slice %arg5[%mul3A_2, %dma_start3A] : memref<1280x128xi32, #tpu.memory_space<hbm>> -> memref<40x128xi32, #tpu.memory_space<hbm>>
      %dma_start3A_9 = arith.constant 0 : i32
      %dma_start3A_10 = tpu.memref_slice %arg5[%mul3A_2, %dma_start3A_9] : memref<1280x128xi32, #tpu.memory_space<hbm>> -> memref<40x128xi32, #tpu.memory_space<hbm>>
      tpu.enqueue_dma source(%dma_start3A_10 : memref<40x128xi32, #tpu.memory_space<hbm>>) target(%arg9 : memref<40x128xi32, #tpu.memory_space<vmem>>) target_semaphore(%run_scoped3A : memref<!tpu.dma_semaphore, #tpu.memory_space<semaphore_mem>>)
      %dma_wait3A = arith.constant 0 : i32
      %dma_wait3A_11 = tpu.memref_slice %arg5[%mul3A_2, %dma_wait3A] : memref<1280x128xi32, #tpu.memory_space<hbm>> -> memref<40x128xi32, #tpu.memory_space<hbm>>
      %dma_wait3A_12 = arith.constant 0 : i32
      %dma_wait3A_13 = tpu.memref_slice %arg5[%mul3A_2, %dma_wait3A_12] : memref<1280x128xi32, #tpu.memory_space<hbm>> -> memref<40x128xi32, #tpu.memory_space<hbm>>
      tpu.wait_dma2 semaphore(%run_scoped3A : memref<!tpu.dma_semaphore, #tpu.memory_space<semaphore_mem>>) src(%dma_wait3A_13 : memref<40x128xi32, #tpu.memory_space<hbm>>) dst(%arg9 : memref<40x128xi32, #tpu.memory_space<vmem>>)
      tpu.yield
    }) : () -> ()
    %scan3A = arith.constant 0 : i32
    %scan3A_3 = arith.constant 0 : i32
    %scan3A_4 = arith.constant 40 : i32
    %scan3A_5 = arith.addi %scan3A_3, %scan3A_4 : i32
    %scan3A_6 = arith.constant 1 : i32
    scf.for %scan3A_8 = %scan3A_3 to %scan3A_5 step %scan3A_6  : i32 {
      %add3A_9 = arith.addi %mul3A_2, %scan3A_8 : i32
      %dma_start3A = arith.constant 0 : i32
      %dma_start3A_10 = tpu.memref_slice %arg8[%scan3A_8, %dma_start3A] : memref<40x128xi32, #tpu.memory_space<vmem>> -> memref<1x128xi32, #tpu.memory_space<vmem>>
      %dma_start3A_11 = tpu.memref_squeeze %dma_start3A_10 : memref<1x128xi32, #tpu.memory_space<vmem>> -> memref<128xi32, #tpu.memory_space<vmem>>
      %dma_start3A_12 = arith.constant 0 : i32
      %dma_start3A_13 = arith.constant 0 : i32
      %dma_start3A_14 = tpu.memref_slice %arg2[%dma_start3A_12, %dma_start3A_13] : memref<10000x128xf32, #tpu.memory_space<hbm>> -> memref<10000x128xf32, #tpu.memory_space<hbm>>
      tpu.enqueue_indirect_dma source(%dma_start3A_14 : memref<10000x128xf32, #tpu.memory_space<hbm>>) target(%arg10 : memref<128x128xf32, #tpu.memory_space<vmem>>) offsets(%dma_start3A_11 : memref<128xi32, #tpu.memory_space<vmem>>) semaphore(%arg12 : memref<!tpu.dma_semaphore, #tpu.memory_space<semaphore_mem>>)
      %dma_start3A_15 = arith.constant 0 : i32
      %dma_start3A_16 = tpu.memref_slice %arg9[%scan3A_8, %dma_start3A_15] : memref<40x128xi32, #tpu.memory_space<vmem>> -> memref<1x128xi32, #tpu.memory_space<vmem>>
      %dma_start3A_17 = tpu.memref_squeeze %dma_start3A_16 : memref<1x128xi32, #tpu.memory_space<vmem>> -> memref<128xi32, #tpu.memory_space<vmem>>
      %dma_start3A_18 = arith.constant 0 : i32
      %dma_start3A_19 = arith.constant 0 : i32
      %dma_start3A_20 = tpu.memref_slice %arg3[%dma_start3A_18, %dma_start3A_19] : memref<10000x128xf32, #tpu.memory_space<hbm>> -> memref<10000x128xf32, #tpu.memory_space<hbm>>
      tpu.enqueue_indirect_dma source(%dma_start3A_20 : memref<10000x128xf32, #tpu.memory_space<hbm>>) target(%arg11 : memref<128x128xf32, #tpu.memory_space<vmem>>) offsets(%dma_start3A_17 : memref<128xi32, #tpu.memory_space<vmem>>) semaphore(%arg13 : memref<!tpu.dma_semaphore, #tpu.memory_space<semaphore_mem>>)
      %dma_wait3A = arith.constant 0 : i32
      %dma_wait3A_21 = tpu.memref_slice %arg8[%scan3A_8, %dma_wait3A] : memref<40x128xi32, #tpu.memory_space<vmem>> -> memref<1x128xi32, #tpu.memory_space<vmem>>
      %dma_wait3A_22 = tpu.memref_squeeze %dma_wait3A_21 : memref<1x128xi32, #tpu.memory_space<vmem>> -> memref<128xi32, #tpu.memory_space<vmem>>
      %dma_wait3A_23 = arith.constant 0 : i32
      %dma_wait3A_24 = arith.constant 0 : i32
      %dma_wait3A_25 = tpu.memref_slice %arg2[%dma_wait3A_23, %dma_wait3A_24] : memref<10000x128xf32, #tpu.memory_space<hbm>> -> memref<10000x128xf32, #tpu.memory_space<hbm>>
      tpu.wait_indirect_dma semaphore(%arg12 : memref<!tpu.dma_semaphore, #tpu.memory_space<semaphore_mem>>) src(%dma_wait3A_25 : memref<10000x128xf32, #tpu.memory_space<hbm>>) dst(%arg10 : memref<128x128xf32, #tpu.memory_space<vmem>>)
      %dma_wait3A_26 = arith.constant 0 : i32
      %dma_wait3A_27 = tpu.memref_slice %arg9[%scan3A_8, %dma_wait3A_26] : memref<40x128xi32, #tpu.memory_space<vmem>> -> memref<1x128xi32, #tpu.memory_space<vmem>>
      %dma_wait3A_28 = tpu.memref_squeeze %dma_wait3A_27 : memref<1x128xi32, #tpu.memory_space<vmem>> -> memref<128xi32, #tpu.memory_space<vmem>>
      %dma_wait3A_29 = arith.constant 0 : i32
      %dma_wait3A_30 = arith.constant 0 : i32
      %dma_wait3A_31 = tpu.memref_slice %arg3[%dma_wait3A_29, %dma_wait3A_30] : memref<10000x128xf32, #tpu.memory_space<hbm>> -> memref<10000x128xf32, #tpu.memory_space<hbm>>
      tpu.wait_indirect_dma semaphore(%arg13 : memref<!tpu.dma_semaphore, #tpu.memory_space<semaphore_mem>>) src(%dma_wait3A_31 : memref<10000x128xf32, #tpu.memory_space<hbm>>) dst(%arg11 : memref<128x128xf32, #tpu.memory_space<vmem>>)
      %mul3A_32 = arith.constant 128 : i32
      %mul3A_33 = arith.muli %add3A_9, %mul3A_32 : i32
      "tpu.region"() ({
        %run_scoped3A = tpu.sem_alloc : memref<!tpu.dma_semaphore, #tpu.memory_space<semaphore_mem>>
        %dma_start3A_36 = arith.constant 0 : i32
        %dma_start3A_37 = tpu.memref_slice %arg6[%mul3A_33, %dma_start3A_36] : memref<163840x128xf32, #tpu.memory_space<hbm>> -> memref<128x128xf32, #tpu.memory_space<hbm>>
        %dma_start3A_38 = arith.constant 0 : i32
        %dma_start3A_39 = tpu.memref_slice %arg6[%mul3A_33, %dma_start3A_38] : memref<163840x128xf32, #tpu.memory_space<hbm>> -> memref<128x128xf32, #tpu.memory_space<hbm>>
        tpu.enqueue_dma source(%arg10 : memref<128x128xf32, #tpu.memory_space<vmem>>) target(%dma_start3A_39 : memref<128x128xf32, #tpu.memory_space<hbm>>) target_semaphore(%run_scoped3A : memref<!tpu.dma_semaphore, #tpu.memory_space<semaphore_mem>>)
        %dma_wait3A_40 = arith.constant 0 : i32
        %dma_wait3A_41 = tpu.memref_slice %arg6[%mul3A_33, %dma_wait3A_40] : memref<163840x128xf32, #tpu.memory_space<hbm>> -> memref<128x128xf32, #tpu.memory_space<hbm>>
        %dma_wait3A_42 = arith.constant 0 : i32
        %dma_wait3A_43 = tpu.memref_slice %arg6[%mul3A_33, %dma_wait3A_42] : memref<163840x128xf32, #tpu.memory_space<hbm>> -> memref<128x128xf32, #tpu.memory_space<hbm>>
        tpu.wait_dma2 semaphore(%run_scoped3A : memref<!tpu.dma_semaphore, #tpu.memory_space<semaphore_mem>>) src(%arg10 : memref<128x128xf32, #tpu.memory_space<vmem>>) dst(%dma_wait3A_43 : memref<128x128xf32, #tpu.memory_space<hbm>>)
        tpu.yield
      }) : () -> ()
      %mul3A_34 = arith.constant 128 : i32
      %mul3A_35 = arith.muli %add3A_9, %mul3A_34 : i32
      "tpu.region"() ({
        %run_scoped3A = tpu.sem_alloc : memref<!tpu.dma_semaphore, #tpu.memory_space<semaphore_mem>>
        %dma_start3A_36 = arith.constant 0 : i32
        %dma_start3A_37 = tpu.memref_slice %arg7[%mul3A_35, %dma_start3A_36] : memref<163840x128xf32, #tpu.memory_space<hbm>> -> memref<128x128xf32, #tpu.memory_space<hbm>>
        %dma_start3A_38 = arith.constant 0 : i32
        %dma_start3A_39 = tpu.memref_slice %arg7[%mul3A_35, %dma_start3A_38] : memref<163840x128xf32, #tpu.memory_space<hbm>> -> memref<128x128xf32, #tpu.memory_space<hbm>>
        tpu.enqueue_dma source(%arg11 : memref<128x128xf32, #tpu.memory_space<vmem>>) target(%dma_start3A_39 : memref<128x128xf32, #tpu.memory_space<hbm>>) target_semaphore(%run_scoped3A : memref<!tpu.dma_semaphore, #tpu.memory_space<semaphore_mem>>)
        %dma_wait3A_40 = arith.constant 0 : i32
        %dma_wait3A_41 = tpu.memref_slice %arg7[%mul3A_35, %dma_wait3A_40] : memref<163840x128xf32, #tpu.memory_space<hbm>> -> memref<128x128xf32, #tpu.memory_space<hbm>>
        %dma_wait3A_42 = arith.constant 0 : i32
        %dma_wait3A_43 = tpu.memref_slice %arg7[%mul3A_35, %dma_wait3A_42] : memref<163840x128xf32, #tpu.memory_space<hbm>> -> memref<128x128xf32, #tpu.memory_space<hbm>>
        tpu.wait_dma2 semaphore(%run_scoped3A : memref<!tpu.dma_semaphore, #tpu.memory_space<semaphore_mem>>) src(%arg11 : memref<128x128xf32, #tpu.memory_space<vmem>>) dst(%dma_wait3A_43 : memref<128x128xf32, #tpu.memory_space<hbm>>)
        tpu.yield
      }) : () -> ()
    }
    %scan3A_7 = arith.constant 40 : i32
    return
  }
}

#map = affine_map<(d0, d1) -> (0, 0)>
#map1 = affine_map<(d0, d1) -> (0, 0, 0)>
module attributes {stable_mosaic.version = 14 : i64} {
  func.func @k(%arg0: i32, %arg1: i32, %arg2: memref<163840x128xf32, #tpu.memory_space<hbm>>, %arg3: memref<1280x128xi32, #tpu.memory_space<hbm>>, %arg4: memref<10112x128xf32, #tpu.memory_space<hbm>>, %arg5: memref<2x10000x128xf32, #tpu.memory_space<hbm>>, %arg6: memref<40x128xi32, #tpu.memory_space<vmem>>, %arg7: memref<128x128xf32, #tpu.memory_space<vmem>>, %arg8: memref<10112x128xf32, #tpu.memory_space<vmem_shared>>) attributes {dimension_semantics = [#tpu.dimension_semantics<core_parallel>, #tpu.dimension_semantics<subcore_parallel>], iteration_bounds = array<i64: 2, 16>, scalar_prefetch = 0 : i64, scratch_operands = 3 : i64, tpu.core_type = #tpu.core_type<sc_vector_subcore>, window_params = [{transform_indices = #map}, {transform_indices = #map}, {transform_indices = #map}, {transform_indices = #map1}]} {
    %mul3A = arith.constant 2 : i32
    %mul3A_0 = arith.muli %arg1, %mul3A : i32
    %add3A = arith.addi %mul3A_0, %arg0 : i32
    %mul3A_1 = arith.constant 40 : i32
    %mul3A_2 = arith.muli %add3A, %mul3A_1 : i32
    %mul3A_3 = arith.constant 632 : i32
    %mul3A_4 = arith.muli %arg1, %mul3A_3 : i32
    %mul3A_5 = arith.constant 632 : i32
    %mul3A_6 = arith.muli %arg1, %mul3A_5 : i32
    "tpu.region"() ({
      %run_scoped3A = tpu.sem_alloc : memref<!tpu.dma_semaphore, #tpu.memory_space<semaphore_mem>>
      %dma_start3A = arith.constant 0 : i32
      %dma_start3A_19 = tpu.memref_slice %arg8[%mul3A_6, %dma_start3A] : memref<10112x128xf32, #tpu.memory_space<vmem_shared>> -> memref<632x128xf32, #tpu.memory_space<vmem_shared>>
      %dma_start3A_20 = arith.constant 0 : i32
      %dma_start3A_21 = tpu.memref_slice %arg4[%mul3A_4, %dma_start3A_20] : memref<10112x128xf32, #tpu.memory_space<hbm>> -> memref<632x128xf32, #tpu.memory_space<hbm>>
      tpu.enqueue_dma source(%dma_start3A_21 : memref<632x128xf32, #tpu.memory_space<hbm>>) target(%dma_start3A_19 : memref<632x128xf32, #tpu.memory_space<vmem_shared>>) target_semaphore(%run_scoped3A : memref<!tpu.dma_semaphore, #tpu.memory_space<semaphore_mem>>)
      %dma_wait3A = arith.constant 0 : i32
      %dma_wait3A_22 = tpu.memref_slice %arg8[%mul3A_6, %dma_wait3A] : memref<10112x128xf32, #tpu.memory_space<vmem_shared>> -> memref<632x128xf32, #tpu.memory_space<vmem_shared>>
      %dma_wait3A_23 = arith.constant 0 : i32
      %dma_wait3A_24 = tpu.memref_slice %arg4[%mul3A_4, %dma_wait3A_23] : memref<10112x128xf32, #tpu.memory_space<hbm>> -> memref<632x128xf32, #tpu.memory_space<hbm>>
      tpu.wait_dma2 semaphore(%run_scoped3A : memref<!tpu.dma_semaphore, #tpu.memory_space<semaphore_mem>>) src(%dma_wait3A_24 : memref<632x128xf32, #tpu.memory_space<hbm>>) dst(%dma_wait3A_22 : memref<632x128xf32, #tpu.memory_space<vmem_shared>>)
      tpu.yield
    }) : () -> ()
    "tpu.region"() ({
      %run_scoped3A = tpu.sem_alloc : memref<!tpu.dma_semaphore, #tpu.memory_space<semaphore_mem>>
      %dma_start3A = arith.constant 0 : i32
      %dma_start3A_19 = tpu.memref_slice %arg3[%mul3A_2, %dma_start3A] : memref<1280x128xi32, #tpu.memory_space<hbm>> -> memref<40x128xi32, #tpu.memory_space<hbm>>
      %dma_start3A_20 = arith.constant 0 : i32
      %dma_start3A_21 = tpu.memref_slice %arg3[%mul3A_2, %dma_start3A_20] : memref<1280x128xi32, #tpu.memory_space<hbm>> -> memref<40x128xi32, #tpu.memory_space<hbm>>
      tpu.enqueue_dma source(%dma_start3A_21 : memref<40x128xi32, #tpu.memory_space<hbm>>) target(%arg6 : memref<40x128xi32, #tpu.memory_space<vmem>>) target_semaphore(%run_scoped3A : memref<!tpu.dma_semaphore, #tpu.memory_space<semaphore_mem>>)
      %dma_wait3A = arith.constant 0 : i32
      %dma_wait3A_22 = tpu.memref_slice %arg3[%mul3A_2, %dma_wait3A] : memref<1280x128xi32, #tpu.memory_space<hbm>> -> memref<40x128xi32, #tpu.memory_space<hbm>>
      %dma_wait3A_23 = arith.constant 0 : i32
      %dma_wait3A_24 = tpu.memref_slice %arg3[%mul3A_2, %dma_wait3A_23] : memref<1280x128xi32, #tpu.memory_space<hbm>> -> memref<40x128xi32, #tpu.memory_space<hbm>>
      tpu.wait_dma2 semaphore(%run_scoped3A : memref<!tpu.dma_semaphore, #tpu.memory_space<semaphore_mem>>) src(%dma_wait3A_24 : memref<40x128xi32, #tpu.memory_space<hbm>>) dst(%arg6 : memref<40x128xi32, #tpu.memory_space<vmem>>)
      tpu.yield
    }) : () -> ()
    %barrier3A = arith.constant 0 : index
    tpu.barrier barrier_id(%barrier3A)
    %scan3A = arith.constant 0 : i32
    %scan3A_7 = arith.constant 0 : i32
    %scan3A_8 = arith.constant 40 : i32
    %scan3A_9 = arith.addi %scan3A_7, %scan3A_8 : i32
    %scan3A_10 = arith.constant 1 : i32
    scf.for %scan3A_19 = %scan3A_7 to %scan3A_9 step %scan3A_10  : i32 {
      %add3A_20 = arith.addi %mul3A_2, %scan3A_19 : i32
      %mul3A_21 = arith.constant 128 : i32
      %mul3A_22 = arith.muli %add3A_20, %mul3A_21 : i32
      "tpu.region"() ({
        %run_scoped3A = tpu.sem_alloc : memref<!tpu.dma_semaphore, #tpu.memory_space<semaphore_mem>>
        %dma_start3A = arith.constant 0 : i32
        %dma_start3A_23 = tpu.memref_slice %arg2[%mul3A_22, %dma_start3A] : memref<163840x128xf32, #tpu.memory_space<hbm>> -> memref<128x128xf32, #tpu.memory_space<hbm>>
        %dma_start3A_24 = arith.constant 0 : i32
        %dma_start3A_25 = tpu.memref_slice %arg2[%mul3A_22, %dma_start3A_24] : memref<163840x128xf32, #tpu.memory_space<hbm>> -> memref<128x128xf32, #tpu.memory_space<hbm>>
        tpu.enqueue_dma source(%dma_start3A_25 : memref<128x128xf32, #tpu.memory_space<hbm>>) target(%arg7 : memref<128x128xf32, #tpu.memory_space<vmem>>) target_semaphore(%run_scoped3A : memref<!tpu.dma_semaphore, #tpu.memory_space<semaphore_mem>>)
        %dma_wait3A = arith.constant 0 : i32
        %dma_wait3A_26 = tpu.memref_slice %arg2[%mul3A_22, %dma_wait3A] : memref<163840x128xf32, #tpu.memory_space<hbm>> -> memref<128x128xf32, #tpu.memory_space<hbm>>
        %dma_wait3A_27 = arith.constant 0 : i32
        %dma_wait3A_28 = tpu.memref_slice %arg2[%mul3A_22, %dma_wait3A_27] : memref<163840x128xf32, #tpu.memory_space<hbm>> -> memref<128x128xf32, #tpu.memory_space<hbm>>
        tpu.wait_dma2 semaphore(%run_scoped3A : memref<!tpu.dma_semaphore, #tpu.memory_space<semaphore_mem>>) src(%dma_wait3A_28 : memref<128x128xf32, #tpu.memory_space<hbm>>) dst(%arg7 : memref<128x128xf32, #tpu.memory_space<vmem>>)
        tpu.yield
      }) : () -> ()
      "tpu.region"() ({
        %run_scoped3A = tpu.sem_alloc : memref<!tpu.dma_semaphore, #tpu.memory_space<semaphore_mem>>
        %dma_start3A = arith.constant 0 : i32
        %dma_start3A_23 = tpu.memref_slice %arg6[%scan3A_19, %dma_start3A] : memref<40x128xi32, #tpu.memory_space<vmem>> -> memref<1x128xi32, #tpu.memory_space<vmem>>
        %dma_start3A_24 = tpu.memref_squeeze %dma_start3A_23 : memref<1x128xi32, #tpu.memory_space<vmem>> -> memref<128xi32, #tpu.memory_space<vmem>>
        %dma_start3A_25 = arith.constant 0 : i32
        %dma_start3A_26 = arith.constant 0 : i32
        %dma_start3A_27 = tpu.memref_slice %arg8[%dma_start3A_25, %dma_start3A_26] : memref<10112x128xf32, #tpu.memory_space<vmem_shared>> -> memref<10112x128xf32, #tpu.memory_space<vmem_shared>>
        tpu.enqueue_indirect_dma source(%arg7 : memref<128x128xf32, #tpu.memory_space<vmem>>) target(%dma_start3A_27 : memref<10112x128xf32, #tpu.memory_space<vmem_shared>>) offsets(%dma_start3A_24 : memref<128xi32, #tpu.memory_space<vmem>>) semaphore(%run_scoped3A : memref<!tpu.dma_semaphore, #tpu.memory_space<semaphore_mem>>) {add = true}
        %dma_wait3A = arith.constant 0 : i32
        %dma_wait3A_28 = tpu.memref_slice %arg6[%scan3A_19, %dma_wait3A] : memref<40x128xi32, #tpu.memory_space<vmem>> -> memref<1x128xi32, #tpu.memory_space<vmem>>
        %dma_wait3A_29 = tpu.memref_squeeze %dma_wait3A_28 : memref<1x128xi32, #tpu.memory_space<vmem>> -> memref<128xi32, #tpu.memory_space<vmem>>
        %dma_wait3A_30 = arith.constant 0 : i32
        %dma_wait3A_31 = arith.constant 0 : i32
        %dma_wait3A_32 = tpu.memref_slice %arg8[%dma_wait3A_30, %dma_wait3A_31] : memref<10112x128xf32, #tpu.memory_space<vmem_shared>> -> memref<10112x128xf32, #tpu.memory_space<vmem_shared>>
        tpu.wait_indirect_dma semaphore(%run_scoped3A : memref<!tpu.dma_semaphore, #tpu.memory_space<semaphore_mem>>) src(%arg7 : memref<128x128xf32, #tpu.memory_space<vmem>>) dst(%dma_wait3A_32 : memref<10112x128xf32, #tpu.memory_space<vmem_shared>>)
        tpu.yield
      }) : () -> ()
    }
    %scan3A_11 = arith.constant 40 : i32
    %barrier3A_12 = arith.constant 0 : index
    tpu.barrier barrier_id(%barrier3A_12)
    %mul3A_13 = arith.constant 624 : i32
    %mul3A_14 = arith.muli %arg1, %mul3A_13 : i32
    %mul3A_15 = arith.constant 624 : i32
    %mul3A_16 = arith.muli %arg1, %mul3A_15 : i32
    "tpu.region"() ({
      %run_scoped3A = tpu.sem_alloc : memref<!tpu.dma_semaphore, #tpu.memory_space<semaphore_mem>>
      %dma_start3A = arith.constant 0 : i32
      %dma_start3A_19 = arith.constant 0 : i32
      %dma_start3A_20 = tpu.memref_slice %arg5[%arg0, %dma_start3A, %dma_start3A_19] : memref<2x10000x128xf32, #tpu.memory_space<hbm>> -> memref<1x10000x128xf32, #tpu.memory_space<hbm>>
      %dma_start3A_21 = tpu.memref_squeeze %dma_start3A_20 : memref<1x10000x128xf32, #tpu.memory_space<hbm>> -> memref<10000x128xf32, #tpu.memory_space<hbm>>
      %dma_start3A_22 = arith.constant 0 : i32
      %dma_start3A_23 = tpu.memref_slice %dma_start3A_21[%mul3A_16, %dma_start3A_22] : memref<10000x128xf32, #tpu.memory_space<hbm>> -> memref<624x128xf32, #tpu.memory_space<hbm>>
      %dma_start3A_24 = arith.constant 0 : i32
      %dma_start3A_25 = tpu.memref_slice %arg8[%mul3A_14, %dma_start3A_24] : memref<10112x128xf32, #tpu.memory_space<vmem_shared>> -> memref<624x128xf32, #tpu.memory_space<vmem_shared>>
      tpu.enqueue_dma source(%dma_start3A_25 : memref<624x128xf32, #tpu.memory_space<vmem_shared>>) target(%dma_start3A_23 : memref<624x128xf32, #tpu.memory_space<hbm>>) target_semaphore(%run_scoped3A : memref<!tpu.dma_semaphore, #tpu.memory_space<semaphore_mem>>)
      %dma_wait3A = arith.constant 0 : i32
      %dma_wait3A_26 = arith.constant 0 : i32
      %dma_wait3A_27 = tpu.memref_slice %arg5[%arg0, %dma_wait3A, %dma_wait3A_26] : memref<2x10000x128xf32, #tpu.memory_space<hbm>> -> memref<1x10000x128xf32, #tpu.memory_space<hbm>>
      %dma_wait3A_28 = tpu.memref_squeeze %dma_wait3A_27 : memref<1x10000x128xf32, #tpu.memory_space<hbm>> -> memref<10000x128xf32, #tpu.memory_space<hbm>>
      %dma_wait3A_29 = arith.constant 0 : i32
      %dma_wait3A_30 = tpu.memref_slice %dma_wait3A_28[%mul3A_16, %dma_wait3A_29] : memref<10000x128xf32, #tpu.memory_space<hbm>> -> memref<624x128xf32, #tpu.memory_space<hbm>>
      %dma_wait3A_31 = arith.constant 0 : i32
      %dma_wait3A_32 = tpu.memref_slice %arg8[%mul3A_14, %dma_wait3A_31] : memref<10112x128xf32, #tpu.memory_space<vmem_shared>> -> memref<624x128xf32, #tpu.memory_space<vmem_shared>>
      tpu.wait_dma2 semaphore(%run_scoped3A : memref<!tpu.dma_semaphore, #tpu.memory_space<semaphore_mem>>) src(%dma_wait3A_32 : memref<624x128xf32, #tpu.memory_space<vmem_shared>>) dst(%dma_wait3A_30 : memref<624x128xf32, #tpu.memory_space<hbm>>)
      tpu.yield
    }) : () -> ()
    %eq3A = arith.constant 15 : i32
    %eq3A_17 = arith.cmpi eq, %arg1, %eq3A : i32
    %convert_element_type3A = arith.extui %eq3A_17 : i1 to i32
    %cond3A = arith.constant 0 : i32
    %cond3A_18 = arith.cmpi ne, %convert_element_type3A, %cond3A : i32
    scf.if %cond3A_18 {
      "tpu.region"() ({
        %run_scoped3A = tpu.sem_alloc : memref<!tpu.dma_semaphore, #tpu.memory_space<semaphore_mem>>
        %dma_start3A = arith.constant 0 : i32
        %dma_start3A_19 = arith.constant 0 : i32
        %dma_start3A_20 = tpu.memref_slice %arg5[%arg0, %dma_start3A, %dma_start3A_19] : memref<2x10000x128xf32, #tpu.memory_space<hbm>> -> memref<1x10000x128xf32, #tpu.memory_space<hbm>>
        %dma_start3A_21 = tpu.memref_squeeze %dma_start3A_20 : memref<1x10000x128xf32, #tpu.memory_space<hbm>> -> memref<10000x128xf32, #tpu.memory_space<hbm>>
        %dma_start3A_22 = arith.constant 9984 : i32
        %dma_start3A_23 = arith.constant 0 : i32
        %dma_start3A_24 = tpu.memref_slice %dma_start3A_21[%dma_start3A_22, %dma_start3A_23] : memref<10000x128xf32, #tpu.memory_space<hbm>> -> memref<16x128xf32, #tpu.memory_space<hbm>>
        %dma_start3A_25 = arith.constant 9984 : i32
        %dma_start3A_26 = arith.constant 0 : i32
        %dma_start3A_27 = tpu.memref_slice %arg8[%dma_start3A_25, %dma_start3A_26] : memref<10112x128xf32, #tpu.memory_space<vmem_shared>> -> memref<16x128xf32, #tpu.memory_space<vmem_shared>>
        tpu.enqueue_dma source(%dma_start3A_27 : memref<16x128xf32, #tpu.memory_space<vmem_shared>>) target(%dma_start3A_24 : memref<16x128xf32, #tpu.memory_space<hbm>>) target_semaphore(%run_scoped3A : memref<!tpu.dma_semaphore, #tpu.memory_space<semaphore_mem>>)
        %dma_wait3A = arith.constant 0 : i32
        %dma_wait3A_28 = arith.constant 0 : i32
        %dma_wait3A_29 = tpu.memref_slice %arg5[%arg0, %dma_wait3A, %dma_wait3A_28] : memref<2x10000x128xf32, #tpu.memory_space<hbm>> -> memref<1x10000x128xf32, #tpu.memory_space<hbm>>
        %dma_wait3A_30 = tpu.memref_squeeze %dma_wait3A_29 : memref<1x10000x128xf32, #tpu.memory_space<hbm>> -> memref<10000x128xf32, #tpu.memory_space<hbm>>
        %dma_wait3A_31 = arith.constant 9984 : i32
        %dma_wait3A_32 = arith.constant 0 : i32
        %dma_wait3A_33 = tpu.memref_slice %dma_wait3A_30[%dma_wait3A_31, %dma_wait3A_32] : memref<10000x128xf32, #tpu.memory_space<hbm>> -> memref<16x128xf32, #tpu.memory_space<hbm>>
        %dma_wait3A_34 = arith.constant 9984 : i32
        %dma_wait3A_35 = arith.constant 0 : i32
        %dma_wait3A_36 = tpu.memref_slice %arg8[%dma_wait3A_34, %dma_wait3A_35] : memref<10112x128xf32, #tpu.memory_space<vmem_shared>> -> memref<16x128xf32, #tpu.memory_space<vmem_shared>>
        tpu.wait_dma2 semaphore(%run_scoped3A : memref<!tpu.dma_semaphore, #tpu.memory_space<semaphore_mem>>) src(%dma_wait3A_36 : memref<16x128xf32, #tpu.memory_space<vmem_shared>>) dst(%dma_wait3A_33 : memref<16x128xf32, #tpu.memory_space<hbm>>)
        tpu.yield
      }) : () -> ()
    } else {
    }
    return
  }
}

#map = affine_map<(d0, d1) -> (0, 0)>
module attributes {stable_mosaic.version = 14 : i64} {
  func.func @k(%arg0: i32, %arg1: i32, %arg2: memref<10000x128xf32, #tpu.memory_space<hbm>>, %arg3: memref<10000x128xf32, #tpu.memory_space<hbm>>, %arg4: memref<10000x16xf32, #tpu.memory_space<hbm>>, %arg5: memref<1280x128xi32, #tpu.memory_space<hbm>>, %arg6: memref<1280x128xi32, #tpu.memory_space<hbm>>, %arg7: memref<163840x128xf32, #tpu.memory_space<hbm>>, %arg8: memref<163840x128xf32, #tpu.memory_space<hbm>>, %arg9: memref<163840x16xf32, #tpu.memory_space<hbm>>, %arg10: memref<163840x16xf32, #tpu.memory_space<hbm>>, %arg11: memref<40x128xi32, #tpu.memory_space<vmem>>, %arg12: memref<40x128xi32, #tpu.memory_space<vmem>>, %arg13: memref<128x128xf32, #tpu.memory_space<vmem>>, %arg14: memref<128x128xf32, #tpu.memory_space<vmem>>, %arg15: memref<128x16xf32, #tpu.memory_space<vmem>>, %arg16: memref<128x16xf32, #tpu.memory_space<vmem>>, %arg17: memref<!tpu.dma_semaphore, #tpu.memory_space<semaphore_mem>>, %arg18: memref<!tpu.dma_semaphore, #tpu.memory_space<semaphore_mem>>) attributes {dimension_semantics = [#tpu.dimension_semantics<core_parallel>, #tpu.dimension_semantics<subcore_parallel>], iteration_bounds = array<i64: 2, 16>, scalar_prefetch = 0 : i64, scratch_operands = 8 : i64, tpu.core_type = #tpu.core_type<sc_vector_subcore>, window_params = [{transform_indices = #map}, {transform_indices = #map}, {transform_indices = #map}, {transform_indices = #map}, {transform_indices = #map}, {transform_indices = #map}, {transform_indices = #map}, {transform_indices = #map}, {transform_indices = #map}]} {
    %mul3A = arith.constant 2 : i32
    %mul3A_0 = arith.muli %arg1, %mul3A : i32
    %add3A = arith.addi %mul3A_0, %arg0 : i32
    %mul3A_1 = arith.constant 40 : i32
    %mul3A_2 = arith.muli %add3A, %mul3A_1 : i32
    "tpu.region"() ({
      %run_scoped3A = tpu.sem_alloc : memref<!tpu.dma_semaphore, #tpu.memory_space<semaphore_mem>>
      %dma_start3A = arith.constant 0 : i32
      %dma_start3A_8 = tpu.memref_slice %arg5[%mul3A_2, %dma_start3A] : memref<1280x128xi32, #tpu.memory_space<hbm>> -> memref<40x128xi32, #tpu.memory_space<hbm>>
      %dma_start3A_9 = arith.constant 0 : i32
      %dma_start3A_10 = tpu.memref_slice %arg5[%mul3A_2, %dma_start3A_9] : memref<1280x128xi32, #tpu.memory_space<hbm>> -> memref<40x128xi32, #tpu.memory_space<hbm>>
      tpu.enqueue_dma source(%dma_start3A_10 : memref<40x128xi32, #tpu.memory_space<hbm>>) target(%arg11 : memref<40x128xi32, #tpu.memory_space<vmem>>) target_semaphore(%run_scoped3A : memref<!tpu.dma_semaphore, #tpu.memory_space<semaphore_mem>>)
      %dma_wait3A = arith.constant 0 : i32
      %dma_wait3A_11 = tpu.memref_slice %arg5[%mul3A_2, %dma_wait3A] : memref<1280x128xi32, #tpu.memory_space<hbm>> -> memref<40x128xi32, #tpu.memory_space<hbm>>
      %dma_wait3A_12 = arith.constant 0 : i32
      %dma_wait3A_13 = tpu.memref_slice %arg5[%mul3A_2, %dma_wait3A_12] : memref<1280x128xi32, #tpu.memory_space<hbm>> -> memref<40x128xi32, #tpu.memory_space<hbm>>
      tpu.wait_dma2 semaphore(%run_scoped3A : memref<!tpu.dma_semaphore, #tpu.memory_space<semaphore_mem>>) src(%dma_wait3A_13 : memref<40x128xi32, #tpu.memory_space<hbm>>) dst(%arg11 : memref<40x128xi32, #tpu.memory_space<vmem>>)
      tpu.yield
    }) : () -> ()
    "tpu.region"() ({
      %run_scoped3A = tpu.sem_alloc : memref<!tpu.dma_semaphore, #tpu.memory_space<semaphore_mem>>
      %dma_start3A = arith.constant 0 : i32
      %dma_start3A_8 = tpu.memref_slice %arg6[%mul3A_2, %dma_start3A] : memref<1280x128xi32, #tpu.memory_space<hbm>> -> memref<40x128xi32, #tpu.memory_space<hbm>>
      %dma_start3A_9 = arith.constant 0 : i32
      %dma_start3A_10 = tpu.memref_slice %arg6[%mul3A_2, %dma_start3A_9] : memref<1280x128xi32, #tpu.memory_space<hbm>> -> memref<40x128xi32, #tpu.memory_space<hbm>>
      tpu.enqueue_dma source(%dma_start3A_10 : memref<40x128xi32, #tpu.memory_space<hbm>>) target(%arg12 : memref<40x128xi32, #tpu.memory_space<vmem>>) target_semaphore(%run_scoped3A : memref<!tpu.dma_semaphore, #tpu.memory_space<semaphore_mem>>)
      %dma_wait3A = arith.constant 0 : i32
      %dma_wait3A_11 = tpu.memref_slice %arg6[%mul3A_2, %dma_wait3A] : memref<1280x128xi32, #tpu.memory_space<hbm>> -> memref<40x128xi32, #tpu.memory_space<hbm>>
      %dma_wait3A_12 = arith.constant 0 : i32
      %dma_wait3A_13 = tpu.memref_slice %arg6[%mul3A_2, %dma_wait3A_12] : memref<1280x128xi32, #tpu.memory_space<hbm>> -> memref<40x128xi32, #tpu.memory_space<hbm>>
      tpu.wait_dma2 semaphore(%run_scoped3A : memref<!tpu.dma_semaphore, #tpu.memory_space<semaphore_mem>>) src(%dma_wait3A_13 : memref<40x128xi32, #tpu.memory_space<hbm>>) dst(%arg12 : memref<40x128xi32, #tpu.memory_space<vmem>>)
      tpu.yield
    }) : () -> ()
    %scan3A = arith.constant 0 : i32
    %scan3A_3 = arith.constant 0 : i32
    %scan3A_4 = arith.constant 40 : i32
    %scan3A_5 = arith.addi %scan3A_3, %scan3A_4 : i32
    %scan3A_6 = arith.constant 1 : i32
    scf.for %scan3A_8 = %scan3A_3 to %scan3A_5 step %scan3A_6  : i32 {
      %add3A_9 = arith.addi %mul3A_2, %scan3A_8 : i32
      %dma_start3A = arith.constant 0 : i32
      %dma_start3A_10 = tpu.memref_slice %arg11[%scan3A_8, %dma_start3A] : memref<40x128xi32, #tpu.memory_space<vmem>> -> memref<1x128xi32, #tpu.memory_space<vmem>>
      %dma_start3A_11 = tpu.memref_squeeze %dma_start3A_10 : memref<1x128xi32, #tpu.memory_space<vmem>> -> memref<128xi32, #tpu.memory_space<vmem>>
      %dma_start3A_12 = arith.constant 0 : i32
      %dma_start3A_13 = arith.constant 0 : i32
      %dma_start3A_14 = tpu.memref_slice %arg2[%dma_start3A_12, %dma_start3A_13] : memref<10000x128xf32, #tpu.memory_space<hbm>> -> memref<10000x128xf32, #tpu.memory_space<hbm>>
      tpu.enqueue_indirect_dma source(%dma_start3A_14 : memref<10000x128xf32, #tpu.memory_space<hbm>>) target(%arg13 : memref<128x128xf32, #tpu.memory_space<vmem>>) offsets(%dma_start3A_11 : memref<128xi32, #tpu.memory_space<vmem>>) semaphore(%arg17 : memref<!tpu.dma_semaphore, #tpu.memory_space<semaphore_mem>>)
      %dma_start3A_15 = arith.constant 0 : i32
      %dma_start3A_16 = tpu.memref_slice %arg12[%scan3A_8, %dma_start3A_15] : memref<40x128xi32, #tpu.memory_space<vmem>> -> memref<1x128xi32, #tpu.memory_space<vmem>>
      %dma_start3A_17 = tpu.memref_squeeze %dma_start3A_16 : memref<1x128xi32, #tpu.memory_space<vmem>> -> memref<128xi32, #tpu.memory_space<vmem>>
      %dma_start3A_18 = arith.constant 0 : i32
      %dma_start3A_19 = arith.constant 0 : i32
      %dma_start3A_20 = tpu.memref_slice %arg3[%dma_start3A_18, %dma_start3A_19] : memref<10000x128xf32, #tpu.memory_space<hbm>> -> memref<10000x128xf32, #tpu.memory_space<hbm>>
      tpu.enqueue_indirect_dma source(%dma_start3A_20 : memref<10000x128xf32, #tpu.memory_space<hbm>>) target(%arg14 : memref<128x128xf32, #tpu.memory_space<vmem>>) offsets(%dma_start3A_17 : memref<128xi32, #tpu.memory_space<vmem>>) semaphore(%arg18 : memref<!tpu.dma_semaphore, #tpu.memory_space<semaphore_mem>>)
      %dma_start3A_21 = arith.constant 0 : i32
      %dma_start3A_22 = tpu.memref_slice %arg11[%scan3A_8, %dma_start3A_21] : memref<40x128xi32, #tpu.memory_space<vmem>> -> memref<1x128xi32, #tpu.memory_space<vmem>>
      %dma_start3A_23 = tpu.memref_squeeze %dma_start3A_22 : memref<1x128xi32, #tpu.memory_space<vmem>> -> memref<128xi32, #tpu.memory_space<vmem>>
      %dma_start3A_24 = arith.constant 0 : i32
      %dma_start3A_25 = arith.constant 0 : i32
      %dma_start3A_26 = tpu.memref_slice %arg4[%dma_start3A_24, %dma_start3A_25] : memref<10000x16xf32, #tpu.memory_space<hbm>> -> memref<10000x16xf32, #tpu.memory_space<hbm>>
      tpu.enqueue_indirect_dma source(%dma_start3A_26 : memref<10000x16xf32, #tpu.memory_space<hbm>>) target(%arg15 : memref<128x16xf32, #tpu.memory_space<vmem>>) offsets(%dma_start3A_23 : memref<128xi32, #tpu.memory_space<vmem>>) semaphore(%arg17 : memref<!tpu.dma_semaphore, #tpu.memory_space<semaphore_mem>>)
      %dma_start3A_27 = arith.constant 0 : i32
      %dma_start3A_28 = tpu.memref_slice %arg12[%scan3A_8, %dma_start3A_27] : memref<40x128xi32, #tpu.memory_space<vmem>> -> memref<1x128xi32, #tpu.memory_space<vmem>>
      %dma_start3A_29 = tpu.memref_squeeze %dma_start3A_28 : memref<1x128xi32, #tpu.memory_space<vmem>> -> memref<128xi32, #tpu.memory_space<vmem>>
      %dma_start3A_30 = arith.constant 0 : i32
      %dma_start3A_31 = arith.constant 0 : i32
      %dma_start3A_32 = tpu.memref_slice %arg4[%dma_start3A_30, %dma_start3A_31] : memref<10000x16xf32, #tpu.memory_space<hbm>> -> memref<10000x16xf32, #tpu.memory_space<hbm>>
      tpu.enqueue_indirect_dma source(%dma_start3A_32 : memref<10000x16xf32, #tpu.memory_space<hbm>>) target(%arg16 : memref<128x16xf32, #tpu.memory_space<vmem>>) offsets(%dma_start3A_29 : memref<128xi32, #tpu.memory_space<vmem>>) semaphore(%arg18 : memref<!tpu.dma_semaphore, #tpu.memory_space<semaphore_mem>>)
      %dma_wait3A = arith.constant 0 : i32
      %dma_wait3A_33 = tpu.memref_slice %arg11[%scan3A_8, %dma_wait3A] : memref<40x128xi32, #tpu.memory_space<vmem>> -> memref<1x128xi32, #tpu.memory_space<vmem>>
      %dma_wait3A_34 = tpu.memref_squeeze %dma_wait3A_33 : memref<1x128xi32, #tpu.memory_space<vmem>> -> memref<128xi32, #tpu.memory_space<vmem>>
      %dma_wait3A_35 = arith.constant 0 : i32
      %dma_wait3A_36 = arith.constant 0 : i32
      %dma_wait3A_37 = tpu.memref_slice %arg2[%dma_wait3A_35, %dma_wait3A_36] : memref<10000x128xf32, #tpu.memory_space<hbm>> -> memref<10000x128xf32, #tpu.memory_space<hbm>>
      tpu.wait_indirect_dma semaphore(%arg17 : memref<!tpu.dma_semaphore, #tpu.memory_space<semaphore_mem>>) src(%dma_wait3A_37 : memref<10000x128xf32, #tpu.memory_space<hbm>>) dst(%arg13 : memref<128x128xf32, #tpu.memory_space<vmem>>)
      %dma_wait3A_38 = arith.constant 0 : i32
      %dma_wait3A_39 = tpu.memref_slice %arg12[%scan3A_8, %dma_wait3A_38] : memref<40x128xi32, #tpu.memory_space<vmem>> -> memref<1x128xi32, #tpu.memory_space<vmem>>
      %dma_wait3A_40 = tpu.memref_squeeze %dma_wait3A_39 : memref<1x128xi32, #tpu.memory_space<vmem>> -> memref<128xi32, #tpu.memory_space<vmem>>
      %dma_wait3A_41 = arith.constant 0 : i32
      %dma_wait3A_42 = arith.constant 0 : i32
      %dma_wait3A_43 = tpu.memref_slice %arg3[%dma_wait3A_41, %dma_wait3A_42] : memref<10000x128xf32, #tpu.memory_space<hbm>> -> memref<10000x128xf32, #tpu.memory_space<hbm>>
      tpu.wait_indirect_dma semaphore(%arg18 : memref<!tpu.dma_semaphore, #tpu.memory_space<semaphore_mem>>) src(%dma_wait3A_43 : memref<10000x128xf32, #tpu.memory_space<hbm>>) dst(%arg14 : memref<128x128xf32, #tpu.memory_space<vmem>>)
      %dma_wait3A_44 = arith.constant 0 : i32
      %dma_wait3A_45 = tpu.memref_slice %arg11[%scan3A_8, %dma_wait3A_44] : memref<40x128xi32, #tpu.memory_space<vmem>> -> memref<1x128xi32, #tpu.memory_space<vmem>>
      %dma_wait3A_46 = tpu.memref_squeeze %dma_wait3A_45 : memref<1x128xi32, #tpu.memory_space<vmem>> -> memref<128xi32, #tpu.memory_space<vmem>>
      %dma_wait3A_47 = arith.constant 0 : i32
      %dma_wait3A_48 = arith.constant 0 : i32
      %dma_wait3A_49 = tpu.memref_slice %arg4[%dma_wait3A_47, %dma_wait3A_48] : memref<10000x16xf32, #tpu.memory_space<hbm>> -> memref<10000x16xf32, #tpu.memory_space<hbm>>
      tpu.wait_indirect_dma semaphore(%arg17 : memref<!tpu.dma_semaphore, #tpu.memory_space<semaphore_mem>>) src(%dma_wait3A_49 : memref<10000x16xf32, #tpu.memory_space<hbm>>) dst(%arg15 : memref<128x16xf32, #tpu.memory_space<vmem>>)
      %dma_wait3A_50 = arith.constant 0 : i32
      %dma_wait3A_51 = tpu.memref_slice %arg12[%scan3A_8, %dma_wait3A_50] : memref<40x128xi32, #tpu.memory_space<vmem>> -> memref<1x128xi32, #tpu.memory_space<vmem>>
      %dma_wait3A_52 = tpu.memref_squeeze %dma_wait3A_51 : memref<1x128xi32, #tpu.memory_space<vmem>> -> memref<128xi32, #tpu.memory_space<vmem>>
      %dma_wait3A_53 = arith.constant 0 : i32
      %dma_wait3A_54 = arith.constant 0 : i32
      %dma_wait3A_55 = tpu.memref_slice %arg4[%dma_wait3A_53, %dma_wait3A_54] : memref<10000x16xf32, #tpu.memory_space<hbm>> -> memref<10000x16xf32, #tpu.memory_space<hbm>>
      tpu.wait_indirect_dma semaphore(%arg18 : memref<!tpu.dma_semaphore, #tpu.memory_space<semaphore_mem>>) src(%dma_wait3A_55 : memref<10000x16xf32, #tpu.memory_space<hbm>>) dst(%arg16 : memref<128x16xf32, #tpu.memory_space<vmem>>)
      %mul3A_56 = arith.constant 128 : i32
      %mul3A_57 = arith.muli %add3A_9, %mul3A_56 : i32
      "tpu.region"() ({
        %run_scoped3A = tpu.sem_alloc : memref<!tpu.dma_semaphore, #tpu.memory_space<semaphore_mem>>
        %dma_start3A_64 = arith.constant 0 : i32
        %dma_start3A_65 = tpu.memref_slice %arg7[%mul3A_57, %dma_start3A_64] : memref<163840x128xf32, #tpu.memory_space<hbm>> -> memref<128x128xf32, #tpu.memory_space<hbm>>
        %dma_start3A_66 = arith.constant 0 : i32
        %dma_start3A_67 = tpu.memref_slice %arg7[%mul3A_57, %dma_start3A_66] : memref<163840x128xf32, #tpu.memory_space<hbm>> -> memref<128x128xf32, #tpu.memory_space<hbm>>
        tpu.enqueue_dma source(%arg13 : memref<128x128xf32, #tpu.memory_space<vmem>>) target(%dma_start3A_67 : memref<128x128xf32, #tpu.memory_space<hbm>>) target_semaphore(%run_scoped3A : memref<!tpu.dma_semaphore, #tpu.memory_space<semaphore_mem>>)
        %dma_wait3A_68 = arith.constant 0 : i32
        %dma_wait3A_69 = tpu.memref_slice %arg7[%mul3A_57, %dma_wait3A_68] : memref<163840x128xf32, #tpu.memory_space<hbm>> -> memref<128x128xf32, #tpu.memory_space<hbm>>
        %dma_wait3A_70 = arith.constant 0 : i32
        %dma_wait3A_71 = tpu.memref_slice %arg7[%mul3A_57, %dma_wait3A_70] : memref<163840x128xf32, #tpu.memory_space<hbm>> -> memref<128x128xf32, #tpu.memory_space<hbm>>
        tpu.wait_dma2 semaphore(%run_scoped3A : memref<!tpu.dma_semaphore, #tpu.memory_space<semaphore_mem>>) src(%arg13 : memref<128x128xf32, #tpu.memory_space<vmem>>) dst(%dma_wait3A_71 : memref<128x128xf32, #tpu.memory_space<hbm>>)
        tpu.yield
      }) : () -> ()
      %mul3A_58 = arith.constant 128 : i32
      %mul3A_59 = arith.muli %add3A_9, %mul3A_58 : i32
      "tpu.region"() ({
        %run_scoped3A = tpu.sem_alloc : memref<!tpu.dma_semaphore, #tpu.memory_space<semaphore_mem>>
        %dma_start3A_64 = arith.constant 0 : i32
        %dma_start3A_65 = tpu.memref_slice %arg8[%mul3A_59, %dma_start3A_64] : memref<163840x128xf32, #tpu.memory_space<hbm>> -> memref<128x128xf32, #tpu.memory_space<hbm>>
        %dma_start3A_66 = arith.constant 0 : i32
        %dma_start3A_67 = tpu.memref_slice %arg8[%mul3A_59, %dma_start3A_66] : memref<163840x128xf32, #tpu.memory_space<hbm>> -> memref<128x128xf32, #tpu.memory_space<hbm>>
        tpu.enqueue_dma source(%arg14 : memref<128x128xf32, #tpu.memory_space<vmem>>) target(%dma_start3A_67 : memref<128x128xf32, #tpu.memory_space<hbm>>) target_semaphore(%run_scoped3A : memref<!tpu.dma_semaphore, #tpu.memory_space<semaphore_mem>>)
        %dma_wait3A_68 = arith.constant 0 : i32
        %dma_wait3A_69 = tpu.memref_slice %arg8[%mul3A_59, %dma_wait3A_68] : memref<163840x128xf32, #tpu.memory_space<hbm>> -> memref<128x128xf32, #tpu.memory_space<hbm>>
        %dma_wait3A_70 = arith.constant 0 : i32
        %dma_wait3A_71 = tpu.memref_slice %arg8[%mul3A_59, %dma_wait3A_70] : memref<163840x128xf32, #tpu.memory_space<hbm>> -> memref<128x128xf32, #tpu.memory_space<hbm>>
        tpu.wait_dma2 semaphore(%run_scoped3A : memref<!tpu.dma_semaphore, #tpu.memory_space<semaphore_mem>>) src(%arg14 : memref<128x128xf32, #tpu.memory_space<vmem>>) dst(%dma_wait3A_71 : memref<128x128xf32, #tpu.memory_space<hbm>>)
        tpu.yield
      }) : () -> ()
      %mul3A_60 = arith.constant 128 : i32
      %mul3A_61 = arith.muli %add3A_9, %mul3A_60 : i32
      "tpu.region"() ({
        %run_scoped3A = tpu.sem_alloc : memref<!tpu.dma_semaphore, #tpu.memory_space<semaphore_mem>>
        %dma_start3A_64 = arith.constant 0 : i32
        %dma_start3A_65 = tpu.memref_slice %arg9[%mul3A_61, %dma_start3A_64] : memref<163840x16xf32, #tpu.memory_space<hbm>> -> memref<128x16xf32, #tpu.memory_space<hbm>>
        %dma_start3A_66 = arith.constant 0 : i32
        %dma_start3A_67 = tpu.memref_slice %arg9[%mul3A_61, %dma_start3A_66] : memref<163840x16xf32, #tpu.memory_space<hbm>> -> memref<128x16xf32, #tpu.memory_space<hbm>>
        tpu.enqueue_dma source(%arg15 : memref<128x16xf32, #tpu.memory_space<vmem>>) target(%dma_start3A_67 : memref<128x16xf32, #tpu.memory_space<hbm>>) target_semaphore(%run_scoped3A : memref<!tpu.dma_semaphore, #tpu.memory_space<semaphore_mem>>)
        %dma_wait3A_68 = arith.constant 0 : i32
        %dma_wait3A_69 = tpu.memref_slice %arg9[%mul3A_61, %dma_wait3A_68] : memref<163840x16xf32, #tpu.memory_space<hbm>> -> memref<128x16xf32, #tpu.memory_space<hbm>>
        %dma_wait3A_70 = arith.constant 0 : i32
        %dma_wait3A_71 = tpu.memref_slice %arg9[%mul3A_61, %dma_wait3A_70] : memref<163840x16xf32, #tpu.memory_space<hbm>> -> memref<128x16xf32, #tpu.memory_space<hbm>>
        tpu.wait_dma2 semaphore(%run_scoped3A : memref<!tpu.dma_semaphore, #tpu.memory_space<semaphore_mem>>) src(%arg15 : memref<128x16xf32, #tpu.memory_space<vmem>>) dst(%dma_wait3A_71 : memref<128x16xf32, #tpu.memory_space<hbm>>)
        tpu.yield
      }) : () -> ()
      %mul3A_62 = arith.constant 128 : i32
      %mul3A_63 = arith.muli %add3A_9, %mul3A_62 : i32
      "tpu.region"() ({
        %run_scoped3A = tpu.sem_alloc : memref<!tpu.dma_semaphore, #tpu.memory_space<semaphore_mem>>
        %dma_start3A_64 = arith.constant 0 : i32
        %dma_start3A_65 = tpu.memref_slice %arg10[%mul3A_63, %dma_start3A_64] : memref<163840x16xf32, #tpu.memory_space<hbm>> -> memref<128x16xf32, #tpu.memory_space<hbm>>
        %dma_start3A_66 = arith.constant 0 : i32
        %dma_start3A_67 = tpu.memref_slice %arg10[%mul3A_63, %dma_start3A_66] : memref<163840x16xf32, #tpu.memory_space<hbm>> -> memref<128x16xf32, #tpu.memory_space<hbm>>
        tpu.enqueue_dma source(%arg16 : memref<128x16xf32, #tpu.memory_space<vmem>>) target(%dma_start3A_67 : memref<128x16xf32, #tpu.memory_space<hbm>>) target_semaphore(%run_scoped3A : memref<!tpu.dma_semaphore, #tpu.memory_space<semaphore_mem>>)
        %dma_wait3A_68 = arith.constant 0 : i32
        %dma_wait3A_69 = tpu.memref_slice %arg10[%mul3A_63, %dma_wait3A_68] : memref<163840x16xf32, #tpu.memory_space<hbm>> -> memref<128x16xf32, #tpu.memory_space<hbm>>
        %dma_wait3A_70 = arith.constant 0 : i32
        %dma_wait3A_71 = tpu.memref_slice %arg10[%mul3A_63, %dma_wait3A_70] : memref<163840x16xf32, #tpu.memory_space<hbm>> -> memref<128x16xf32, #tpu.memory_space<hbm>>
        tpu.wait_dma2 semaphore(%run_scoped3A : memref<!tpu.dma_semaphore, #tpu.memory_space<semaphore_mem>>) src(%arg16 : memref<128x16xf32, #tpu.memory_space<vmem>>) dst(%dma_wait3A_71 : memref<128x16xf32, #tpu.memory_space<hbm>>)
        tpu.yield
      }) : () -> ()
    }
    %scan3A_7 = arith.constant 40 : i32
    return
  }
}

#map = affine_map<(d0, d1) -> (0, 0)>
#map1 = affine_map<(d0, d1) -> (0, 0, 0)>
module attributes {stable_mosaic.version = 14 : i64} {
  func.func @k(%arg0: i32, %arg1: i32, %arg2: memref<163840x128xf32, #tpu.memory_space<hbm>>, %arg3: memref<1280x128xi32, #tpu.memory_space<hbm>>, %arg4: memref<10112x128xf32, #tpu.memory_space<hbm>>, %arg5: memref<2x10000x128xf32, #tpu.memory_space<hbm>>, %arg6: memref<40x128xi32, #tpu.memory_space<vmem>>, %arg7: memref<128x128xf32, #tpu.memory_space<vmem>>, %arg8: memref<10112x128xf32, #tpu.memory_space<vmem_shared>>) attributes {dimension_semantics = [#tpu.dimension_semantics<core_parallel>, #tpu.dimension_semantics<subcore_parallel>], iteration_bounds = array<i64: 2, 16>, scalar_prefetch = 0 : i64, scratch_operands = 3 : i64, tpu.core_type = #tpu.core_type<sc_vector_subcore>, window_params = [{transform_indices = #map}, {transform_indices = #map}, {transform_indices = #map}, {transform_indices = #map1}]} {
    %mul3A = arith.constant 2 : i32
    %mul3A_0 = arith.muli %arg1, %mul3A : i32
    %add3A = arith.addi %mul3A_0, %arg0 : i32
    %mul3A_1 = arith.constant 40 : i32
    %mul3A_2 = arith.muli %add3A, %mul3A_1 : i32
    %mul3A_3 = arith.constant 632 : i32
    %mul3A_4 = arith.muli %arg1, %mul3A_3 : i32
    %mul3A_5 = arith.constant 632 : i32
    %mul3A_6 = arith.muli %arg1, %mul3A_5 : i32
    "tpu.region"() ({
      %run_scoped3A = tpu.sem_alloc : memref<!tpu.dma_semaphore, #tpu.memory_space<semaphore_mem>>
      %dma_start3A = arith.constant 0 : i32
      %dma_start3A_19 = tpu.memref_slice %arg8[%mul3A_6, %dma_start3A] : memref<10112x128xf32, #tpu.memory_space<vmem_shared>> -> memref<632x128xf32, #tpu.memory_space<vmem_shared>>
      %dma_start3A_20 = arith.constant 0 : i32
      %dma_start3A_21 = tpu.memref_slice %arg4[%mul3A_4, %dma_start3A_20] : memref<10112x128xf32, #tpu.memory_space<hbm>> -> memref<632x128xf32, #tpu.memory_space<hbm>>
      tpu.enqueue_dma source(%dma_start3A_21 : memref<632x128xf32, #tpu.memory_space<hbm>>) target(%dma_start3A_19 : memref<632x128xf32, #tpu.memory_space<vmem_shared>>) target_semaphore(%run_scoped3A : memref<!tpu.dma_semaphore, #tpu.memory_space<semaphore_mem>>)
      %dma_wait3A = arith.constant 0 : i32
      %dma_wait3A_22 = tpu.memref_slice %arg8[%mul3A_6, %dma_wait3A] : memref<10112x128xf32, #tpu.memory_space<vmem_shared>> -> memref<632x128xf32, #tpu.memory_space<vmem_shared>>
      %dma_wait3A_23 = arith.constant 0 : i32
      %dma_wait3A_24 = tpu.memref_slice %arg4[%mul3A_4, %dma_wait3A_23] : memref<10112x128xf32, #tpu.memory_space<hbm>> -> memref<632x128xf32, #tpu.memory_space<hbm>>
      tpu.wait_dma2 semaphore(%run_scoped3A : memref<!tpu.dma_semaphore, #tpu.memory_space<semaphore_mem>>) src(%dma_wait3A_24 : memref<632x128xf32, #tpu.memory_space<hbm>>) dst(%dma_wait3A_22 : memref<632x128xf32, #tpu.memory_space<vmem_shared>>)
      tpu.yield
    }) : () -> ()
    "tpu.region"() ({
      %run_scoped3A = tpu.sem_alloc : memref<!tpu.dma_semaphore, #tpu.memory_space<semaphore_mem>>
      %dma_start3A = arith.constant 0 : i32
      %dma_start3A_19 = tpu.memref_slice %arg3[%mul3A_2, %dma_start3A] : memref<1280x128xi32, #tpu.memory_space<hbm>> -> memref<40x128xi32, #tpu.memory_space<hbm>>
      %dma_start3A_20 = arith.constant 0 : i32
      %dma_start3A_21 = tpu.memref_slice %arg3[%mul3A_2, %dma_start3A_20] : memref<1280x128xi32, #tpu.memory_space<hbm>> -> memref<40x128xi32, #tpu.memory_space<hbm>>
      tpu.enqueue_dma source(%dma_start3A_21 : memref<40x128xi32, #tpu.memory_space<hbm>>) target(%arg6 : memref<40x128xi32, #tpu.memory_space<vmem>>) target_semaphore(%run_scoped3A : memref<!tpu.dma_semaphore, #tpu.memory_space<semaphore_mem>>)
      %dma_wait3A = arith.constant 0 : i32
      %dma_wait3A_22 = tpu.memref_slice %arg3[%mul3A_2, %dma_wait3A] : memref<1280x128xi32, #tpu.memory_space<hbm>> -> memref<40x128xi32, #tpu.memory_space<hbm>>
      %dma_wait3A_23 = arith.constant 0 : i32
      %dma_wait3A_24 = tpu.memref_slice %arg3[%mul3A_2, %dma_wait3A_23] : memref<1280x128xi32, #tpu.memory_space<hbm>> -> memref<40x128xi32, #tpu.memory_space<hbm>>
      tpu.wait_dma2 semaphore(%run_scoped3A : memref<!tpu.dma_semaphore, #tpu.memory_space<semaphore_mem>>) src(%dma_wait3A_24 : memref<40x128xi32, #tpu.memory_space<hbm>>) dst(%arg6 : memref<40x128xi32, #tpu.memory_space<vmem>>)
      tpu.yield
    }) : () -> ()
    %barrier3A = arith.constant 0 : index
    tpu.barrier barrier_id(%barrier3A)
    %scan3A = arith.constant 0 : i32
    %scan3A_7 = arith.constant 0 : i32
    %scan3A_8 = arith.constant 40 : i32
    %scan3A_9 = arith.addi %scan3A_7, %scan3A_8 : i32
    %scan3A_10 = arith.constant 1 : i32
    scf.for %scan3A_19 = %scan3A_7 to %scan3A_9 step %scan3A_10  : i32 {
      %add3A_20 = arith.addi %mul3A_2, %scan3A_19 : i32
      %mul3A_21 = arith.constant 128 : i32
      %mul3A_22 = arith.muli %add3A_20, %mul3A_21 : i32
      "tpu.region"() ({
        %run_scoped3A = tpu.sem_alloc : memref<!tpu.dma_semaphore, #tpu.memory_space<semaphore_mem>>
        %dma_start3A = arith.constant 0 : i32
        %dma_start3A_23 = tpu.memref_slice %arg2[%mul3A_22, %dma_start3A] : memref<163840x128xf32, #tpu.memory_space<hbm>> -> memref<128x128xf32, #tpu.memory_space<hbm>>
        %dma_start3A_24 = arith.constant 0 : i32
        %dma_start3A_25 = tpu.memref_slice %arg2[%mul3A_22, %dma_start3A_24] : memref<163840x128xf32, #tpu.memory_space<hbm>> -> memref<128x128xf32, #tpu.memory_space<hbm>>
        tpu.enqueue_dma source(%dma_start3A_25 : memref<128x128xf32, #tpu.memory_space<hbm>>) target(%arg7 : memref<128x128xf32, #tpu.memory_space<vmem>>) target_semaphore(%run_scoped3A : memref<!tpu.dma_semaphore, #tpu.memory_space<semaphore_mem>>)
        %dma_wait3A = arith.constant 0 : i32
        %dma_wait3A_26 = tpu.memref_slice %arg2[%mul3A_22, %dma_wait3A] : memref<163840x128xf32, #tpu.memory_space<hbm>> -> memref<128x128xf32, #tpu.memory_space<hbm>>
        %dma_wait3A_27 = arith.constant 0 : i32
        %dma_wait3A_28 = tpu.memref_slice %arg2[%mul3A_22, %dma_wait3A_27] : memref<163840x128xf32, #tpu.memory_space<hbm>> -> memref<128x128xf32, #tpu.memory_space<hbm>>
        tpu.wait_dma2 semaphore(%run_scoped3A : memref<!tpu.dma_semaphore, #tpu.memory_space<semaphore_mem>>) src(%dma_wait3A_28 : memref<128x128xf32, #tpu.memory_space<hbm>>) dst(%arg7 : memref<128x128xf32, #tpu.memory_space<vmem>>)
        tpu.yield
      }) : () -> ()
      "tpu.region"() ({
        %run_scoped3A = tpu.sem_alloc : memref<!tpu.dma_semaphore, #tpu.memory_space<semaphore_mem>>
        %dma_start3A = arith.constant 0 : i32
        %dma_start3A_23 = tpu.memref_slice %arg6[%scan3A_19, %dma_start3A] : memref<40x128xi32, #tpu.memory_space<vmem>> -> memref<1x128xi32, #tpu.memory_space<vmem>>
        %dma_start3A_24 = tpu.memref_squeeze %dma_start3A_23 : memref<1x128xi32, #tpu.memory_space<vmem>> -> memref<128xi32, #tpu.memory_space<vmem>>
        %dma_start3A_25 = arith.constant 0 : i32
        %dma_start3A_26 = arith.constant 0 : i32
        %dma_start3A_27 = tpu.memref_slice %arg8[%dma_start3A_25, %dma_start3A_26] : memref<10112x128xf32, #tpu.memory_space<vmem_shared>> -> memref<10112x128xf32, #tpu.memory_space<vmem_shared>>
        tpu.enqueue_indirect_dma source(%arg7 : memref<128x128xf32, #tpu.memory_space<vmem>>) target(%dma_start3A_27 : memref<10112x128xf32, #tpu.memory_space<vmem_shared>>) offsets(%dma_start3A_24 : memref<128xi32, #tpu.memory_space<vmem>>) semaphore(%run_scoped3A : memref<!tpu.dma_semaphore, #tpu.memory_space<semaphore_mem>>) {add = true}
        %dma_wait3A = arith.constant 0 : i32
        %dma_wait3A_28 = tpu.memref_slice %arg6[%scan3A_19, %dma_wait3A] : memref<40x128xi32, #tpu.memory_space<vmem>> -> memref<1x128xi32, #tpu.memory_space<vmem>>
        %dma_wait3A_29 = tpu.memref_squeeze %dma_wait3A_28 : memref<1x128xi32, #tpu.memory_space<vmem>> -> memref<128xi32, #tpu.memory_space<vmem>>
        %dma_wait3A_30 = arith.constant 0 : i32
        %dma_wait3A_31 = arith.constant 0 : i32
        %dma_wait3A_32 = tpu.memref_slice %arg8[%dma_wait3A_30, %dma_wait3A_31] : memref<10112x128xf32, #tpu.memory_space<vmem_shared>> -> memref<10112x128xf32, #tpu.memory_space<vmem_shared>>
        tpu.wait_indirect_dma semaphore(%run_scoped3A : memref<!tpu.dma_semaphore, #tpu.memory_space<semaphore_mem>>) src(%arg7 : memref<128x128xf32, #tpu.memory_space<vmem>>) dst(%dma_wait3A_32 : memref<10112x128xf32, #tpu.memory_space<vmem_shared>>)
        tpu.yield
      }) : () -> ()
    }
    %scan3A_11 = arith.constant 40 : i32
    %barrier3A_12 = arith.constant 0 : index
    tpu.barrier barrier_id(%barrier3A_12)
    %mul3A_13 = arith.constant 624 : i32
    %mul3A_14 = arith.muli %arg1, %mul3A_13 : i32
    %mul3A_15 = arith.constant 624 : i32
    %mul3A_16 = arith.muli %arg1, %mul3A_15 : i32
    "tpu.region"() ({
      %run_scoped3A = tpu.sem_alloc : memref<!tpu.dma_semaphore, #tpu.memory_space<semaphore_mem>>
      %dma_start3A = arith.constant 0 : i32
      %dma_start3A_19 = arith.constant 0 : i32
      %dma_start3A_20 = tpu.memref_slice %arg5[%arg0, %dma_start3A, %dma_start3A_19] : memref<2x10000x128xf32, #tpu.memory_space<hbm>> -> memref<1x10000x128xf32, #tpu.memory_space<hbm>>
      %dma_start3A_21 = tpu.memref_squeeze %dma_start3A_20 : memref<1x10000x128xf32, #tpu.memory_space<hbm>> -> memref<10000x128xf32, #tpu.memory_space<hbm>>
      %dma_start3A_22 = arith.constant 0 : i32
      %dma_start3A_23 = tpu.memref_slice %dma_start3A_21[%mul3A_16, %dma_start3A_22] : memref<10000x128xf32, #tpu.memory_space<hbm>> -> memref<624x128xf32, #tpu.memory_space<hbm>>
      %dma_start3A_24 = arith.constant 0 : i32
      %dma_start3A_25 = tpu.memref_slice %arg8[%mul3A_14, %dma_start3A_24] : memref<10112x128xf32, #tpu.memory_space<vmem_shared>> -> memref<624x128xf32, #tpu.memory_space<vmem_shared>>
      tpu.enqueue_dma source(%dma_start3A_25 : memref<624x128xf32, #tpu.memory_space<vmem_shared>>) target(%dma_start3A_23 : memref<624x128xf32, #tpu.memory_space<hbm>>) target_semaphore(%run_scoped3A : memref<!tpu.dma_semaphore, #tpu.memory_space<semaphore_mem>>)
      %dma_wait3A = arith.constant 0 : i32
      %dma_wait3A_26 = arith.constant 0 : i32
      %dma_wait3A_27 = tpu.memref_slice %arg5[%arg0, %dma_wait3A, %dma_wait3A_26] : memref<2x10000x128xf32, #tpu.memory_space<hbm>> -> memref<1x10000x128xf32, #tpu.memory_space<hbm>>
      %dma_wait3A_28 = tpu.memref_squeeze %dma_wait3A_27 : memref<1x10000x128xf32, #tpu.memory_space<hbm>> -> memref<10000x128xf32, #tpu.memory_space<hbm>>
      %dma_wait3A_29 = arith.constant 0 : i32
      %dma_wait3A_30 = tpu.memref_slice %dma_wait3A_28[%mul3A_16, %dma_wait3A_29] : memref<10000x128xf32, #tpu.memory_space<hbm>> -> memref<624x128xf32, #tpu.memory_space<hbm>>
      %dma_wait3A_31 = arith.constant 0 : i32
      %dma_wait3A_32 = tpu.memref_slice %arg8[%mul3A_14, %dma_wait3A_31] : memref<10112x128xf32, #tpu.memory_space<vmem_shared>> -> memref<624x128xf32, #tpu.memory_space<vmem_shared>>
      tpu.wait_dma2 semaphore(%run_scoped3A : memref<!tpu.dma_semaphore, #tpu.memory_space<semaphore_mem>>) src(%dma_wait3A_32 : memref<624x128xf32, #tpu.memory_space<vmem_shared>>) dst(%dma_wait3A_30 : memref<624x128xf32, #tpu.memory_space<hbm>>)
      tpu.yield
    }) : () -> ()
    %eq3A = arith.constant 15 : i32
    %eq3A_17 = arith.cmpi eq, %arg1, %eq3A : i32
    %convert_element_type3A = arith.extui %eq3A_17 : i1 to i32
    %cond3A = arith.constant 0 : i32
    %cond3A_18 = arith.cmpi ne, %convert_element_type3A, %cond3A : i32
    scf.if %cond3A_18 {
      "tpu.region"() ({
        %run_scoped3A = tpu.sem_alloc : memref<!tpu.dma_semaphore, #tpu.memory_space<semaphore_mem>>
        %dma_start3A = arith.constant 0 : i32
        %dma_start3A_19 = arith.constant 0 : i32
        %dma_start3A_20 = tpu.memref_slice %arg5[%arg0, %dma_start3A, %dma_start3A_19] : memref<2x10000x128xf32, #tpu.memory_space<hbm>> -> memref<1x10000x128xf32, #tpu.memory_space<hbm>>
        %dma_start3A_21 = tpu.memref_squeeze %dma_start3A_20 : memref<1x10000x128xf32, #tpu.memory_space<hbm>> -> memref<10000x128xf32, #tpu.memory_space<hbm>>
        %dma_start3A_22 = arith.constant 9984 : i32
        %dma_start3A_23 = arith.constant 0 : i32
        %dma_start3A_24 = tpu.memref_slice %dma_start3A_21[%dma_start3A_22, %dma_start3A_23] : memref<10000x128xf32, #tpu.memory_space<hbm>> -> memref<16x128xf32, #tpu.memory_space<hbm>>
        %dma_start3A_25 = arith.constant 9984 : i32
        %dma_start3A_26 = arith.constant 0 : i32
        %dma_start3A_27 = tpu.memref_slice %arg8[%dma_start3A_25, %dma_start3A_26] : memref<10112x128xf32, #tpu.memory_space<vmem_shared>> -> memref<16x128xf32, #tpu.memory_space<vmem_shared>>
        tpu.enqueue_dma source(%dma_start3A_27 : memref<16x128xf32, #tpu.memory_space<vmem_shared>>) target(%dma_start3A_24 : memref<16x128xf32, #tpu.memory_space<hbm>>) target_semaphore(%run_scoped3A : memref<!tpu.dma_semaphore, #tpu.memory_space<semaphore_mem>>)
        %dma_wait3A = arith.constant 0 : i32
        %dma_wait3A_28 = arith.constant 0 : i32
        %dma_wait3A_29 = tpu.memref_slice %arg5[%arg0, %dma_wait3A, %dma_wait3A_28] : memref<2x10000x128xf32, #tpu.memory_space<hbm>> -> memref<1x10000x128xf32, #tpu.memory_space<hbm>>
        %dma_wait3A_30 = tpu.memref_squeeze %dma_wait3A_29 : memref<1x10000x128xf32, #tpu.memory_space<hbm>> -> memref<10000x128xf32, #tpu.memory_space<hbm>>
        %dma_wait3A_31 = arith.constant 9984 : i32
        %dma_wait3A_32 = arith.constant 0 : i32
        %dma_wait3A_33 = tpu.memref_slice %dma_wait3A_30[%dma_wait3A_31, %dma_wait3A_32] : memref<10000x128xf32, #tpu.memory_space<hbm>> -> memref<16x128xf32, #tpu.memory_space<hbm>>
        %dma_wait3A_34 = arith.constant 9984 : i32
        %dma_wait3A_35 = arith.constant 0 : i32
        %dma_wait3A_36 = tpu.memref_slice %arg8[%dma_wait3A_34, %dma_wait3A_35] : memref<10112x128xf32, #tpu.memory_space<vmem_shared>> -> memref<16x128xf32, #tpu.memory_space<vmem_shared>>
        tpu.wait_dma2 semaphore(%run_scoped3A : memref<!tpu.dma_semaphore, #tpu.memory_space<semaphore_mem>>) src(%dma_wait3A_36 : memref<16x128xf32, #tpu.memory_space<vmem_shared>>) dst(%dma_wait3A_33 : memref<16x128xf32, #tpu.memory_space<hbm>>)
        tpu.yield
      }) : () -> ()
    } else {
    }
    return
  }
}

#map = affine_map<(d0, d1) -> (0, 0)>
module attributes {stable_mosaic.version = 14 : i64} {
  func.func @k(%arg0: i32, %arg1: i32, %arg2: memref<10000x128xf32, #tpu.memory_space<hbm>>, %arg3: memref<10000x128xf32, #tpu.memory_space<hbm>>, %arg4: memref<1280x128xi32, #tpu.memory_space<hbm>>, %arg5: memref<1280x128xi32, #tpu.memory_space<hbm>>, %arg6: memref<163840x128xf32, #tpu.memory_space<hbm>>, %arg7: memref<163840x128xf32, #tpu.memory_space<hbm>>, %arg8: memref<40x128xi32, #tpu.memory_space<vmem>>, %arg9: memref<40x128xi32, #tpu.memory_space<vmem>>, %arg10: memref<128x128xf32, #tpu.memory_space<vmem>>, %arg11: memref<128x128xf32, #tpu.memory_space<vmem>>, %arg12: memref<!tpu.dma_semaphore, #tpu.memory_space<semaphore_mem>>, %arg13: memref<!tpu.dma_semaphore, #tpu.memory_space<semaphore_mem>>) attributes {dimension_semantics = [#tpu.dimension_semantics<core_parallel>, #tpu.dimension_semantics<subcore_parallel>], iteration_bounds = array<i64: 2, 16>, scalar_prefetch = 0 : i64, scratch_operands = 6 : i64, tpu.core_type = #tpu.core_type<sc_vector_subcore>, window_params = [{transform_indices = #map}, {transform_indices = #map}, {transform_indices = #map}, {transform_indices = #map}, {transform_indices = #map}, {transform_indices = #map}]} {
    %mul3A = arith.constant 2 : i32
    %mul3A_0 = arith.muli %arg1, %mul3A : i32
    %add3A = arith.addi %mul3A_0, %arg0 : i32
    %mul3A_1 = arith.constant 40 : i32
    %mul3A_2 = arith.muli %add3A, %mul3A_1 : i32
    "tpu.region"() ({
      %run_scoped3A = tpu.sem_alloc : memref<!tpu.dma_semaphore, #tpu.memory_space<semaphore_mem>>
      %dma_start3A = arith.constant 0 : i32
      %dma_start3A_8 = tpu.memref_slice %arg4[%mul3A_2, %dma_start3A] : memref<1280x128xi32, #tpu.memory_space<hbm>> -> memref<40x128xi32, #tpu.memory_space<hbm>>
      %dma_start3A_9 = arith.constant 0 : i32
      %dma_start3A_10 = tpu.memref_slice %arg4[%mul3A_2, %dma_start3A_9] : memref<1280x128xi32, #tpu.memory_space<hbm>> -> memref<40x128xi32, #tpu.memory_space<hbm>>
      tpu.enqueue_dma source(%dma_start3A_10 : memref<40x128xi32, #tpu.memory_space<hbm>>) target(%arg8 : memref<40x128xi32, #tpu.memory_space<vmem>>) target_semaphore(%run_scoped3A : memref<!tpu.dma_semaphore, #tpu.memory_space<semaphore_mem>>)
      %dma_wait3A = arith.constant 0 : i32
      %dma_wait3A_11 = tpu.memref_slice %arg4[%mul3A_2, %dma_wait3A] : memref<1280x128xi32, #tpu.memory_space<hbm>> -> memref<40x128xi32, #tpu.memory_space<hbm>>
      %dma_wait3A_12 = arith.constant 0 : i32
      %dma_wait3A_13 = tpu.memref_slice %arg4[%mul3A_2, %dma_wait3A_12] : memref<1280x128xi32, #tpu.memory_space<hbm>> -> memref<40x128xi32, #tpu.memory_space<hbm>>
      tpu.wait_dma2 semaphore(%run_scoped3A : memref<!tpu.dma_semaphore, #tpu.memory_space<semaphore_mem>>) src(%dma_wait3A_13 : memref<40x128xi32, #tpu.memory_space<hbm>>) dst(%arg8 : memref<40x128xi32, #tpu.memory_space<vmem>>)
      tpu.yield
    }) : () -> ()
    "tpu.region"() ({
      %run_scoped3A = tpu.sem_alloc : memref<!tpu.dma_semaphore, #tpu.memory_space<semaphore_mem>>
      %dma_start3A = arith.constant 0 : i32
      %dma_start3A_8 = tpu.memref_slice %arg5[%mul3A_2, %dma_start3A] : memref<1280x128xi32, #tpu.memory_space<hbm>> -> memref<40x128xi32, #tpu.memory_space<hbm>>
      %dma_start3A_9 = arith.constant 0 : i32
      %dma_start3A_10 = tpu.memref_slice %arg5[%mul3A_2, %dma_start3A_9] : memref<1280x128xi32, #tpu.memory_space<hbm>> -> memref<40x128xi32, #tpu.memory_space<hbm>>
      tpu.enqueue_dma source(%dma_start3A_10 : memref<40x128xi32, #tpu.memory_space<hbm>>) target(%arg9 : memref<40x128xi32, #tpu.memory_space<vmem>>) target_semaphore(%run_scoped3A : memref<!tpu.dma_semaphore, #tpu.memory_space<semaphore_mem>>)
      %dma_wait3A = arith.constant 0 : i32
      %dma_wait3A_11 = tpu.memref_slice %arg5[%mul3A_2, %dma_wait3A] : memref<1280x128xi32, #tpu.memory_space<hbm>> -> memref<40x128xi32, #tpu.memory_space<hbm>>
      %dma_wait3A_12 = arith.constant 0 : i32
      %dma_wait3A_13 = tpu.memref_slice %arg5[%mul3A_2, %dma_wait3A_12] : memref<1280x128xi32, #tpu.memory_space<hbm>> -> memref<40x128xi32, #tpu.memory_space<hbm>>
      tpu.wait_dma2 semaphore(%run_scoped3A : memref<!tpu.dma_semaphore, #tpu.memory_space<semaphore_mem>>) src(%dma_wait3A_13 : memref<40x128xi32, #tpu.memory_space<hbm>>) dst(%arg9 : memref<40x128xi32, #tpu.memory_space<vmem>>)
      tpu.yield
    }) : () -> ()
    %scan3A = arith.constant 0 : i32
    %scan3A_3 = arith.constant 0 : i32
    %scan3A_4 = arith.constant 40 : i32
    %scan3A_5 = arith.addi %scan3A_3, %scan3A_4 : i32
    %scan3A_6 = arith.constant 1 : i32
    scf.for %scan3A_8 = %scan3A_3 to %scan3A_5 step %scan3A_6  : i32 {
      %add3A_9 = arith.addi %mul3A_2, %scan3A_8 : i32
      %dma_start3A = arith.constant 0 : i32
      %dma_start3A_10 = tpu.memref_slice %arg8[%scan3A_8, %dma_start3A] : memref<40x128xi32, #tpu.memory_space<vmem>> -> memref<1x128xi32, #tpu.memory_space<vmem>>
      %dma_start3A_11 = tpu.memref_squeeze %dma_start3A_10 : memref<1x128xi32, #tpu.memory_space<vmem>> -> memref<128xi32, #tpu.memory_space<vmem>>
      %dma_start3A_12 = arith.constant 0 : i32
      %dma_start3A_13 = arith.constant 0 : i32
      %dma_start3A_14 = tpu.memref_slice %arg2[%dma_start3A_12, %dma_start3A_13] : memref<10000x128xf32, #tpu.memory_space<hbm>> -> memref<10000x128xf32, #tpu.memory_space<hbm>>
      tpu.enqueue_indirect_dma source(%dma_start3A_14 : memref<10000x128xf32, #tpu.memory_space<hbm>>) target(%arg10 : memref<128x128xf32, #tpu.memory_space<vmem>>) offsets(%dma_start3A_11 : memref<128xi32, #tpu.memory_space<vmem>>) semaphore(%arg12 : memref<!tpu.dma_semaphore, #tpu.memory_space<semaphore_mem>>)
      %dma_start3A_15 = arith.constant 0 : i32
      %dma_start3A_16 = tpu.memref_slice %arg9[%scan3A_8, %dma_start3A_15] : memref<40x128xi32, #tpu.memory_space<vmem>> -> memref<1x128xi32, #tpu.memory_space<vmem>>
      %dma_start3A_17 = tpu.memref_squeeze %dma_start3A_16 : memref<1x128xi32, #tpu.memory_space<vmem>> -> memref<128xi32, #tpu.memory_space<vmem>>
      %dma_start3A_18 = arith.constant 0 : i32
      %dma_start3A_19 = arith.constant 0 : i32
      %dma_start3A_20 = tpu.memref_slice %arg3[%dma_start3A_18, %dma_start3A_19] : memref<10000x128xf32, #tpu.memory_space<hbm>> -> memref<10000x128xf32, #tpu.memory_space<hbm>>
      tpu.enqueue_indirect_dma source(%dma_start3A_20 : memref<10000x128xf32, #tpu.memory_space<hbm>>) target(%arg11 : memref<128x128xf32, #tpu.memory_space<vmem>>) offsets(%dma_start3A_17 : memref<128xi32, #tpu.memory_space<vmem>>) semaphore(%arg13 : memref<!tpu.dma_semaphore, #tpu.memory_space<semaphore_mem>>)
      %dma_wait3A = arith.constant 0 : i32
      %dma_wait3A_21 = tpu.memref_slice %arg8[%scan3A_8, %dma_wait3A] : memref<40x128xi32, #tpu.memory_space<vmem>> -> memref<1x128xi32, #tpu.memory_space<vmem>>
      %dma_wait3A_22 = tpu.memref_squeeze %dma_wait3A_21 : memref<1x128xi32, #tpu.memory_space<vmem>> -> memref<128xi32, #tpu.memory_space<vmem>>
      %dma_wait3A_23 = arith.constant 0 : i32
      %dma_wait3A_24 = arith.constant 0 : i32
      %dma_wait3A_25 = tpu.memref_slice %arg2[%dma_wait3A_23, %dma_wait3A_24] : memref<10000x128xf32, #tpu.memory_space<hbm>> -> memref<10000x128xf32, #tpu.memory_space<hbm>>
      tpu.wait_indirect_dma semaphore(%arg12 : memref<!tpu.dma_semaphore, #tpu.memory_space<semaphore_mem>>) src(%dma_wait3A_25 : memref<10000x128xf32, #tpu.memory_space<hbm>>) dst(%arg10 : memref<128x128xf32, #tpu.memory_space<vmem>>)
      %dma_wait3A_26 = arith.constant 0 : i32
      %dma_wait3A_27 = tpu.memref_slice %arg9[%scan3A_8, %dma_wait3A_26] : memref<40x128xi32, #tpu.memory_space<vmem>> -> memref<1x128xi32, #tpu.memory_space<vmem>>
      %dma_wait3A_28 = tpu.memref_squeeze %dma_wait3A_27 : memref<1x128xi32, #tpu.memory_space<vmem>> -> memref<128xi32, #tpu.memory_space<vmem>>
      %dma_wait3A_29 = arith.constant 0 : i32
      %dma_wait3A_30 = arith.constant 0 : i32
      %dma_wait3A_31 = tpu.memref_slice %arg3[%dma_wait3A_29, %dma_wait3A_30] : memref<10000x128xf32, #tpu.memory_space<hbm>> -> memref<10000x128xf32, #tpu.memory_space<hbm>>
      tpu.wait_indirect_dma semaphore(%arg13 : memref<!tpu.dma_semaphore, #tpu.memory_space<semaphore_mem>>) src(%dma_wait3A_31 : memref<10000x128xf32, #tpu.memory_space<hbm>>) dst(%arg11 : memref<128x128xf32, #tpu.memory_space<vmem>>)
      %mul3A_32 = arith.constant 128 : i32
      %mul3A_33 = arith.muli %add3A_9, %mul3A_32 : i32
      "tpu.region"() ({
        %run_scoped3A = tpu.sem_alloc : memref<!tpu.dma_semaphore, #tpu.memory_space<semaphore_mem>>
        %dma_start3A_36 = arith.constant 0 : i32
        %dma_start3A_37 = tpu.memref_slice %arg6[%mul3A_33, %dma_start3A_36] : memref<163840x128xf32, #tpu.memory_space<hbm>> -> memref<128x128xf32, #tpu.memory_space<hbm>>
        %dma_start3A_38 = arith.constant 0 : i32
        %dma_start3A_39 = tpu.memref_slice %arg6[%mul3A_33, %dma_start3A_38] : memref<163840x128xf32, #tpu.memory_space<hbm>> -> memref<128x128xf32, #tpu.memory_space<hbm>>
        tpu.enqueue_dma source(%arg10 : memref<128x128xf32, #tpu.memory_space<vmem>>) target(%dma_start3A_39 : memref<128x128xf32, #tpu.memory_space<hbm>>) target_semaphore(%run_scoped3A : memref<!tpu.dma_semaphore, #tpu.memory_space<semaphore_mem>>)
        %dma_wait3A_40 = arith.constant 0 : i32
        %dma_wait3A_41 = tpu.memref_slice %arg6[%mul3A_33, %dma_wait3A_40] : memref<163840x128xf32, #tpu.memory_space<hbm>> -> memref<128x128xf32, #tpu.memory_space<hbm>>
        %dma_wait3A_42 = arith.constant 0 : i32
        %dma_wait3A_43 = tpu.memref_slice %arg6[%mul3A_33, %dma_wait3A_42] : memref<163840x128xf32, #tpu.memory_space<hbm>> -> memref<128x128xf32, #tpu.memory_space<hbm>>
        tpu.wait_dma2 semaphore(%run_scoped3A : memref<!tpu.dma_semaphore, #tpu.memory_space<semaphore_mem>>) src(%arg10 : memref<128x128xf32, #tpu.memory_space<vmem>>) dst(%dma_wait3A_43 : memref<128x128xf32, #tpu.memory_space<hbm>>)
        tpu.yield
      }) : () -> ()
      %mul3A_34 = arith.constant 128 : i32
      %mul3A_35 = arith.muli %add3A_9, %mul3A_34 : i32
      "tpu.region"() ({
        %run_scoped3A = tpu.sem_alloc : memref<!tpu.dma_semaphore, #tpu.memory_space<semaphore_mem>>
        %dma_start3A_36 = arith.constant 0 : i32
        %dma_start3A_37 = tpu.memref_slice %arg7[%mul3A_35, %dma_start3A_36] : memref<163840x128xf32, #tpu.memory_space<hbm>> -> memref<128x128xf32, #tpu.memory_space<hbm>>
        %dma_start3A_38 = arith.constant 0 : i32
        %dma_start3A_39 = tpu.memref_slice %arg7[%mul3A_35, %dma_start3A_38] : memref<163840x128xf32, #tpu.memory_space<hbm>> -> memref<128x128xf32, #tpu.memory_space<hbm>>
        tpu.enqueue_dma source(%arg11 : memref<128x128xf32, #tpu.memory_space<vmem>>) target(%dma_start3A_39 : memref<128x128xf32, #tpu.memory_space<hbm>>) target_semaphore(%run_scoped3A : memref<!tpu.dma_semaphore, #tpu.memory_space<semaphore_mem>>)
        %dma_wait3A_40 = arith.constant 0 : i32
        %dma_wait3A_41 = tpu.memref_slice %arg7[%mul3A_35, %dma_wait3A_40] : memref<163840x128xf32, #tpu.memory_space<hbm>> -> memref<128x128xf32, #tpu.memory_space<hbm>>
        %dma_wait3A_42 = arith.constant 0 : i32
        %dma_wait3A_43 = tpu.memref_slice %arg7[%mul3A_35, %dma_wait3A_42] : memref<163840x128xf32, #tpu.memory_space<hbm>> -> memref<128x128xf32, #tpu.memory_space<hbm>>
        tpu.wait_dma2 semaphore(%run_scoped3A : memref<!tpu.dma_semaphore, #tpu.memory_space<semaphore_mem>>) src(%arg11 : memref<128x128xf32, #tpu.memory_space<vmem>>) dst(%dma_wait3A_43 : memref<128x128xf32, #tpu.memory_space<hbm>>)
        tpu.yield
      }) : () -> ()
    }
    %scan3A_7 = arith.constant 40 : i32
    return
  }
}

#map = affine_map<(d0, d1) -> (0, 0)>
#map1 = affine_map<(d0, d1) -> (0, 0, 0)>
module attributes {stable_mosaic.version = 14 : i64} {
  func.func @k(%arg0: i32, %arg1: i32, %arg2: memref<163840x128xf32, #tpu.memory_space<hbm>>, %arg3: memref<1280x128xi32, #tpu.memory_space<hbm>>, %arg4: memref<10112x128xf32, #tpu.memory_space<hbm>>, %arg5: memref<2x10000x128xf32, #tpu.memory_space<hbm>>, %arg6: memref<40x128xi32, #tpu.memory_space<vmem>>, %arg7: memref<128x128xf32, #tpu.memory_space<vmem>>, %arg8: memref<10112x128xf32, #tpu.memory_space<vmem_shared>>) attributes {dimension_semantics = [#tpu.dimension_semantics<core_parallel>, #tpu.dimension_semantics<subcore_parallel>], iteration_bounds = array<i64: 2, 16>, scalar_prefetch = 0 : i64, scratch_operands = 3 : i64, tpu.core_type = #tpu.core_type<sc_vector_subcore>, window_params = [{transform_indices = #map}, {transform_indices = #map}, {transform_indices = #map}, {transform_indices = #map1}]} {
    %mul3A = arith.constant 2 : i32
    %mul3A_0 = arith.muli %arg1, %mul3A : i32
    %add3A = arith.addi %mul3A_0, %arg0 : i32
    %mul3A_1 = arith.constant 40 : i32
    %mul3A_2 = arith.muli %add3A, %mul3A_1 : i32
    %mul3A_3 = arith.constant 632 : i32
    %mul3A_4 = arith.muli %arg1, %mul3A_3 : i32
    %mul3A_5 = arith.constant 632 : i32
    %mul3A_6 = arith.muli %arg1, %mul3A_5 : i32
    "tpu.region"() ({
      %run_scoped3A = tpu.sem_alloc : memref<!tpu.dma_semaphore, #tpu.memory_space<semaphore_mem>>
      %dma_start3A = arith.constant 0 : i32
      %dma_start3A_19 = tpu.memref_slice %arg8[%mul3A_6, %dma_start3A] : memref<10112x128xf32, #tpu.memory_space<vmem_shared>> -> memref<632x128xf32, #tpu.memory_space<vmem_shared>>
      %dma_start3A_20 = arith.constant 0 : i32
      %dma_start3A_21 = tpu.memref_slice %arg4[%mul3A_4, %dma_start3A_20] : memref<10112x128xf32, #tpu.memory_space<hbm>> -> memref<632x128xf32, #tpu.memory_space<hbm>>
      tpu.enqueue_dma source(%dma_start3A_21 : memref<632x128xf32, #tpu.memory_space<hbm>>) target(%dma_start3A_19 : memref<632x128xf32, #tpu.memory_space<vmem_shared>>) target_semaphore(%run_scoped3A : memref<!tpu.dma_semaphore, #tpu.memory_space<semaphore_mem>>)
      %dma_wait3A = arith.constant 0 : i32
      %dma_wait3A_22 = tpu.memref_slice %arg8[%mul3A_6, %dma_wait3A] : memref<10112x128xf32, #tpu.memory_space<vmem_shared>> -> memref<632x128xf32, #tpu.memory_space<vmem_shared>>
      %dma_wait3A_23 = arith.constant 0 : i32
      %dma_wait3A_24 = tpu.memref_slice %arg4[%mul3A_4, %dma_wait3A_23] : memref<10112x128xf32, #tpu.memory_space<hbm>> -> memref<632x128xf32, #tpu.memory_space<hbm>>
      tpu.wait_dma2 semaphore(%run_scoped3A : memref<!tpu.dma_semaphore, #tpu.memory_space<semaphore_mem>>) src(%dma_wait3A_24 : memref<632x128xf32, #tpu.memory_space<hbm>>) dst(%dma_wait3A_22 : memref<632x128xf32, #tpu.memory_space<vmem_shared>>)
      tpu.yield
    }) : () -> ()
    "tpu.region"() ({
      %run_scoped3A = tpu.sem_alloc : memref<!tpu.dma_semaphore, #tpu.memory_space<semaphore_mem>>
      %dma_start3A = arith.constant 0 : i32
      %dma_start3A_19 = tpu.memref_slice %arg3[%mul3A_2, %dma_start3A] : memref<1280x128xi32, #tpu.memory_space<hbm>> -> memref<40x128xi32, #tpu.memory_space<hbm>>
      %dma_start3A_20 = arith.constant 0 : i32
      %dma_start3A_21 = tpu.memref_slice %arg3[%mul3A_2, %dma_start3A_20] : memref<1280x128xi32, #tpu.memory_space<hbm>> -> memref<40x128xi32, #tpu.memory_space<hbm>>
      tpu.enqueue_dma source(%dma_start3A_21 : memref<40x128xi32, #tpu.memory_space<hbm>>) target(%arg6 : memref<40x128xi32, #tpu.memory_space<vmem>>) target_semaphore(%run_scoped3A : memref<!tpu.dma_semaphore, #tpu.memory_space<semaphore_mem>>)
      %dma_wait3A = arith.constant 0 : i32
      %dma_wait3A_22 = tpu.memref_slice %arg3[%mul3A_2, %dma_wait3A] : memref<1280x128xi32, #tpu.memory_space<hbm>> -> memref<40x128xi32, #tpu.memory_space<hbm>>
      %dma_wait3A_23 = arith.constant 0 : i32
      %dma_wait3A_24 = tpu.memref_slice %arg3[%mul3A_2, %dma_wait3A_23] : memref<1280x128xi32, #tpu.memory_space<hbm>> -> memref<40x128xi32, #tpu.memory_space<hbm>>
      tpu.wait_dma2 semaphore(%run_scoped3A : memref<!tpu.dma_semaphore, #tpu.memory_space<semaphore_mem>>) src(%dma_wait3A_24 : memref<40x128xi32, #tpu.memory_space<hbm>>) dst(%arg6 : memref<40x128xi32, #tpu.memory_space<vmem>>)
      tpu.yield
    }) : () -> ()
    %barrier3A = arith.constant 0 : index
    tpu.barrier barrier_id(%barrier3A)
    %scan3A = arith.constant 0 : i32
    %scan3A_7 = arith.constant 0 : i32
    %scan3A_8 = arith.constant 40 : i32
    %scan3A_9 = arith.addi %scan3A_7, %scan3A_8 : i32
    %scan3A_10 = arith.constant 1 : i32
    scf.for %scan3A_19 = %scan3A_7 to %scan3A_9 step %scan3A_10  : i32 {
      %add3A_20 = arith.addi %mul3A_2, %scan3A_19 : i32
      %mul3A_21 = arith.constant 128 : i32
      %mul3A_22 = arith.muli %add3A_20, %mul3A_21 : i32
      "tpu.region"() ({
        %run_scoped3A = tpu.sem_alloc : memref<!tpu.dma_semaphore, #tpu.memory_space<semaphore_mem>>
        %dma_start3A = arith.constant 0 : i32
        %dma_start3A_23 = tpu.memref_slice %arg2[%mul3A_22, %dma_start3A] : memref<163840x128xf32, #tpu.memory_space<hbm>> -> memref<128x128xf32, #tpu.memory_space<hbm>>
        %dma_start3A_24 = arith.constant 0 : i32
        %dma_start3A_25 = tpu.memref_slice %arg2[%mul3A_22, %dma_start3A_24] : memref<163840x128xf32, #tpu.memory_space<hbm>> -> memref<128x128xf32, #tpu.memory_space<hbm>>
        tpu.enqueue_dma source(%dma_start3A_25 : memref<128x128xf32, #tpu.memory_space<hbm>>) target(%arg7 : memref<128x128xf32, #tpu.memory_space<vmem>>) target_semaphore(%run_scoped3A : memref<!tpu.dma_semaphore, #tpu.memory_space<semaphore_mem>>)
        %dma_wait3A = arith.constant 0 : i32
        %dma_wait3A_26 = tpu.memref_slice %arg2[%mul3A_22, %dma_wait3A] : memref<163840x128xf32, #tpu.memory_space<hbm>> -> memref<128x128xf32, #tpu.memory_space<hbm>>
        %dma_wait3A_27 = arith.constant 0 : i32
        %dma_wait3A_28 = tpu.memref_slice %arg2[%mul3A_22, %dma_wait3A_27] : memref<163840x128xf32, #tpu.memory_space<hbm>> -> memref<128x128xf32, #tpu.memory_space<hbm>>
        tpu.wait_dma2 semaphore(%run_scoped3A : memref<!tpu.dma_semaphore, #tpu.memory_space<semaphore_mem>>) src(%dma_wait3A_28 : memref<128x128xf32, #tpu.memory_space<hbm>>) dst(%arg7 : memref<128x128xf32, #tpu.memory_space<vmem>>)
        tpu.yield
      }) : () -> ()
      "tpu.region"() ({
        %run_scoped3A = tpu.sem_alloc : memref<!tpu.dma_semaphore, #tpu.memory_space<semaphore_mem>>
        %dma_start3A = arith.constant 0 : i32
        %dma_start3A_23 = tpu.memref_slice %arg6[%scan3A_19, %dma_start3A] : memref<40x128xi32, #tpu.memory_space<vmem>> -> memref<1x128xi32, #tpu.memory_space<vmem>>
        %dma_start3A_24 = tpu.memref_squeeze %dma_start3A_23 : memref<1x128xi32, #tpu.memory_space<vmem>> -> memref<128xi32, #tpu.memory_space<vmem>>
        %dma_start3A_25 = arith.constant 0 : i32
        %dma_start3A_26 = arith.constant 0 : i32
        %dma_start3A_27 = tpu.memref_slice %arg8[%dma_start3A_25, %dma_start3A_26] : memref<10112x128xf32, #tpu.memory_space<vmem_shared>> -> memref<10112x128xf32, #tpu.memory_space<vmem_shared>>
        tpu.enqueue_indirect_dma source(%arg7 : memref<128x128xf32, #tpu.memory_space<vmem>>) target(%dma_start3A_27 : memref<10112x128xf32, #tpu.memory_space<vmem_shared>>) offsets(%dma_start3A_24 : memref<128xi32, #tpu.memory_space<vmem>>) semaphore(%run_scoped3A : memref<!tpu.dma_semaphore, #tpu.memory_space<semaphore_mem>>) {add = true}
        %dma_wait3A = arith.constant 0 : i32
        %dma_wait3A_28 = tpu.memref_slice %arg6[%scan3A_19, %dma_wait3A] : memref<40x128xi32, #tpu.memory_space<vmem>> -> memref<1x128xi32, #tpu.memory_space<vmem>>
        %dma_wait3A_29 = tpu.memref_squeeze %dma_wait3A_28 : memref<1x128xi32, #tpu.memory_space<vmem>> -> memref<128xi32, #tpu.memory_space<vmem>>
        %dma_wait3A_30 = arith.constant 0 : i32
        %dma_wait3A_31 = arith.constant 0 : i32
        %dma_wait3A_32 = tpu.memref_slice %arg8[%dma_wait3A_30, %dma_wait3A_31] : memref<10112x128xf32, #tpu.memory_space<vmem_shared>> -> memref<10112x128xf32, #tpu.memory_space<vmem_shared>>
        tpu.wait_indirect_dma semaphore(%run_scoped3A : memref<!tpu.dma_semaphore, #tpu.memory_space<semaphore_mem>>) src(%arg7 : memref<128x128xf32, #tpu.memory_space<vmem>>) dst(%dma_wait3A_32 : memref<10112x128xf32, #tpu.memory_space<vmem_shared>>)
        tpu.yield
      }) : () -> ()
    }
    %scan3A_11 = arith.constant 40 : i32
    %barrier3A_12 = arith.constant 0 : index
    tpu.barrier barrier_id(%barrier3A_12)
    %mul3A_13 = arith.constant 624 : i32
    %mul3A_14 = arith.muli %arg1, %mul3A_13 : i32
    %mul3A_15 = arith.constant 624 : i32
    %mul3A_16 = arith.muli %arg1, %mul3A_15 : i32
    "tpu.region"() ({
      %run_scoped3A = tpu.sem_alloc : memref<!tpu.dma_semaphore, #tpu.memory_space<semaphore_mem>>
      %dma_start3A = arith.constant 0 : i32
      %dma_start3A_19 = arith.constant 0 : i32
      %dma_start3A_20 = tpu.memref_slice %arg5[%arg0, %dma_start3A, %dma_start3A_19] : memref<2x10000x128xf32, #tpu.memory_space<hbm>> -> memref<1x10000x128xf32, #tpu.memory_space<hbm>>
      %dma_start3A_21 = tpu.memref_squeeze %dma_start3A_20 : memref<1x10000x128xf32, #tpu.memory_space<hbm>> -> memref<10000x128xf32, #tpu.memory_space<hbm>>
      %dma_start3A_22 = arith.constant 0 : i32
      %dma_start3A_23 = tpu.memref_slice %dma_start3A_21[%mul3A_16, %dma_start3A_22] : memref<10000x128xf32, #tpu.memory_space<hbm>> -> memref<624x128xf32, #tpu.memory_space<hbm>>
      %dma_start3A_24 = arith.constant 0 : i32
      %dma_start3A_25 = tpu.memref_slice %arg8[%mul3A_14, %dma_start3A_24] : memref<10112x128xf32, #tpu.memory_space<vmem_shared>> -> memref<624x128xf32, #tpu.memory_space<vmem_shared>>
      tpu.enqueue_dma source(%dma_start3A_25 : memref<624x128xf32, #tpu.memory_space<vmem_shared>>) target(%dma_start3A_23 : memref<624x128xf32, #tpu.memory_space<hbm>>) target_semaphore(%run_scoped3A : memref<!tpu.dma_semaphore, #tpu.memory_space<semaphore_mem>>)
      %dma_wait3A = arith.constant 0 : i32
      %dma_wait3A_26 = arith.constant 0 : i32
      %dma_wait3A_27 = tpu.memref_slice %arg5[%arg0, %dma_wait3A, %dma_wait3A_26] : memref<2x10000x128xf32, #tpu.memory_space<hbm>> -> memref<1x10000x128xf32, #tpu.memory_space<hbm>>
      %dma_wait3A_28 = tpu.memref_squeeze %dma_wait3A_27 : memref<1x10000x128xf32, #tpu.memory_space<hbm>> -> memref<10000x128xf32, #tpu.memory_space<hbm>>
      %dma_wait3A_29 = arith.constant 0 : i32
      %dma_wait3A_30 = tpu.memref_slice %dma_wait3A_28[%mul3A_16, %dma_wait3A_29] : memref<10000x128xf32, #tpu.memory_space<hbm>> -> memref<624x128xf32, #tpu.memory_space<hbm>>
      %dma_wait3A_31 = arith.constant 0 : i32
      %dma_wait3A_32 = tpu.memref_slice %arg8[%mul3A_14, %dma_wait3A_31] : memref<10112x128xf32, #tpu.memory_space<vmem_shared>> -> memref<624x128xf32, #tpu.memory_space<vmem_shared>>
      tpu.wait_dma2 semaphore(%run_scoped3A : memref<!tpu.dma_semaphore, #tpu.memory_space<semaphore_mem>>) src(%dma_wait3A_32 : memref<624x128xf32, #tpu.memory_space<vmem_shared>>) dst(%dma_wait3A_30 : memref<624x128xf32, #tpu.memory_space<hbm>>)
      tpu.yield
    }) : () -> ()
    %eq3A = arith.constant 15 : i32
    %eq3A_17 = arith.cmpi eq, %arg1, %eq3A : i32
    %convert_element_type3A = arith.extui %eq3A_17 : i1 to i32
    %cond3A = arith.constant 0 : i32
    %cond3A_18 = arith.cmpi ne, %convert_element_type3A, %cond3A : i32
    scf.if %cond3A_18 {
      "tpu.region"() ({
        %run_scoped3A = tpu.sem_alloc : memref<!tpu.dma_semaphore, #tpu.memory_space<semaphore_mem>>
        %dma_start3A = arith.constant 0 : i32
        %dma_start3A_19 = arith.constant 0 : i32
        %dma_start3A_20 = tpu.memref_slice %arg5[%arg0, %dma_start3A, %dma_start3A_19] : memref<2x10000x128xf32, #tpu.memory_space<hbm>> -> memref<1x10000x128xf32, #tpu.memory_space<hbm>>
        %dma_start3A_21 = tpu.memref_squeeze %dma_start3A_20 : memref<1x10000x128xf32, #tpu.memory_space<hbm>> -> memref<10000x128xf32, #tpu.memory_space<hbm>>
        %dma_start3A_22 = arith.constant 9984 : i32
        %dma_start3A_23 = arith.constant 0 : i32
        %dma_start3A_24 = tpu.memref_slice %dma_start3A_21[%dma_start3A_22, %dma_start3A_23] : memref<10000x128xf32, #tpu.memory_space<hbm>> -> memref<16x128xf32, #tpu.memory_space<hbm>>
        %dma_start3A_25 = arith.constant 9984 : i32
        %dma_start3A_26 = arith.constant 0 : i32
        %dma_start3A_27 = tpu.memref_slice %arg8[%dma_start3A_25, %dma_start3A_26] : memref<10112x128xf32, #tpu.memory_space<vmem_shared>> -> memref<16x128xf32, #tpu.memory_space<vmem_shared>>
        tpu.enqueue_dma source(%dma_start3A_27 : memref<16x128xf32, #tpu.memory_space<vmem_shared>>) target(%dma_start3A_24 : memref<16x128xf32, #tpu.memory_space<hbm>>) target_semaphore(%run_scoped3A : memref<!tpu.dma_semaphore, #tpu.memory_space<semaphore_mem>>)
        %dma_wait3A = arith.constant 0 : i32
        %dma_wait3A_28 = arith.constant 0 : i32
        %dma_wait3A_29 = tpu.memref_slice %arg5[%arg0, %dma_wait3A, %dma_wait3A_28] : memref<2x10000x128xf32, #tpu.memory_space<hbm>> -> memref<1x10000x128xf32, #tpu.memory_space<hbm>>
        %dma_wait3A_30 = tpu.memref_squeeze %dma_wait3A_29 : memref<1x10000x128xf32, #tpu.memory_space<hbm>> -> memref<10000x128xf32, #tpu.memory_space<hbm>>
        %dma_wait3A_31 = arith.constant 9984 : i32
        %dma_wait3A_32 = arith.constant 0 : i32
        %dma_wait3A_33 = tpu.memref_slice %dma_wait3A_30[%dma_wait3A_31, %dma_wait3A_32] : memref<10000x128xf32, #tpu.memory_space<hbm>> -> memref<16x128xf32, #tpu.memory_space<hbm>>
        %dma_wait3A_34 = arith.constant 9984 : i32
        %dma_wait3A_35 = arith.constant 0 : i32
        %dma_wait3A_36 = tpu.memref_slice %arg8[%dma_wait3A_34, %dma_wait3A_35] : memref<10112x128xf32, #tpu.memory_space<vmem_shared>> -> memref<16x128xf32, #tpu.memory_space<vmem_shared>>
        tpu.wait_dma2 semaphore(%run_scoped3A : memref<!tpu.dma_semaphore, #tpu.memory_space<semaphore_mem>>) src(%dma_wait3A_36 : memref<16x128xf32, #tpu.memory_space<vmem_shared>>) dst(%dma_wait3A_33 : memref<16x128xf32, #tpu.memory_space<hbm>>)
        tpu.yield
      }) : () -> ()
    } else {
    }
    return
  }
}

module attributes {stable_mosaic.version = 14 : i64} {
  func.func @body(%arg0: i32, %arg1: memref<2000x32xf32, #tpu.memory_space<vmem>>, %arg2: memref<32x128xf32, #tpu.memory_space<vmem>>, %arg3: memref<8x128xf32, #tpu.memory_space<vmem>>, %arg4: memref<128x128xf32, #tpu.memory_space<vmem>>, %arg5: memref<8x128xf32, #tpu.memory_space<vmem>>, %arg6: memref<128x128xf32, #tpu.memory_space<vmem>>, %arg7: memref<128x128xf32, #tpu.memory_space<vmem>>, %arg8: memref<2000x128xf32, #tpu.memory_space<vmem>>, %arg9: memref<2000x128xf32, #tpu.memory_space<vmem>>, %arg10: memref<2000x128xf32, #tpu.memory_space<vmem>>) attributes {dimension_semantics = [#tpu.dimension_semantics<arbitrary>], iteration_bounds = array<i64: 5>, scalar_prefetch = 0 : i64, scratch_operands = 0 : i64, tpu.core_type = #tpu.core_type<tc>, window_params = [{transform_indices = @transform_0, window_bounds = array<i64: 2000, 32>}, {pipeline_mode = #tpu.pipeline_mode<synchronous>, transform_indices = @transform_1, window_bounds = array<i64: 32, 128>}, {pipeline_mode = #tpu.pipeline_mode<synchronous>, transform_indices = @transform_2, window_bounds = array<i64: 8, 128>}, {pipeline_mode = #tpu.pipeline_mode<synchronous>, transform_indices = @transform_3, window_bounds = array<i64: 128, 128>}, {pipeline_mode = #tpu.pipeline_mode<synchronous>, transform_indices = @transform_4, window_bounds = array<i64: 8, 128>}, {pipeline_mode = #tpu.pipeline_mode<synchronous>, transform_indices = @transform_5, window_bounds = array<i64: 128, 128>}, {pipeline_mode = #tpu.pipeline_mode<synchronous>, transform_indices = @transform_6, window_bounds = array<i64: 128, 128>}, {transform_indices = @transform_7, window_bounds = array<i64: 2000, 128>}, {transform_indices = @transform_8, window_bounds = array<i64: 2000, 128>}, {transform_indices = @transform_9, window_bounds = array<i64: 2000, 128>}]} {
    %get3A = arith.constant 0 : index
    %get3A_0 = arith.constant 0 : index
    %get3A_1 = vector.load %arg1[%get3A, %get3A_0] : memref<2000x32xf32, #tpu.memory_space<vmem>>, vector<2000x32xf32>
    %get3A_2 = arith.constant 0 : index
    %get3A_3 = arith.constant 0 : index
    %get3A_4 = vector.load %arg2[%get3A_2, %get3A_3] : memref<32x128xf32, #tpu.memory_space<vmem>>, vector<32x128xf32>
    %dot_general3A = arith.constant dense<0.000000e+00> : vector<2000x128xf32>
    %dot_general3A_5 = tpu.matmul %get3A_1, %get3A_4, %dot_general3A {dimension_numbers = #tpu.dot_dimension_numbers<[1], [0], [0], [1], [0, 0, 1, 1], [], []>, transpose_lhs_hint = false} : vector<2000x32xf32>, vector<32x128xf32>, vector<2000x128xf32> -> vector<2000x128xf32>
    %get3A_6 = arith.constant 0 : index
    %get3A_7 = arith.constant 0 : index
    %get3A_8 = vector.load %arg3[%get3A_6, %get3A_7] : memref<8x128xf32, #tpu.memory_space<vmem>>, vector<1x128xf32>
    %add3A = vector.broadcast %get3A_8 : vector<1x128xf32> to vector<2000x128xf32>
    %add3A_9 = arith.addf %dot_general3A_5, %add3A : vector<2000x128xf32>
    %max3A = arith.constant 0.000000e+00 : f32
    %max3A_10 = vector.broadcast %max3A : f32 to vector<2000x128xf32>
    %max3A_11 = arith.maximumf %add3A_9, %max3A_10 : vector<2000x128xf32>
    %get3A_12 = arith.constant 0 : index
    %get3A_13 = arith.constant 0 : index
    %get3A_14 = vector.load %arg4[%get3A_12, %get3A_13] : memref<128x128xf32, #tpu.memory_space<vmem>>, vector<128x128xf32>
    %dot_general3A_15 = arith.constant dense<0.000000e+00> : vector<2000x128xf32>
    %dot_general3A_16 = tpu.matmul %max3A_11, %get3A_14, %dot_general3A_15 {dimension_numbers = #tpu.dot_dimension_numbers<[1], [0], [0], [1], [0, 0, 1, 1], [], []>, transpose_lhs_hint = false} : vector<2000x128xf32>, vector<128x128xf32>, vector<2000x128xf32> -> vector<2000x128xf32>
    %get3A_17 = arith.constant 0 : index
    %get3A_18 = arith.constant 0 : index
    %get3A_19 = vector.load %arg5[%get3A_17, %get3A_18] : memref<8x128xf32, #tpu.memory_space<vmem>>, vector<1x128xf32>
    %add3A_20 = vector.broadcast %get3A_19 : vector<1x128xf32> to vector<2000x128xf32>
    %add3A_21 = arith.addf %dot_general3A_16, %add3A_20 : vector<2000x128xf32>
    %reduce_sum3A = arith.constant dense<0.000000e+00> : vector<2000xf32>
    %reduce_sum3A_22 = vector.multi_reduction <add>, %add3A_21, %reduce_sum3A [1] : vector<2000x128xf32> to vector<2000xf32>
    %broadcast_in_dim3A = vector.shape_cast %reduce_sum3A_22 : vector<2000xf32> to vector<2000x1xf32>
    %div3A = arith.constant 1.280000e+02 : f32
    %div3A_23 = vector.broadcast %div3A : f32 to vector<2000x1xf32>
    %div3A_24 = arith.divf %broadcast_in_dim3A, %div3A_23 : vector<2000x1xf32>
    %jit3A = arith.constant 0 : i32
    %reduce_sum3A_25 = arith.constant dense<0.000000e+00> : vector<2000xf32>
    %reduce_sum3A_26 = vector.multi_reduction <add>, %add3A_21, %reduce_sum3A_25 [1] : vector<2000x128xf32> to vector<2000xf32>
    %broadcast_in_dim3A_27 = vector.shape_cast %reduce_sum3A_26 : vector<2000xf32> to vector<2000x1xf32>
    %div3A_28 = arith.constant 1.280000e+02 : f32
    %div3A_29 = vector.broadcast %div3A_28 : f32 to vector<2000x1xf32>
    %div3A_30 = arith.divf %broadcast_in_dim3A_27, %div3A_29 : vector<2000x1xf32>
    %sub3A = vector.broadcast %div3A_30 : vector<2000x1xf32> to vector<2000x128xf32>
    %sub3A_31 = arith.subf %add3A_21, %sub3A : vector<2000x128xf32>
    %square3A = arith.mulf %sub3A_31, %sub3A_31 : vector<2000x128xf32>
    %convert_element_type3A = arith.sitofp %jit3A : i32 to f32
    %sub3A_32 = arith.constant 1.280000e+02 : f32
    %sub3A_33 = arith.subf %sub3A_32, %convert_element_type3A : f32
    %reduce_sum3A_34 = arith.constant dense<0.000000e+00> : vector<2000xf32>
    %reduce_sum3A_35 = vector.multi_reduction <add>, %square3A, %reduce_sum3A_34 [1] : vector<2000x128xf32> to vector<2000xf32>
    %broadcast_in_dim3A_36 = vector.shape_cast %reduce_sum3A_35 : vector<2000xf32> to vector<2000x1xf32>
    %div3A_37 = vector.broadcast %sub3A_33 : f32 to vector<2000x1xf32>
    %div3A_38 = arith.divf %broadcast_in_dim3A_36, %div3A_37 : vector<2000x1xf32>
    %gt3A = arith.constant 0.000000e+00 : f32
    %gt3A_39 = arith.cmpf ogt, %sub3A_33, %gt3A : f32
    %jit3A_40 = arith.constant 0x7FC00000 : f32
    %broadcast_in_dim3A_41 = vector.broadcast %jit3A_40 : f32 to vector<2000x1xf32>
    %select_n3A = arith.select %gt3A_39, %div3A_38, %broadcast_in_dim3A_41 : vector<2000x1xf32>
    %sub3A_42 = vector.broadcast %div3A_24 : vector<2000x1xf32> to vector<2000x128xf32>
    %sub3A_43 = arith.subf %add3A_21, %sub3A_42 : vector<2000x128xf32>
    %add3A_44 = arith.constant 9.99999974E-6 : f32
    %add3A_45 = vector.broadcast %add3A_44 : f32 to vector<2000x1xf32>
    %add3A_46 = arith.addf %select_n3A, %add3A_45 : vector<2000x1xf32>
    %sqrt3A = math.sqrt %add3A_46 : vector<2000x1xf32>
    %div3A_47 = vector.broadcast %sqrt3A : vector<2000x1xf32> to vector<2000x128xf32>
    %div3A_48 = arith.divf %sub3A_43, %div3A_47 : vector<2000x128xf32>
    %swap3A = arith.constant 0 : index
    %swap3A_49 = arith.constant 0 : index
    %swap3A_50 = vector.load %arg8[%swap3A, %swap3A_49] : memref<2000x128xf32, #tpu.memory_space<vmem>>, vector<2000x128xf32>
    tpu.vector_store %arg8[%swap3A, %swap3A_49], %div3A_48 {strides = array<i32>} : memref<2000x128xf32, #tpu.memory_space<vmem>>, vector<2000x128xf32>,
    %get3A_51 = arith.constant 0 : index
    %get3A_52 = arith.constant 0 : index
    %get3A_53 = vector.load %arg6[%get3A_51, %get3A_52] : memref<128x128xf32, #tpu.memory_space<vmem>>, vector<128x128xf32>
    %dot_general3A_54 = arith.constant dense<0.000000e+00> : vector<2000x128xf32>
    %dot_general3A_55 = tpu.matmul %div3A_48, %get3A_53, %dot_general3A_54 {dimension_numbers = #tpu.dot_dimension_numbers<[1], [0], [0], [1], [0, 0, 1, 1], [], []>, transpose_lhs_hint = false} : vector<2000x128xf32>, vector<128x128xf32>, vector<2000x128xf32> -> vector<2000x128xf32>
    %swap3A_56 = arith.constant 0 : index
    %swap3A_57 = arith.constant 0 : index
    %swap3A_58 = vector.load %arg9[%swap3A_56, %swap3A_57] : memref<2000x128xf32, #tpu.memory_space<vmem>>, vector<2000x128xf32>
    tpu.vector_store %arg9[%swap3A_56, %swap3A_57], %dot_general3A_55 {strides = array<i32>} : memref<2000x128xf32, #tpu.memory_space<vmem>>, vector<2000x128xf32>,
    %get3A_59 = arith.constant 0 : index
    %get3A_60 = arith.constant 0 : index
    %get3A_61 = vector.load %arg7[%get3A_59, %get3A_60] : memref<128x128xf32, #tpu.memory_space<vmem>>, vector<128x128xf32>
    %dot_general3A_62 = arith.constant dense<0.000000e+00> : vector<2000x128xf32>
    %dot_general3A_63 = tpu.matmul %div3A_48, %get3A_61, %dot_general3A_62 {dimension_numbers = #tpu.dot_dimension_numbers<[1], [0], [0], [1], [0, 0, 1, 1], [], []>, transpose_lhs_hint = false} : vector<2000x128xf32>, vector<128x128xf32>, vector<2000x128xf32> -> vector<2000x128xf32>
    %swap3A_64 = arith.constant 0 : index
    %swap3A_65 = arith.constant 0 : index
    %swap3A_66 = vector.load %arg10[%swap3A_64, %swap3A_65] : memref<2000x128xf32, #tpu.memory_space<vmem>>, vector<2000x128xf32>
    tpu.vector_store %arg10[%swap3A_64, %swap3A_65], %dot_general3A_63 {strides = array<i32>} : memref<2000x128xf32, #tpu.memory_space<vmem>>, vector<2000x128xf32>,
    return
  }
  func.func @transform_0(%arg0: i32) -> (i32, i32) {
    %c0_i32 = arith.constant 0 : i32
    %c0_i32_0 = arith.constant 0 : i32
    return %arg0, %c0_i32 : i32, i32
  }
  func.func @transform_1(%arg0: i32) -> (i32, i32) {
    %c0_i32 = arith.constant 0 : i32
    %c0_i32_0 = arith.constant 0 : i32
    %c0_i32_1 = arith.constant 0 : i32
    return %c0_i32, %c0_i32_0 : i32, i32
  }
  func.func @transform_2(%arg0: i32) -> (i32, i32) {
    %c0_i32 = arith.constant 0 : i32
    %c0_i32_0 = arith.constant 0 : i32
    %c0_i32_1 = arith.constant 0 : i32
    return %c0_i32, %c0_i32_0 : i32, i32
  }
  func.func @transform_3(%arg0: i32) -> (i32, i32) {
    %c0_i32 = arith.constant 0 : i32
    %c0_i32_0 = arith.constant 0 : i32
    %c0_i32_1 = arith.constant 0 : i32
    return %c0_i32, %c0_i32_0 : i32, i32
  }
  func.func @transform_4(%arg0: i32) -> (i32, i32) {
    %c0_i32 = arith.constant 0 : i32
    %c0_i32_0 = arith.constant 0 : i32
    %c0_i32_1 = arith.constant 0 : i32
    return %c0_i32, %c0_i32_0 : i32, i32
  }
  func.func @transform_5(%arg0: i32) -> (i32, i32) {
    %c0_i32 = arith.constant 0 : i32
    %c0_i32_0 = arith.constant 0 : i32
    %c0_i32_1 = arith.constant 0 : i32
    return %c0_i32, %c0_i32_0 : i32, i32
  }
  func.func @transform_6(%arg0: i32) -> (i32, i32) {
    %c0_i32 = arith.constant 0 : i32
    %c0_i32_0 = arith.constant 0 : i32
    %c0_i32_1 = arith.constant 0 : i32
    return %c0_i32, %c0_i32_0 : i32, i32
  }
  func.func @transform_7(%arg0: i32) -> (i32, i32) {
    %c0_i32 = arith.constant 0 : i32
    %c0_i32_0 = arith.constant 0 : i32
    return %arg0, %c0_i32 : i32, i32
  }
  func.func @transform_8(%arg0: i32) -> (i32, i32) {
    %c0_i32 = arith.constant 0 : i32
    %c0_i32_0 = arith.constant 0 : i32
    return %arg0, %c0_i32 : i32, i32
  }
  func.func @transform_9(%arg0: i32) -> (i32, i32) {
    %c0_i32 = arith.constant 0 : i32
    %c0_i32_0 = arith.constant 0 : i32
    return %arg0, %c0_i32 : i32, i32
  }
}

module attributes {stable_mosaic.version = 14 : i64} {
  func.func @body(%arg0: i32, %arg1: memref<2048x128xf32, #tpu.memory_space<vmem>>, %arg2: memref<2048x128xf32, #tpu.memory_space<vmem>>, %arg3: memref<2048x16xf32, #tpu.memory_space<vmem>>, %arg4: memref<2048x16xf32, #tpu.memory_space<vmem>>, %arg5: memref<8x128xf32, #tpu.memory_space<vmem>>, %arg6: memref<8x128xf32, #tpu.memory_space<vmem>>, %arg7: memref<128x128xf32, #tpu.memory_space<vmem>>, %arg8: memref<8x128xf32, #tpu.memory_space<vmem>>, %arg9: memref<128x128xf32, #tpu.memory_space<vmem>>, %arg10: memref<8x128xf32, #tpu.memory_space<vmem>>, %arg11: memref<128x128xf32, #tpu.memory_space<vmem>>, %arg12: memref<8x128xf32, #tpu.memory_space<vmem>>, %arg13: memref<2048x128xf32, #tpu.memory_space<vmem>>) attributes {dimension_semantics = [#tpu.dimension_semantics<arbitrary>], iteration_bounds = array<i64: 80>, scalar_prefetch = 0 : i64, scratch_operands = 0 : i64, tpu.core_type = #tpu.core_type<tc>, window_params = [{transform_indices = @transform_0, window_bounds = array<i64: 2048, 128>}, {transform_indices = @transform_1, window_bounds = array<i64: 2048, 128>}, {transform_indices = @transform_2, window_bounds = array<i64: 2048, 16>}, {transform_indices = @transform_3, window_bounds = array<i64: 2048, 16>}, {pipeline_mode = #tpu.pipeline_mode<synchronous>, transform_indices = @transform_4, window_bounds = array<i64: 8, 128>}, {pipeline_mode = #tpu.pipeline_mode<synchronous>, transform_indices = @transform_5, window_bounds = array<i64: 8, 128>}, {pipeline_mode = #tpu.pipeline_mode<synchronous>, transform_indices = @transform_6, window_bounds = array<i64: 128, 128>}, {pipeline_mode = #tpu.pipeline_mode<synchronous>, transform_indices = @transform_7, window_bounds = array<i64: 8, 128>}, {pipeline_mode = #tpu.pipeline_mode<synchronous>, transform_indices = @transform_8, window_bounds = array<i64: 128, 128>}, {pipeline_mode = #tpu.pipeline_mode<synchronous>, transform_indices = @transform_9, window_bounds = array<i64: 8, 128>}, {pipeline_mode = #tpu.pipeline_mode<synchronous>, transform_indices = @transform_10, window_bounds = array<i64: 128, 128>}, {pipeline_mode = #tpu.pipeline_mode<synchronous>, transform_indices = @transform_11, window_bounds = array<i64: 8, 128>}, {transform_indices = @transform_12, window_bounds = array<i64: 2048, 128>}]} {
    %get3A = arith.constant 0 : index
    %get3A_0 = arith.constant 0 : index
    %get3A_1 = vector.load %arg3[%get3A, %get3A_0] : memref<2048x16xf32, #tpu.memory_space<vmem>>, vector<2048x16xf32>
    %get3A_2 = arith.constant 0 : index
    %get3A_3 = arith.constant 0 : index
    %get3A_4 = vector.load %arg4[%get3A_2, %get3A_3] : memref<2048x16xf32, #tpu.memory_space<vmem>>, vector<2048x16xf32>
    %sub3A = arith.subf %get3A_1, %get3A_4 : vector<2048x16xf32>
    %mul3A = arith.constant 2.000000e+01 : f32
    %mul3A_5 = vector.broadcast %mul3A : f32 to vector<2048x16xf32>
    %mul3A_6 = arith.mulf %sub3A, %mul3A_5 : vector<2048x16xf32>
    %mul3A_7 = arith.mulf %mul3A_6, %mul3A_6 : vector<2048x16xf32>
    %reduce_sum3A = arith.constant dense<0.000000e+00> : vector<2048xf32>
    %reduce_sum3A_8 = vector.multi_reduction <add>, %mul3A_7, %reduce_sum3A [1] : vector<2048x16xf32> to vector<2048xf32>
    %broadcast_in_dim3A = vector.shape_cast %reduce_sum3A_8 : vector<2048xf32> to vector<2048x1xf32>
    %sqrt3A = math.sqrt %broadcast_in_dim3A : vector<2048x1xf32>
    %get3A_9 = arith.constant 0 : index
    %get3A_10 = arith.constant 0 : index
    %get3A_11 = vector.load %arg5[%get3A_9, %get3A_10] : memref<8x128xf32, #tpu.memory_space<vmem>>, vector<8x128xf32>
    %slice3A = vector.extract_strided_slice %mul3A_6 {offsets = [0, 0], sizes = [2048, 1], strides = [1, 1]} : vector<2048x16xf32> to vector<2048x1xf32>
    %slice3A_12 = vector.extract_strided_slice %get3A_11 {offsets = [0, 0], sizes = [1, 128], strides = [1, 1]} : vector<8x128xf32> to vector<1x128xf32>
    %mul3A_13 = vector.broadcast %slice3A : vector<2048x1xf32> to vector<2048x128xf32>
    %mul3A_14 = vector.broadcast %slice3A_12 : vector<1x128xf32> to vector<2048x128xf32>
    %mul3A_15 = arith.mulf %mul3A_13, %mul3A_14 : vector<2048x128xf32>
    %slice3A_16 = vector.extract_strided_slice %mul3A_6 {offsets = [0, 1], sizes = [2048, 1], strides = [1, 1]} : vector<2048x16xf32> to vector<2048x1xf32>
    %slice3A_17 = vector.extract_strided_slice %get3A_11 {offsets = [1, 0], sizes = [1, 128], strides = [1, 1]} : vector<8x128xf32> to vector<1x128xf32>
    %mul3A_18 = vector.broadcast %slice3A_16 : vector<2048x1xf32> to vector<2048x128xf32>
    %mul3A_19 = vector.broadcast %slice3A_17 : vector<1x128xf32> to vector<2048x128xf32>
    %mul3A_20 = arith.mulf %mul3A_18, %mul3A_19 : vector<2048x128xf32>
    %add3A = arith.addf %mul3A_15, %mul3A_20 : vector<2048x128xf32>
    %slice3A_21 = vector.extract_strided_slice %mul3A_6 {offsets = [0, 2], sizes = [2048, 1], strides = [1, 1]} : vector<2048x16xf32> to vector<2048x1xf32>
    %slice3A_22 = vector.extract_strided_slice %get3A_11 {offsets = [2, 0], sizes = [1, 128], strides = [1, 1]} : vector<8x128xf32> to vector<1x128xf32>
    %mul3A_23 = vector.broadcast %slice3A_21 : vector<2048x1xf32> to vector<2048x128xf32>
    %mul3A_24 = vector.broadcast %slice3A_22 : vector<1x128xf32> to vector<2048x128xf32>
    %mul3A_25 = arith.mulf %mul3A_23, %mul3A_24 : vector<2048x128xf32>
    %add3A_26 = arith.addf %add3A, %mul3A_25 : vector<2048x128xf32>
    %slice3A_27 = vector.extract_strided_slice %get3A_11 {offsets = [3, 0], sizes = [1, 128], strides = [1, 1]} : vector<8x128xf32> to vector<1x128xf32>
    %mul3A_28 = vector.broadcast %sqrt3A : vector<2048x1xf32> to vector<2048x128xf32>
    %mul3A_29 = vector.broadcast %slice3A_27 : vector<1x128xf32> to vector<2048x128xf32>
    %mul3A_30 = arith.mulf %mul3A_28, %mul3A_29 : vector<2048x128xf32>
    %add3A_31 = arith.addf %add3A_26, %mul3A_30 : vector<2048x128xf32>
    %get3A_32 = arith.constant 0 : index
    %get3A_33 = arith.constant 0 : index
    %get3A_34 = vector.load %arg6[%get3A_32, %get3A_33] : memref<8x128xf32, #tpu.memory_space<vmem>>, vector<1x128xf32>
    %add3A_35 = vector.broadcast %get3A_34 : vector<1x128xf32> to vector<2048x128xf32>
    %add3A_36 = arith.addf %add3A_31, %add3A_35 : vector<2048x128xf32>
    %max3A = arith.constant 0.000000e+00 : f32
    %max3A_37 = vector.broadcast %max3A : f32 to vector<2048x128xf32>
    %max3A_38 = arith.maximumf %add3A_36, %max3A_37 : vector<2048x128xf32>
    %get3A_39 = arith.constant 0 : index
    %get3A_40 = arith.constant 0 : index
    %get3A_41 = vector.load %arg7[%get3A_39, %get3A_40] : memref<128x128xf32, #tpu.memory_space<vmem>>, vector<128x128xf32>
    %dot_general3A = arith.constant dense<0.000000e+00> : vector<2048x128xf32>
    %dot_general3A_42 = tpu.matmul %max3A_38, %get3A_41, %dot_general3A {dimension_numbers = #tpu.dot_dimension_numbers<[1], [0], [0], [1], [0, 0, 1, 1], [], []>, transpose_lhs_hint = false} : vector<2048x128xf32>, vector<128x128xf32>, vector<2048x128xf32> -> vector<2048x128xf32>
    %get3A_43 = arith.constant 0 : index
    %get3A_44 = arith.constant 0 : index
    %get3A_45 = vector.load %arg8[%get3A_43, %get3A_44] : memref<8x128xf32, #tpu.memory_space<vmem>>, vector<1x128xf32>
    %add3A_46 = vector.broadcast %get3A_45 : vector<1x128xf32> to vector<2048x128xf32>
    %add3A_47 = arith.addf %dot_general3A_42, %add3A_46 : vector<2048x128xf32>
    %reduce_sum3A_48 = arith.constant dense<0.000000e+00> : vector<2048xf32>
    %reduce_sum3A_49 = vector.multi_reduction <add>, %add3A_47, %reduce_sum3A_48 [1] : vector<2048x128xf32> to vector<2048xf32>
    %broadcast_in_dim3A_50 = vector.shape_cast %reduce_sum3A_49 : vector<2048xf32> to vector<2048x1xf32>
    %div3A = arith.constant 1.280000e+02 : f32
    %div3A_51 = vector.broadcast %div3A : f32 to vector<2048x1xf32>
    %div3A_52 = arith.divf %broadcast_in_dim3A_50, %div3A_51 : vector<2048x1xf32>
    %jit3A = arith.constant 0 : i32
    %reduce_sum3A_53 = arith.constant dense<0.000000e+00> : vector<2048xf32>
    %reduce_sum3A_54 = vector.multi_reduction <add>, %add3A_47, %reduce_sum3A_53 [1] : vector<2048x128xf32> to vector<2048xf32>
    %broadcast_in_dim3A_55 = vector.shape_cast %reduce_sum3A_54 : vector<2048xf32> to vector<2048x1xf32>
    %div3A_56 = arith.constant 1.280000e+02 : f32
    %div3A_57 = vector.broadcast %div3A_56 : f32 to vector<2048x1xf32>
    %div3A_58 = arith.divf %broadcast_in_dim3A_55, %div3A_57 : vector<2048x1xf32>
    %sub3A_59 = vector.broadcast %div3A_58 : vector<2048x1xf32> to vector<2048x128xf32>
    %sub3A_60 = arith.subf %add3A_47, %sub3A_59 : vector<2048x128xf32>
    %square3A = arith.mulf %sub3A_60, %sub3A_60 : vector<2048x128xf32>
    %convert_element_type3A = arith.sitofp %jit3A : i32 to f32
    %sub3A_61 = arith.constant 1.280000e+02 : f32
    %sub3A_62 = arith.subf %sub3A_61, %convert_element_type3A : f32
    %reduce_sum3A_63 = arith.constant dense<0.000000e+00> : vector<2048xf32>
    %reduce_sum3A_64 = vector.multi_reduction <add>, %square3A, %reduce_sum3A_63 [1] : vector<2048x128xf32> to vector<2048xf32>
    %broadcast_in_dim3A_65 = vector.shape_cast %reduce_sum3A_64 : vector<2048xf32> to vector<2048x1xf32>
    %div3A_66 = vector.broadcast %sub3A_62 : f32 to vector<2048x1xf32>
    %div3A_67 = arith.divf %broadcast_in_dim3A_65, %div3A_66 : vector<2048x1xf32>
    %gt3A = arith.constant 0.000000e+00 : f32
    %gt3A_68 = arith.cmpf ogt, %sub3A_62, %gt3A : f32
    %jit3A_69 = arith.constant 0x7FC00000 : f32
    %broadcast_in_dim3A_70 = vector.broadcast %jit3A_69 : f32 to vector<2048x1xf32>
    %select_n3A = arith.select %gt3A_68, %div3A_67, %broadcast_in_dim3A_70 : vector<2048x1xf32>
    %sub3A_71 = vector.broadcast %div3A_52 : vector<2048x1xf32> to vector<2048x128xf32>
    %sub3A_72 = arith.subf %add3A_47, %sub3A_71 : vector<2048x128xf32>
    %add3A_73 = arith.constant 9.99999974E-6 : f32
    %add3A_74 = vector.broadcast %add3A_73 : f32 to vector<2048x1xf32>
    %add3A_75 = arith.addf %select_n3A, %add3A_74 : vector<2048x1xf32>
    %sqrt3A_76 = math.sqrt %add3A_75 : vector<2048x1xf32>
    %div3A_77 = vector.broadcast %sqrt3A_76 : vector<2048x1xf32> to vector<2048x128xf32>
    %div3A_78 = arith.divf %sub3A_72, %div3A_77 : vector<2048x128xf32>
    %get3A_79 = arith.constant 0 : index
    %get3A_80 = arith.constant 0 : index
    %get3A_81 = vector.load %arg9[%get3A_79, %get3A_80] : memref<128x128xf32, #tpu.memory_space<vmem>>, vector<128x128xf32>
    %dot_general3A_82 = arith.constant dense<0.000000e+00> : vector<2048x128xf32>
    %dot_general3A_83 = tpu.matmul %div3A_78, %get3A_81, %dot_general3A_82 {dimension_numbers = #tpu.dot_dimension_numbers<[1], [0], [0], [1], [0, 0, 1, 1], [], []>, transpose_lhs_hint = false} : vector<2048x128xf32>, vector<128x128xf32>, vector<2048x128xf32> -> vector<2048x128xf32>
    %get3A_84 = arith.constant 0 : index
    %get3A_85 = arith.constant 0 : index
    %get3A_86 = vector.load %arg1[%get3A_84, %get3A_85] : memref<2048x128xf32, #tpu.memory_space<vmem>>, vector<2048x128xf32>
    %add3A_87 = arith.addf %dot_general3A_83, %get3A_86 : vector<2048x128xf32>
    %get3A_88 = arith.constant 0 : index
    %get3A_89 = arith.constant 0 : index
    %get3A_90 = vector.load %arg2[%get3A_88, %get3A_89] : memref<2048x128xf32, #tpu.memory_space<vmem>>, vector<2048x128xf32>
    %add3A_91 = arith.addf %add3A_87, %get3A_90 : vector<2048x128xf32>
    %get3A_92 = arith.constant 0 : index
    %get3A_93 = arith.constant 0 : index
    %get3A_94 = vector.load %arg10[%get3A_92, %get3A_93] : memref<8x128xf32, #tpu.memory_space<vmem>>, vector<1x128xf32>
    %add3A_95 = vector.broadcast %get3A_94 : vector<1x128xf32> to vector<2048x128xf32>
    %add3A_96 = arith.addf %add3A_91, %add3A_95 : vector<2048x128xf32>
    %max3A_97 = arith.constant 0.000000e+00 : f32
    %max3A_98 = vector.broadcast %max3A_97 : f32 to vector<2048x128xf32>
    %max3A_99 = arith.maximumf %add3A_96, %max3A_98 : vector<2048x128xf32>
    %get3A_100 = arith.constant 0 : index
    %get3A_101 = arith.constant 0 : index
    %get3A_102 = vector.load %arg11[%get3A_100, %get3A_101] : memref<128x128xf32, #tpu.memory_space<vmem>>, vector<128x128xf32>
    %dot_general3A_103 = arith.constant dense<0.000000e+00> : vector<2048x128xf32>
    %dot_general3A_104 = tpu.matmul %max3A_99, %get3A_102, %dot_general3A_103 {dimension_numbers = #tpu.dot_dimension_numbers<[1], [0], [0], [1], [0, 0, 1, 1], [], []>, transpose_lhs_hint = false} : vector<2048x128xf32>, vector<128x128xf32>, vector<2048x128xf32> -> vector<2048x128xf32>
    %get3A_105 = arith.constant 0 : index
    %get3A_106 = arith.constant 0 : index
    %get3A_107 = vector.load %arg12[%get3A_105, %get3A_106] : memref<8x128xf32, #tpu.memory_space<vmem>>, vector<1x128xf32>
    %add3A_108 = vector.broadcast %get3A_107 : vector<1x128xf32> to vector<2048x128xf32>
    %add3A_109 = arith.addf %dot_general3A_104, %add3A_108 : vector<2048x128xf32>
    %reduce_sum3A_110 = arith.constant dense<0.000000e+00> : vector<2048xf32>
    %reduce_sum3A_111 = vector.multi_reduction <add>, %add3A_109, %reduce_sum3A_110 [1] : vector<2048x128xf32> to vector<2048xf32>
    %broadcast_in_dim3A_112 = vector.shape_cast %reduce_sum3A_111 : vector<2048xf32> to vector<2048x1xf32>
    %div3A_113 = arith.constant 1.280000e+02 : f32
    %div3A_114 = vector.broadcast %div3A_113 : f32 to vector<2048x1xf32>
    %div3A_115 = arith.divf %broadcast_in_dim3A_112, %div3A_114 : vector<2048x1xf32>
    %jit3A_116 = arith.constant 0 : i32
    %reduce_sum3A_117 = arith.constant dense<0.000000e+00> : vector<2048xf32>
    %reduce_sum3A_118 = vector.multi_reduction <add>, %add3A_109, %reduce_sum3A_117 [1] : vector<2048x128xf32> to vector<2048xf32>
    %broadcast_in_dim3A_119 = vector.shape_cast %reduce_sum3A_118 : vector<2048xf32> to vector<2048x1xf32>
    %div3A_120 = arith.constant 1.280000e+02 : f32
    %div3A_121 = vector.broadcast %div3A_120 : f32 to vector<2048x1xf32>
    %div3A_122 = arith.divf %broadcast_in_dim3A_119, %div3A_121 : vector<2048x1xf32>
    %sub3A_123 = vector.broadcast %div3A_122 : vector<2048x1xf32> to vector<2048x128xf32>
    %sub3A_124 = arith.subf %add3A_109, %sub3A_123 : vector<2048x128xf32>
    %square3A_125 = arith.mulf %sub3A_124, %sub3A_124 : vector<2048x128xf32>
    %convert_element_type3A_126 = arith.sitofp %jit3A_116 : i32 to f32
    %sub3A_127 = arith.constant 1.280000e+02 : f32
    %sub3A_128 = arith.subf %sub3A_127, %convert_element_type3A_126 : f32
    %reduce_sum3A_129 = arith.constant dense<0.000000e+00> : vector<2048xf32>
    %reduce_sum3A_130 = vector.multi_reduction <add>, %square3A_125, %reduce_sum3A_129 [1] : vector<2048x128xf32> to vector<2048xf32>
    %broadcast_in_dim3A_131 = vector.shape_cast %reduce_sum3A_130 : vector<2048xf32> to vector<2048x1xf32>
    %div3A_132 = vector.broadcast %sub3A_128 : f32 to vector<2048x1xf32>
    %div3A_133 = arith.divf %broadcast_in_dim3A_131, %div3A_132 : vector<2048x1xf32>
    %gt3A_134 = arith.constant 0.000000e+00 : f32
    %gt3A_135 = arith.cmpf ogt, %sub3A_128, %gt3A_134 : f32
    %jit3A_136 = arith.constant 0x7FC00000 : f32
    %broadcast_in_dim3A_137 = vector.broadcast %jit3A_136 : f32 to vector<2048x1xf32>
    %select_n3A_138 = arith.select %gt3A_135, %div3A_133, %broadcast_in_dim3A_137 : vector<2048x1xf32>
    %sub3A_139 = vector.broadcast %div3A_115 : vector<2048x1xf32> to vector<2048x128xf32>
    %sub3A_140 = arith.subf %add3A_109, %sub3A_139 : vector<2048x128xf32>
    %add3A_141 = arith.constant 9.99999974E-6 : f32
    %add3A_142 = vector.broadcast %add3A_141 : f32 to vector<2048x1xf32>
    %add3A_143 = arith.addf %select_n3A_138, %add3A_142 : vector<2048x1xf32>
    %sqrt3A_144 = math.sqrt %add3A_143 : vector<2048x1xf32>
    %div3A_145 = vector.broadcast %sqrt3A_144 : vector<2048x1xf32> to vector<2048x128xf32>
    %div3A_146 = arith.divf %sub3A_140, %div3A_145 : vector<2048x128xf32>
    %add3A_147 = arith.addf %div3A_78, %div3A_146 : vector<2048x128xf32>
    %swap3A = arith.constant 0 : index
    %swap3A_148 = arith.constant 0 : index
    %swap3A_149 = vector.load %arg13[%swap3A, %swap3A_148] : memref<2048x128xf32, #tpu.memory_space<vmem>>, vector<2048x128xf32>
    tpu.vector_store %arg13[%swap3A, %swap3A_148], %add3A_147 {strides = array<i32>} : memref<2048x128xf32, #tpu.memory_space<vmem>>, vector<2048x128xf32>,
    return
  }
  func.func @transform_0(%arg0: i32) -> (i32, i32) {
    %c0_i32 = arith.constant 0 : i32
    %c0_i32_0 = arith.constant 0 : i32
    return %arg0, %c0_i32 : i32, i32
  }
  func.func @transform_1(%arg0: i32) -> (i32, i32) {
    %c0_i32 = arith.constant 0 : i32
    %c0_i32_0 = arith.constant 0 : i32
    return %arg0, %c0_i32 : i32, i32
  }
  func.func @transform_2(%arg0: i32) -> (i32, i32) {
    %c0_i32 = arith.constant 0 : i32
    %c0_i32_0 = arith.constant 0 : i32
    return %arg0, %c0_i32 : i32, i32
  }
  func.func @transform_3(%arg0: i32) -> (i32, i32) {
    %c0_i32 = arith.constant 0 : i32
    %c0_i32_0 = arith.constant 0 : i32
    return %arg0, %c0_i32 : i32, i32
  }
  func.func @transform_4(%arg0: i32) -> (i32, i32) {
    %c0_i32 = arith.constant 0 : i32
    %c0_i32_0 = arith.constant 0 : i32
    %c0_i32_1 = arith.constant 0 : i32
    return %c0_i32, %c0_i32_0 : i32, i32
  }
  func.func @transform_5(%arg0: i32) -> (i32, i32) {
    %c0_i32 = arith.constant 0 : i32
    %c0_i32_0 = arith.constant 0 : i32
    %c0_i32_1 = arith.constant 0 : i32
    return %c0_i32, %c0_i32_0 : i32, i32
  }
  func.func @transform_6(%arg0: i32) -> (i32, i32) {
    %c0_i32 = arith.constant 0 : i32
    %c0_i32_0 = arith.constant 0 : i32
    %c0_i32_1 = arith.constant 0 : i32
    return %c0_i32, %c0_i32_0 : i32, i32
  }
  func.func @transform_7(%arg0: i32) -> (i32, i32) {
    %c0_i32 = arith.constant 0 : i32
    %c0_i32_0 = arith.constant 0 : i32
    %c0_i32_1 = arith.constant 0 : i32
    return %c0_i32, %c0_i32_0 : i32, i32
  }
  func.func @transform_8(%arg0: i32) -> (i32, i32) {
    %c0_i32 = arith.constant 0 : i32
    %c0_i32_0 = arith.constant 0 : i32
    %c0_i32_1 = arith.constant 0 : i32
    return %c0_i32, %c0_i32_0 : i32, i32
  }
  func.func @transform_9(%arg0: i32) -> (i32, i32) {
    %c0_i32 = arith.constant 0 : i32
    %c0_i32_0 = arith.constant 0 : i32
    %c0_i32_1 = arith.constant 0 : i32
    return %c0_i32, %c0_i32_0 : i32, i32
  }
  func.func @transform_10(%arg0: i32) -> (i32, i32) {
    %c0_i32 = arith.constant 0 : i32
    %c0_i32_0 = arith.constant 0 : i32
    %c0_i32_1 = arith.constant 0 : i32
    return %c0_i32, %c0_i32_0 : i32, i32
  }
  func.func @transform_11(%arg0: i32) -> (i32, i32) {
    %c0_i32 = arith.constant 0 : i32
    %c0_i32_0 = arith.constant 0 : i32
    %c0_i32_1 = arith.constant 0 : i32
    return %c0_i32, %c0_i32_0 : i32, i32
  }
  func.func @transform_12(%arg0: i32) -> (i32, i32) {
    %c0_i32 = arith.constant 0 : i32
    %c0_i32_0 = arith.constant 0 : i32
    return %arg0, %c0_i32 : i32, i32
  }
}

module attributes {stable_mosaic.version = 14 : i64} {
  func.func @body(%arg0: i32, %arg1: memref<2000x128xf32, #tpu.memory_space<vmem>>, %arg2: memref<2000x128xf32, #tpu.memory_space<vmem>>, %arg3: memref<2000x128xf32, #tpu.memory_space<vmem>>, %arg4: memref<128x128xf32, #tpu.memory_space<vmem>>, %arg5: memref<128x128xf32, #tpu.memory_space<vmem>>, %arg6: memref<8x128xf32, #tpu.memory_space<vmem>>, %arg7: memref<128x128xf32, #tpu.memory_space<vmem>>, %arg8: memref<8x128xf32, #tpu.memory_space<vmem>>, %arg9: memref<128x128xf32, #tpu.memory_space<vmem>>, %arg10: memref<128x128xf32, #tpu.memory_space<vmem>>, %arg11: memref<2000x128xf32, #tpu.memory_space<vmem>>, %arg12: memref<2000x128xf32, #tpu.memory_space<vmem>>, %arg13: memref<2000x128xf32, #tpu.memory_space<vmem>>) attributes {dimension_semantics = [#tpu.dimension_semantics<arbitrary>], iteration_bounds = array<i64: 5>, scalar_prefetch = 0 : i64, scratch_operands = 0 : i64, tpu.core_type = #tpu.core_type<tc>, window_params = [{transform_indices = @transform_0, window_bounds = array<i64: 2000, 128>}, {transform_indices = @transform_1, window_bounds = array<i64: 2000, 128>}, {transform_indices = @transform_2, window_bounds = array<i64: 2000, 128>}, {pipeline_mode = #tpu.pipeline_mode<synchronous>, transform_indices = @transform_3, window_bounds = array<i64: 128, 128>}, {pipeline_mode = #tpu.pipeline_mode<synchronous>, transform_indices = @transform_4, window_bounds = array<i64: 128, 128>}, {pipeline_mode = #tpu.pipeline_mode<synchronous>, transform_indices = @transform_5, window_bounds = array<i64: 8, 128>}, {pipeline_mode = #tpu.pipeline_mode<synchronous>, transform_indices = @transform_6, window_bounds = array<i64: 128, 128>}, {pipeline_mode = #tpu.pipeline_mode<synchronous>, transform_indices = @transform_7, window_bounds = array<i64: 8, 128>}, {pipeline_mode = #tpu.pipeline_mode<synchronous>, transform_indices = @transform_8, window_bounds = array<i64: 128, 128>}, {pipeline_mode = #tpu.pipeline_mode<synchronous>, transform_indices = @transform_9, window_bounds = array<i64: 128, 128>}, {transform_indices = @transform_10, window_bounds = array<i64: 2000, 128>}, {transform_indices = @transform_11, window_bounds = array<i64: 2000, 128>}, {transform_indices = @transform_12, window_bounds = array<i64: 2000, 128>}]} {
    %get3A = arith.constant 0 : index
    %get3A_0 = arith.constant 0 : index
    %get3A_1 = vector.load %arg1[%get3A, %get3A_0] : memref<2000x128xf32, #tpu.memory_space<vmem>>, vector<2000x128xf32>
    %get3A_2 = arith.constant 0 : index
    %get3A_3 = arith.constant 0 : index
    %get3A_4 = vector.load %arg2[%get3A_2, %get3A_3] : memref<2000x128xf32, #tpu.memory_space<vmem>>, vector<2000x128xf32>
    %get3A_5 = arith.constant 0 : index
    %get3A_6 = arith.constant 0 : index
    %get3A_7 = vector.load %arg3[%get3A_5, %get3A_6] : memref<2000x128xf32, #tpu.memory_space<vmem>>, vector<2000x128xf32>
    %add3A = arith.addf %get3A_4, %get3A_7 : vector<2000x128xf32>
    %get3A_8 = arith.constant 0 : index
    %get3A_9 = arith.constant 0 : index
    %get3A_10 = vector.load %arg4[%get3A_8, %get3A_9] : memref<128x128xf32, #tpu.memory_space<vmem>>, vector<128x128xf32>
    %dot_general3A = arith.constant dense<0.000000e+00> : vector<2000x128xf32>
    %dot_general3A_11 = tpu.matmul %get3A_1, %get3A_10, %dot_general3A {dimension_numbers = #tpu.dot_dimension_numbers<[1], [0], [0], [1], [0, 0, 1, 1], [], []>, transpose_lhs_hint = false} : vector<2000x128xf32>, vector<128x128xf32>, vector<2000x128xf32> -> vector<2000x128xf32>
    %get3A_12 = arith.constant 0 : index
    %get3A_13 = arith.constant 0 : index
    %get3A_14 = vector.load %arg5[%get3A_12, %get3A_13] : memref<128x128xf32, #tpu.memory_space<vmem>>, vector<128x128xf32>
    %dot_general3A_15 = arith.constant dense<0.000000e+00> : vector<2000x128xf32>
    %dot_general3A_16 = tpu.matmul %add3A, %get3A_14, %dot_general3A_15 {dimension_numbers = #tpu.dot_dimension_numbers<[1], [0], [0], [1], [0, 0, 1, 1], [], []>, transpose_lhs_hint = false} : vector<2000x128xf32>, vector<128x128xf32>, vector<2000x128xf32> -> vector<2000x128xf32>
    %add3A_17 = arith.addf %dot_general3A_11, %dot_general3A_16 : vector<2000x128xf32>
    %get3A_18 = arith.constant 0 : index
    %get3A_19 = arith.constant 0 : index
    %get3A_20 = vector.load %arg6[%get3A_18, %get3A_19] : memref<8x128xf32, #tpu.memory_space<vmem>>, vector<1x128xf32>
    %add3A_21 = vector.broadcast %get3A_20 : vector<1x128xf32> to vector<2000x128xf32>
    %add3A_22 = arith.addf %add3A_17, %add3A_21 : vector<2000x128xf32>
    %max3A = arith.constant 0.000000e+00 : f32
    %max3A_23 = vector.broadcast %max3A : f32 to vector<2000x128xf32>
    %max3A_24 = arith.maximumf %add3A_22, %max3A_23 : vector<2000x128xf32>
    %get3A_25 = arith.constant 0 : index
    %get3A_26 = arith.constant 0 : index
    %get3A_27 = vector.load %arg7[%get3A_25, %get3A_26] : memref<128x128xf32, #tpu.memory_space<vmem>>, vector<128x128xf32>
    %dot_general3A_28 = arith.constant dense<0.000000e+00> : vector<2000x128xf32>
    %dot_general3A_29 = tpu.matmul %max3A_24, %get3A_27, %dot_general3A_28 {dimension_numbers = #tpu.dot_dimension_numbers<[1], [0], [0], [1], [0, 0, 1, 1], [], []>, transpose_lhs_hint = false} : vector<2000x128xf32>, vector<128x128xf32>, vector<2000x128xf32> -> vector<2000x128xf32>
    %get3A_30 = arith.constant 0 : index
    %get3A_31 = arith.constant 0 : index
    %get3A_32 = vector.load %arg8[%get3A_30, %get3A_31] : memref<8x128xf32, #tpu.memory_space<vmem>>, vector<1x128xf32>
    %add3A_33 = vector.broadcast %get3A_32 : vector<1x128xf32> to vector<2000x128xf32>
    %add3A_34 = arith.addf %dot_general3A_29, %add3A_33 : vector<2000x128xf32>
    %reduce_sum3A = arith.constant dense<0.000000e+00> : vector<2000xf32>
    %reduce_sum3A_35 = vector.multi_reduction <add>, %add3A_34, %reduce_sum3A [1] : vector<2000x128xf32> to vector<2000xf32>
    %broadcast_in_dim3A = vector.shape_cast %reduce_sum3A_35 : vector<2000xf32> to vector<2000x1xf32>
    %div3A = arith.constant 1.280000e+02 : f32
    %div3A_36 = vector.broadcast %div3A : f32 to vector<2000x1xf32>
    %div3A_37 = arith.divf %broadcast_in_dim3A, %div3A_36 : vector<2000x1xf32>
    %jit3A = arith.constant 0 : i32
    %reduce_sum3A_38 = arith.constant dense<0.000000e+00> : vector<2000xf32>
    %reduce_sum3A_39 = vector.multi_reduction <add>, %add3A_34, %reduce_sum3A_38 [1] : vector<2000x128xf32> to vector<2000xf32>
    %broadcast_in_dim3A_40 = vector.shape_cast %reduce_sum3A_39 : vector<2000xf32> to vector<2000x1xf32>
    %div3A_41 = arith.constant 1.280000e+02 : f32
    %div3A_42 = vector.broadcast %div3A_41 : f32 to vector<2000x1xf32>
    %div3A_43 = arith.divf %broadcast_in_dim3A_40, %div3A_42 : vector<2000x1xf32>
    %sub3A = vector.broadcast %div3A_43 : vector<2000x1xf32> to vector<2000x128xf32>
    %sub3A_44 = arith.subf %add3A_34, %sub3A : vector<2000x128xf32>
    %square3A = arith.mulf %sub3A_44, %sub3A_44 : vector<2000x128xf32>
    %convert_element_type3A = arith.sitofp %jit3A : i32 to f32
    %sub3A_45 = arith.constant 1.280000e+02 : f32
    %sub3A_46 = arith.subf %sub3A_45, %convert_element_type3A : f32
    %reduce_sum3A_47 = arith.constant dense<0.000000e+00> : vector<2000xf32>
    %reduce_sum3A_48 = vector.multi_reduction <add>, %square3A, %reduce_sum3A_47 [1] : vector<2000x128xf32> to vector<2000xf32>
    %broadcast_in_dim3A_49 = vector.shape_cast %reduce_sum3A_48 : vector<2000xf32> to vector<2000x1xf32>
    %div3A_50 = vector.broadcast %sub3A_46 : f32 to vector<2000x1xf32>
    %div3A_51 = arith.divf %broadcast_in_dim3A_49, %div3A_50 : vector<2000x1xf32>
    %gt3A = arith.constant 0.000000e+00 : f32
    %gt3A_52 = arith.cmpf ogt, %sub3A_46, %gt3A : f32
    %jit3A_53 = arith.constant 0x7FC00000 : f32
    %broadcast_in_dim3A_54 = vector.broadcast %jit3A_53 : f32 to vector<2000x1xf32>
    %select_n3A = arith.select %gt3A_52, %div3A_51, %broadcast_in_dim3A_54 : vector<2000x1xf32>
    %sub3A_55 = vector.broadcast %div3A_37 : vector<2000x1xf32> to vector<2000x128xf32>
    %sub3A_56 = arith.subf %add3A_34, %sub3A_55 : vector<2000x128xf32>
    %add3A_57 = arith.constant 9.99999974E-6 : f32
    %add3A_58 = vector.broadcast %add3A_57 : f32 to vector<2000x1xf32>
    %add3A_59 = arith.addf %select_n3A, %add3A_58 : vector<2000x1xf32>
    %sqrt3A = math.sqrt %add3A_59 : vector<2000x1xf32>
    %div3A_60 = vector.broadcast %sqrt3A : vector<2000x1xf32> to vector<2000x128xf32>
    %div3A_61 = arith.divf %sub3A_56, %div3A_60 : vector<2000x128xf32>
    %add3A_62 = arith.addf %get3A_1, %div3A_61 : vector<2000x128xf32>
    %swap3A = arith.constant 0 : index
    %swap3A_63 = arith.constant 0 : index
    %swap3A_64 = vector.load %arg11[%swap3A, %swap3A_63] : memref<2000x128xf32, #tpu.memory_space<vmem>>, vector<2000x128xf32>
    tpu.vector_store %arg11[%swap3A, %swap3A_63], %add3A_62 {strides = array<i32>} : memref<2000x128xf32, #tpu.memory_space<vmem>>, vector<2000x128xf32>,
    %get3A_65 = arith.constant 0 : index
    %get3A_66 = arith.constant 0 : index
    %get3A_67 = vector.load %arg9[%get3A_65, %get3A_66] : memref<128x128xf32, #tpu.memory_space<vmem>>, vector<128x128xf32>
    %dot_general3A_68 = arith.constant dense<0.000000e+00> : vector<2000x128xf32>
    %dot_general3A_69 = tpu.matmul %add3A_62, %get3A_67, %dot_general3A_68 {dimension_numbers = #tpu.dot_dimension_numbers<[1], [0], [0], [1], [0, 0, 1, 1], [], []>, transpose_lhs_hint = false} : vector<2000x128xf32>, vector<128x128xf32>, vector<2000x128xf32> -> vector<2000x128xf32>
    %swap3A_70 = arith.constant 0 : index
    %swap3A_71 = arith.constant 0 : index
    %swap3A_72 = vector.load %arg12[%swap3A_70, %swap3A_71] : memref<2000x128xf32, #tpu.memory_space<vmem>>, vector<2000x128xf32>
    tpu.vector_store %arg12[%swap3A_70, %swap3A_71], %dot_general3A_69 {strides = array<i32>} : memref<2000x128xf32, #tpu.memory_space<vmem>>, vector<2000x128xf32>,
    %get3A_73 = arith.constant 0 : index
    %get3A_74 = arith.constant 0 : index
    %get3A_75 = vector.load %arg10[%get3A_73, %get3A_74] : memref<128x128xf32, #tpu.memory_space<vmem>>, vector<128x128xf32>
    %dot_general3A_76 = arith.constant dense<0.000000e+00> : vector<2000x128xf32>
    %dot_general3A_77 = tpu.matmul %add3A_62, %get3A_75, %dot_general3A_76 {dimension_numbers = #tpu.dot_dimension_numbers<[1], [0], [0], [1], [0, 0, 1, 1], [], []>, transpose_lhs_hint = false} : vector<2000x128xf32>, vector<128x128xf32>, vector<2000x128xf32> -> vector<2000x128xf32>
    %swap3A_78 = arith.constant 0 : index
    %swap3A_79 = arith.constant 0 : index
    %swap3A_80 = vector.load %arg13[%swap3A_78, %swap3A_79] : memref<2000x128xf32, #tpu.memory_space<vmem>>, vector<2000x128xf32>
    tpu.vector_store %arg13[%swap3A_78, %swap3A_79], %dot_general3A_77 {strides = array<i32>} : memref<2000x128xf32, #tpu.memory_space<vmem>>, vector<2000x128xf32>,
    return
  }
  func.func @transform_0(%arg0: i32) -> (i32, i32) {
    %c0_i32 = arith.constant 0 : i32
    %c0_i32_0 = arith.constant 0 : i32
    return %arg0, %c0_i32 : i32, i32
  }
  func.func @transform_1(%arg0: i32) -> (i32, i32) {
    %c0_i32 = arith.constant 0 : i32
    %c0_i32_0 = arith.constant 0 : i32
    return %arg0, %c0_i32 : i32, i32
  }
  func.func @transform_2(%arg0: i32) -> (i32, i32) {
    %c0_i32 = arith.constant 0 : i32
    %c0_i32_0 = arith.constant 0 : i32
    return %arg0, %c0_i32 : i32, i32
  }
  func.func @transform_3(%arg0: i32) -> (i32, i32) {
    %c0_i32 = arith.constant 0 : i32
    %c0_i32_0 = arith.constant 0 : i32
    %c0_i32_1 = arith.constant 0 : i32
    return %c0_i32, %c0_i32_0 : i32, i32
  }
  func.func @transform_4(%arg0: i32) -> (i32, i32) {
    %c0_i32 = arith.constant 0 : i32
    %c0_i32_0 = arith.constant 0 : i32
    %c0_i32_1 = arith.constant 0 : i32
    return %c0_i32, %c0_i32_0 : i32, i32
  }
  func.func @transform_5(%arg0: i32) -> (i32, i32) {
    %c0_i32 = arith.constant 0 : i32
    %c0_i32_0 = arith.constant 0 : i32
    %c0_i32_1 = arith.constant 0 : i32
    return %c0_i32, %c0_i32_0 : i32, i32
  }
  func.func @transform_6(%arg0: i32) -> (i32, i32) {
    %c0_i32 = arith.constant 0 : i32
    %c0_i32_0 = arith.constant 0 : i32
    %c0_i32_1 = arith.constant 0 : i32
    return %c0_i32, %c0_i32_0 : i32, i32
  }
  func.func @transform_7(%arg0: i32) -> (i32, i32) {
    %c0_i32 = arith.constant 0 : i32
    %c0_i32_0 = arith.constant 0 : i32
    %c0_i32_1 = arith.constant 0 : i32
    return %c0_i32, %c0_i32_0 : i32, i32
  }
  func.func @transform_8(%arg0: i32) -> (i32, i32) {
    %c0_i32 = arith.constant 0 : i32
    %c0_i32_0 = arith.constant 0 : i32
    %c0_i32_1 = arith.constant 0 : i32
    return %c0_i32, %c0_i32_0 : i32, i32
  }
  func.func @transform_9(%arg0: i32) -> (i32, i32) {
    %c0_i32 = arith.constant 0 : i32
    %c0_i32_0 = arith.constant 0 : i32
    %c0_i32_1 = arith.constant 0 : i32
    return %c0_i32, %c0_i32_0 : i32, i32
  }
  func.func @transform_10(%arg0: i32) -> (i32, i32) {
    %c0_i32 = arith.constant 0 : i32
    %c0_i32_0 = arith.constant 0 : i32
    return %arg0, %c0_i32 : i32, i32
  }
  func.func @transform_11(%arg0: i32) -> (i32, i32) {
    %c0_i32 = arith.constant 0 : i32
    %c0_i32_0 = arith.constant 0 : i32
    return %arg0, %c0_i32 : i32, i32
  }
  func.func @transform_12(%arg0: i32) -> (i32, i32) {
    %c0_i32 = arith.constant 0 : i32
    %c0_i32_0 = arith.constant 0 : i32
    return %arg0, %c0_i32 : i32, i32
  }
}

module attributes {stable_mosaic.version = 14 : i64} {
  func.func @body(%arg0: i32, %arg1: memref<2048x128xf32, #tpu.memory_space<vmem>>, %arg2: memref<2048x128xf32, #tpu.memory_space<vmem>>, %arg3: memref<2048x128xf32, #tpu.memory_space<vmem>>, %arg4: memref<128x128xf32, #tpu.memory_space<vmem>>, %arg5: memref<8x128xf32, #tpu.memory_space<vmem>>, %arg6: memref<128x128xf32, #tpu.memory_space<vmem>>, %arg7: memref<8x128xf32, #tpu.memory_space<vmem>>, %arg8: memref<2048x128xf32, #tpu.memory_space<vmem>>) attributes {dimension_semantics = [#tpu.dimension_semantics<arbitrary>], iteration_bounds = array<i64: 80>, scalar_prefetch = 0 : i64, scratch_operands = 0 : i64, tpu.core_type = #tpu.core_type<tc>, window_params = [{transform_indices = @transform_0, window_bounds = array<i64: 2048, 128>}, {transform_indices = @transform_1, window_bounds = array<i64: 2048, 128>}, {transform_indices = @transform_2, window_bounds = array<i64: 2048, 128>}, {pipeline_mode = #tpu.pipeline_mode<synchronous>, transform_indices = @transform_3, window_bounds = array<i64: 128, 128>}, {pipeline_mode = #tpu.pipeline_mode<synchronous>, transform_indices = @transform_4, window_bounds = array<i64: 8, 128>}, {pipeline_mode = #tpu.pipeline_mode<synchronous>, transform_indices = @transform_5, window_bounds = array<i64: 128, 128>}, {pipeline_mode = #tpu.pipeline_mode<synchronous>, transform_indices = @transform_6, window_bounds = array<i64: 8, 128>}, {transform_indices = @transform_7, window_bounds = array<i64: 2048, 128>}]} {
    %get3A = arith.constant 0 : index
    %get3A_0 = arith.constant 0 : index
    %get3A_1 = vector.load %arg1[%get3A, %get3A_0] : memref<2048x128xf32, #tpu.memory_space<vmem>>, vector<2048x128xf32>
    %get3A_2 = arith.constant 0 : index
    %get3A_3 = arith.constant 0 : index
    %get3A_4 = vector.load %arg4[%get3A_2, %get3A_3] : memref<128x128xf32, #tpu.memory_space<vmem>>, vector<128x128xf32>
    %dot_general3A = arith.constant dense<0.000000e+00> : vector<2048x128xf32>
    %dot_general3A_5 = tpu.matmul %get3A_1, %get3A_4, %dot_general3A {dimension_numbers = #tpu.dot_dimension_numbers<[1], [0], [0], [1], [0, 0, 1, 1], [], []>, transpose_lhs_hint = false} : vector<2048x128xf32>, vector<128x128xf32>, vector<2048x128xf32> -> vector<2048x128xf32>
    %get3A_6 = arith.constant 0 : index
    %get3A_7 = arith.constant 0 : index
    %get3A_8 = vector.load %arg2[%get3A_6, %get3A_7] : memref<2048x128xf32, #tpu.memory_space<vmem>>, vector<2048x128xf32>
    %add3A = arith.addf %dot_general3A_5, %get3A_8 : vector<2048x128xf32>
    %get3A_9 = arith.constant 0 : index
    %get3A_10 = arith.constant 0 : index
    %get3A_11 = vector.load %arg3[%get3A_9, %get3A_10] : memref<2048x128xf32, #tpu.memory_space<vmem>>, vector<2048x128xf32>
    %add3A_12 = arith.addf %add3A, %get3A_11 : vector<2048x128xf32>
    %get3A_13 = arith.constant 0 : index
    %get3A_14 = arith.constant 0 : index
    %get3A_15 = vector.load %arg5[%get3A_13, %get3A_14] : memref<8x128xf32, #tpu.memory_space<vmem>>, vector<1x128xf32>
    %add3A_16 = vector.broadcast %get3A_15 : vector<1x128xf32> to vector<2048x128xf32>
    %add3A_17 = arith.addf %add3A_12, %add3A_16 : vector<2048x128xf32>
    %max3A = arith.constant 0.000000e+00 : f32
    %max3A_18 = vector.broadcast %max3A : f32 to vector<2048x128xf32>
    %max3A_19 = arith.maximumf %add3A_17, %max3A_18 : vector<2048x128xf32>
    %get3A_20 = arith.constant 0 : index
    %get3A_21 = arith.constant 0 : index
    %get3A_22 = vector.load %arg6[%get3A_20, %get3A_21] : memref<128x128xf32, #tpu.memory_space<vmem>>, vector<128x128xf32>
    %dot_general3A_23 = arith.constant dense<0.000000e+00> : vector<2048x128xf32>
    %dot_general3A_24 = tpu.matmul %max3A_19, %get3A_22, %dot_general3A_23 {dimension_numbers = #tpu.dot_dimension_numbers<[1], [0], [0], [1], [0, 0, 1, 1], [], []>, transpose_lhs_hint = false} : vector<2048x128xf32>, vector<128x128xf32>, vector<2048x128xf32> -> vector<2048x128xf32>
    %get3A_25 = arith.constant 0 : index
    %get3A_26 = arith.constant 0 : index
    %get3A_27 = vector.load %arg7[%get3A_25, %get3A_26] : memref<8x128xf32, #tpu.memory_space<vmem>>, vector<1x128xf32>
    %add3A_28 = vector.broadcast %get3A_27 : vector<1x128xf32> to vector<2048x128xf32>
    %add3A_29 = arith.addf %dot_general3A_24, %add3A_28 : vector<2048x128xf32>
    %reduce_sum3A = arith.constant dense<0.000000e+00> : vector<2048xf32>
    %reduce_sum3A_30 = vector.multi_reduction <add>, %add3A_29, %reduce_sum3A [1] : vector<2048x128xf32> to vector<2048xf32>
    %broadcast_in_dim3A = vector.shape_cast %reduce_sum3A_30 : vector<2048xf32> to vector<2048x1xf32>
    %div3A = arith.constant 1.280000e+02 : f32
    %div3A_31 = vector.broadcast %div3A : f32 to vector<2048x1xf32>
    %div3A_32 = arith.divf %broadcast_in_dim3A, %div3A_31 : vector<2048x1xf32>
    %jit3A = arith.constant 0 : i32
    %reduce_sum3A_33 = arith.constant dense<0.000000e+00> : vector<2048xf32>
    %reduce_sum3A_34 = vector.multi_reduction <add>, %add3A_29, %reduce_sum3A_33 [1] : vector<2048x128xf32> to vector<2048xf32>
    %broadcast_in_dim3A_35 = vector.shape_cast %reduce_sum3A_34 : vector<2048xf32> to vector<2048x1xf32>
    %div3A_36 = arith.constant 1.280000e+02 : f32
    %div3A_37 = vector.broadcast %div3A_36 : f32 to vector<2048x1xf32>
    %div3A_38 = arith.divf %broadcast_in_dim3A_35, %div3A_37 : vector<2048x1xf32>
    %sub3A = vector.broadcast %div3A_38 : vector<2048x1xf32> to vector<2048x128xf32>
    %sub3A_39 = arith.subf %add3A_29, %sub3A : vector<2048x128xf32>
    %square3A = arith.mulf %sub3A_39, %sub3A_39 : vector<2048x128xf32>
    %convert_element_type3A = arith.sitofp %jit3A : i32 to f32
    %sub3A_40 = arith.constant 1.280000e+02 : f32
    %sub3A_41 = arith.subf %sub3A_40, %convert_element_type3A : f32
    %reduce_sum3A_42 = arith.constant dense<0.000000e+00> : vector<2048xf32>
    %reduce_sum3A_43 = vector.multi_reduction <add>, %square3A, %reduce_sum3A_42 [1] : vector<2048x128xf32> to vector<2048xf32>
    %broadcast_in_dim3A_44 = vector.shape_cast %reduce_sum3A_43 : vector<2048xf32> to vector<2048x1xf32>
    %div3A_45 = vector.broadcast %sub3A_41 : f32 to vector<2048x1xf32>
    %div3A_46 = arith.divf %broadcast_in_dim3A_44, %div3A_45 : vector<2048x1xf32>
    %gt3A = arith.constant 0.000000e+00 : f32
    %gt3A_47 = arith.cmpf ogt, %sub3A_41, %gt3A : f32
    %jit3A_48 = arith.constant 0x7FC00000 : f32
    %broadcast_in_dim3A_49 = vector.broadcast %jit3A_48 : f32 to vector<2048x1xf32>
    %select_n3A = arith.select %gt3A_47, %div3A_46, %broadcast_in_dim3A_49 : vector<2048x1xf32>
    %sub3A_50 = vector.broadcast %div3A_32 : vector<2048x1xf32> to vector<2048x128xf32>
    %sub3A_51 = arith.subf %add3A_29, %sub3A_50 : vector<2048x128xf32>
    %add3A_52 = arith.constant 9.99999974E-6 : f32
    %add3A_53 = vector.broadcast %add3A_52 : f32 to vector<2048x1xf32>
    %add3A_54 = arith.addf %select_n3A, %add3A_53 : vector<2048x1xf32>
    %sqrt3A = math.sqrt %add3A_54 : vector<2048x1xf32>
    %div3A_55 = vector.broadcast %sqrt3A : vector<2048x1xf32> to vector<2048x128xf32>
    %div3A_56 = arith.divf %sub3A_51, %div3A_55 : vector<2048x128xf32>
    %add3A_57 = arith.addf %get3A_1, %div3A_56 : vector<2048x128xf32>
    %swap3A = arith.constant 0 : index
    %swap3A_58 = arith.constant 0 : index
    %swap3A_59 = vector.load %arg8[%swap3A, %swap3A_58] : memref<2048x128xf32, #tpu.memory_space<vmem>>, vector<2048x128xf32>
    tpu.vector_store %arg8[%swap3A, %swap3A_58], %add3A_57 {strides = array<i32>} : memref<2048x128xf32, #tpu.memory_space<vmem>>, vector<2048x128xf32>,
    return
  }
  func.func @transform_0(%arg0: i32) -> (i32, i32) {
    %c0_i32 = arith.constant 0 : i32
    %c0_i32_0 = arith.constant 0 : i32
    return %arg0, %c0_i32 : i32, i32
  }
  func.func @transform_1(%arg0: i32) -> (i32, i32) {
    %c0_i32 = arith.constant 0 : i32
    %c0_i32_0 = arith.constant 0 : i32
    return %arg0, %c0_i32 : i32, i32
  }
  func.func @transform_2(%arg0: i32) -> (i32, i32) {
    %c0_i32 = arith.constant 0 : i32
    %c0_i32_0 = arith.constant 0 : i32
    return %arg0, %c0_i32 : i32, i32
  }
  func.func @transform_3(%arg0: i32) -> (i32, i32) {
    %c0_i32 = arith.constant 0 : i32
    %c0_i32_0 = arith.constant 0 : i32
    %c0_i32_1 = arith.constant 0 : i32
    return %c0_i32, %c0_i32_0 : i32, i32
  }
  func.func @transform_4(%arg0: i32) -> (i32, i32) {
    %c0_i32 = arith.constant 0 : i32
    %c0_i32_0 = arith.constant 0 : i32
    %c0_i32_1 = arith.constant 0 : i32
    return %c0_i32, %c0_i32_0 : i32, i32
  }
  func.func @transform_5(%arg0: i32) -> (i32, i32) {
    %c0_i32 = arith.constant 0 : i32
    %c0_i32_0 = arith.constant 0 : i32
    %c0_i32_1 = arith.constant 0 : i32
    return %c0_i32, %c0_i32_0 : i32, i32
  }
  func.func @transform_6(%arg0: i32) -> (i32, i32) {
    %c0_i32 = arith.constant 0 : i32
    %c0_i32_0 = arith.constant 0 : i32
    %c0_i32_1 = arith.constant 0 : i32
    return %c0_i32, %c0_i32_0 : i32, i32
  }
  func.func @transform_7(%arg0: i32) -> (i32, i32) {
    %c0_i32 = arith.constant 0 : i32
    %c0_i32_0 = arith.constant 0 : i32
    return %arg0, %c0_i32 : i32, i32
  }
}

module attributes {stable_mosaic.version = 14 : i64} {
  func.func @body(%arg0: i32, %arg1: memref<2000x128xf32, #tpu.memory_space<vmem>>, %arg2: memref<2000x128xf32, #tpu.memory_space<vmem>>, %arg3: memref<2000x128xf32, #tpu.memory_space<vmem>>, %arg4: memref<128x128xf32, #tpu.memory_space<vmem>>, %arg5: memref<128x128xf32, #tpu.memory_space<vmem>>, %arg6: memref<8x128xf32, #tpu.memory_space<vmem>>, %arg7: memref<128x128xf32, #tpu.memory_space<vmem>>, %arg8: memref<8x128xf32, #tpu.memory_space<vmem>>, %arg9: memref<128x128xf32, #tpu.memory_space<vmem>>, %arg10: memref<8x128xf32, #tpu.memory_space<vmem>>, %arg11: memref<128x128xf32, #tpu.memory_space<vmem>>, %arg12: memref<8x128xf32, #tpu.memory_space<vmem>>, %arg13: memref<2000x128xf32, #tpu.memory_space<vmem>>) attributes {dimension_semantics = [#tpu.dimension_semantics<arbitrary>], iteration_bounds = array<i64: 5>, scalar_prefetch = 0 : i64, scratch_operands = 0 : i64, tpu.core_type = #tpu.core_type<tc>, window_params = [{transform_indices = @transform_0, window_bounds = array<i64: 2000, 128>}, {transform_indices = @transform_1, window_bounds = array<i64: 2000, 128>}, {transform_indices = @transform_2, window_bounds = array<i64: 2000, 128>}, {pipeline_mode = #tpu.pipeline_mode<synchronous>, transform_indices = @transform_3, window_bounds = array<i64: 128, 128>}, {pipeline_mode = #tpu.pipeline_mode<synchronous>, transform_indices = @transform_4, window_bounds = array<i64: 128, 128>}, {pipeline_mode = #tpu.pipeline_mode<synchronous>, transform_indices = @transform_5, window_bounds = array<i64: 8, 128>}, {pipeline_mode = #tpu.pipeline_mode<synchronous>, transform_indices = @transform_6, window_bounds = array<i64: 128, 128>}, {pipeline_mode = #tpu.pipeline_mode<synchronous>, transform_indices = @transform_7, window_bounds = array<i64: 8, 128>}, {pipeline_mode = #tpu.pipeline_mode<synchronous>, transform_indices = @transform_8, window_bounds = array<i64: 128, 128>}, {pipeline_mode = #tpu.pipeline_mode<synchronous>, transform_indices = @transform_9, window_bounds = array<i64: 8, 128>}, {pipeline_mode = #tpu.pipeline_mode<synchronous>, transform_indices = @transform_10, window_bounds = array<i64: 128, 128>}, {pipeline_mode = #tpu.pipeline_mode<synchronous>, transform_indices = @transform_11, window_bounds = array<i64: 8, 128>}, {transform_indices = @transform_12, window_bounds = array<i64: 2000, 128>}]} {
    %get3A = arith.constant 0 : index
    %get3A_0 = arith.constant 0 : index
    %get3A_1 = vector.load %arg1[%get3A, %get3A_0] : memref<2000x128xf32, #tpu.memory_space<vmem>>, vector<2000x128xf32>
    %get3A_2 = arith.constant 0 : index
    %get3A_3 = arith.constant 0 : index
    %get3A_4 = vector.load %arg2[%get3A_2, %get3A_3] : memref<2000x128xf32, #tpu.memory_space<vmem>>, vector<2000x128xf32>
    %get3A_5 = arith.constant 0 : index
    %get3A_6 = arith.constant 0 : index
    %get3A_7 = vector.load %arg3[%get3A_5, %get3A_6] : memref<2000x128xf32, #tpu.memory_space<vmem>>, vector<2000x128xf32>
    %add3A = arith.addf %get3A_4, %get3A_7 : vector<2000x128xf32>
    %get3A_8 = arith.constant 0 : index
    %get3A_9 = arith.constant 0 : index
    %get3A_10 = vector.load %arg4[%get3A_8, %get3A_9] : memref<128x128xf32, #tpu.memory_space<vmem>>, vector<128x128xf32>
    %dot_general3A = arith.constant dense<0.000000e+00> : vector<2000x128xf32>
    %dot_general3A_11 = tpu.matmul %get3A_1, %get3A_10, %dot_general3A {dimension_numbers = #tpu.dot_dimension_numbers<[1], [0], [0], [1], [0, 0, 1, 1], [], []>, transpose_lhs_hint = false} : vector<2000x128xf32>, vector<128x128xf32>, vector<2000x128xf32> -> vector<2000x128xf32>
    %get3A_12 = arith.constant 0 : index
    %get3A_13 = arith.constant 0 : index
    %get3A_14 = vector.load %arg5[%get3A_12, %get3A_13] : memref<128x128xf32, #tpu.memory_space<vmem>>, vector<128x128xf32>
    %dot_general3A_15 = arith.constant dense<0.000000e+00> : vector<2000x128xf32>
    %dot_general3A_16 = tpu.matmul %add3A, %get3A_14, %dot_general3A_15 {dimension_numbers = #tpu.dot_dimension_numbers<[1], [0], [0], [1], [0, 0, 1, 1], [], []>, transpose_lhs_hint = false} : vector<2000x128xf32>, vector<128x128xf32>, vector<2000x128xf32> -> vector<2000x128xf32>
    %add3A_17 = arith.addf %dot_general3A_11, %dot_general3A_16 : vector<2000x128xf32>
    %get3A_18 = arith.constant 0 : index
    %get3A_19 = arith.constant 0 : index
    %get3A_20 = vector.load %arg6[%get3A_18, %get3A_19] : memref<8x128xf32, #tpu.memory_space<vmem>>, vector<1x128xf32>
    %add3A_21 = vector.broadcast %get3A_20 : vector<1x128xf32> to vector<2000x128xf32>
    %add3A_22 = arith.addf %add3A_17, %add3A_21 : vector<2000x128xf32>
    %max3A = arith.constant 0.000000e+00 : f32
    %max3A_23 = vector.broadcast %max3A : f32 to vector<2000x128xf32>
    %max3A_24 = arith.maximumf %add3A_22, %max3A_23 : vector<2000x128xf32>
    %get3A_25 = arith.constant 0 : index
    %get3A_26 = arith.constant 0 : index
    %get3A_27 = vector.load %arg7[%get3A_25, %get3A_26] : memref<128x128xf32, #tpu.memory_space<vmem>>, vector<128x128xf32>
    %dot_general3A_28 = arith.constant dense<0.000000e+00> : vector<2000x128xf32>
    %dot_general3A_29 = tpu.matmul %max3A_24, %get3A_27, %dot_general3A_28 {dimension_numbers = #tpu.dot_dimension_numbers<[1], [0], [0], [1], [0, 0, 1, 1], [], []>, transpose_lhs_hint = false} : vector<2000x128xf32>, vector<128x128xf32>, vector<2000x128xf32> -> vector<2000x128xf32>
    %get3A_30 = arith.constant 0 : index
    %get3A_31 = arith.constant 0 : index
    %get3A_32 = vector.load %arg8[%get3A_30, %get3A_31] : memref<8x128xf32, #tpu.memory_space<vmem>>, vector<1x128xf32>
    %add3A_33 = vector.broadcast %get3A_32 : vector<1x128xf32> to vector<2000x128xf32>
    %add3A_34 = arith.addf %dot_general3A_29, %add3A_33 : vector<2000x128xf32>
    %reduce_sum3A = arith.constant dense<0.000000e+00> : vector<2000xf32>
    %reduce_sum3A_35 = vector.multi_reduction <add>, %add3A_34, %reduce_sum3A [1] : vector<2000x128xf32> to vector<2000xf32>
    %broadcast_in_dim3A = vector.shape_cast %reduce_sum3A_35 : vector<2000xf32> to vector<2000x1xf32>
    %div3A = arith.constant 1.280000e+02 : f32
    %div3A_36 = vector.broadcast %div3A : f32 to vector<2000x1xf32>
    %div3A_37 = arith.divf %broadcast_in_dim3A, %div3A_36 : vector<2000x1xf32>
    %jit3A = arith.constant 0 : i32
    %reduce_sum3A_38 = arith.constant dense<0.000000e+00> : vector<2000xf32>
    %reduce_sum3A_39 = vector.multi_reduction <add>, %add3A_34, %reduce_sum3A_38 [1] : vector<2000x128xf32> to vector<2000xf32>
    %broadcast_in_dim3A_40 = vector.shape_cast %reduce_sum3A_39 : vector<2000xf32> to vector<2000x1xf32>
    %div3A_41 = arith.constant 1.280000e+02 : f32
    %div3A_42 = vector.broadcast %div3A_41 : f32 to vector<2000x1xf32>
    %div3A_43 = arith.divf %broadcast_in_dim3A_40, %div3A_42 : vector<2000x1xf32>
    %sub3A = vector.broadcast %div3A_43 : vector<2000x1xf32> to vector<2000x128xf32>
    %sub3A_44 = arith.subf %add3A_34, %sub3A : vector<2000x128xf32>
    %square3A = arith.mulf %sub3A_44, %sub3A_44 : vector<2000x128xf32>
    %convert_element_type3A = arith.sitofp %jit3A : i32 to f32
    %sub3A_45 = arith.constant 1.280000e+02 : f32
    %sub3A_46 = arith.subf %sub3A_45, %convert_element_type3A : f32
    %reduce_sum3A_47 = arith.constant dense<0.000000e+00> : vector<2000xf32>
    %reduce_sum3A_48 = vector.multi_reduction <add>, %square3A, %reduce_sum3A_47 [1] : vector<2000x128xf32> to vector<2000xf32>
    %broadcast_in_dim3A_49 = vector.shape_cast %reduce_sum3A_48 : vector<2000xf32> to vector<2000x1xf32>
    %div3A_50 = vector.broadcast %sub3A_46 : f32 to vector<2000x1xf32>
    %div3A_51 = arith.divf %broadcast_in_dim3A_49, %div3A_50 : vector<2000x1xf32>
    %gt3A = arith.constant 0.000000e+00 : f32
    %gt3A_52 = arith.cmpf ogt, %sub3A_46, %gt3A : f32
    %jit3A_53 = arith.constant 0x7FC00000 : f32
    %broadcast_in_dim3A_54 = vector.broadcast %jit3A_53 : f32 to vector<2000x1xf32>
    %select_n3A = arith.select %gt3A_52, %div3A_51, %broadcast_in_dim3A_54 : vector<2000x1xf32>
    %sub3A_55 = vector.broadcast %div3A_37 : vector<2000x1xf32> to vector<2000x128xf32>
    %sub3A_56 = arith.subf %add3A_34, %sub3A_55 : vector<2000x128xf32>
    %add3A_57 = arith.constant 9.99999974E-6 : f32
    %add3A_58 = vector.broadcast %add3A_57 : f32 to vector<2000x1xf32>
    %add3A_59 = arith.addf %select_n3A, %add3A_58 : vector<2000x1xf32>
    %sqrt3A = math.sqrt %add3A_59 : vector<2000x1xf32>
    %div3A_60 = vector.broadcast %sqrt3A : vector<2000x1xf32> to vector<2000x128xf32>
    %div3A_61 = arith.divf %sub3A_56, %div3A_60 : vector<2000x128xf32>
    %add3A_62 = arith.addf %get3A_1, %div3A_61 : vector<2000x128xf32>
    %get3A_63 = arith.constant 0 : index
    %get3A_64 = arith.constant 0 : index
    %get3A_65 = vector.load %arg9[%get3A_63, %get3A_64] : memref<128x128xf32, #tpu.memory_space<vmem>>, vector<128x128xf32>
    %dot_general3A_66 = arith.constant dense<0.000000e+00> : vector<2000x128xf32>
    %dot_general3A_67 = tpu.matmul %add3A_62, %get3A_65, %dot_general3A_66 {dimension_numbers = #tpu.dot_dimension_numbers<[1], [0], [0], [1], [0, 0, 1, 1], [], []>, transpose_lhs_hint = false} : vector<2000x128xf32>, vector<128x128xf32>, vector<2000x128xf32> -> vector<2000x128xf32>
    %get3A_68 = arith.constant 0 : index
    %get3A_69 = arith.constant 0 : index
    %get3A_70 = vector.load %arg10[%get3A_68, %get3A_69] : memref<8x128xf32, #tpu.memory_space<vmem>>, vector<1x128xf32>
    %add3A_71 = vector.broadcast %get3A_70 : vector<1x128xf32> to vector<2000x128xf32>
    %add3A_72 = arith.addf %dot_general3A_67, %add3A_71 : vector<2000x128xf32>
    %max3A_73 = arith.constant 0.000000e+00 : f32
    %max3A_74 = vector.broadcast %max3A_73 : f32 to vector<2000x128xf32>
    %max3A_75 = arith.maximumf %add3A_72, %max3A_74 : vector<2000x128xf32>
    %get3A_76 = arith.constant 0 : index
    %get3A_77 = arith.constant 0 : index
    %get3A_78 = vector.load %arg11[%get3A_76, %get3A_77] : memref<128x128xf32, #tpu.memory_space<vmem>>, vector<128x128xf32>
    %dot_general3A_79 = arith.constant dense<0.000000e+00> : vector<2000x128xf32>
    %dot_general3A_80 = tpu.matmul %max3A_75, %get3A_78, %dot_general3A_79 {dimension_numbers = #tpu.dot_dimension_numbers<[1], [0], [0], [1], [0, 0, 1, 1], [], []>, transpose_lhs_hint = false} : vector<2000x128xf32>, vector<128x128xf32>, vector<2000x128xf32> -> vector<2000x128xf32>
    %get3A_81 = arith.constant 0 : index
    %get3A_82 = arith.constant 0 : index
    %get3A_83 = vector.load %arg12[%get3A_81, %get3A_82] : memref<8x128xf32, #tpu.memory_space<vmem>>, vector<1x128xf32>
    %add3A_84 = vector.broadcast %get3A_83 : vector<1x128xf32> to vector<2000x128xf32>
    %add3A_85 = arith.addf %dot_general3A_80, %add3A_84 : vector<2000x128xf32>
    %swap3A = arith.constant 0 : index
    %swap3A_86 = arith.constant 0 : index
    %swap3A_87 = vector.load %arg13[%swap3A, %swap3A_86] : memref<2000x128xf32, #tpu.memory_space<vmem>>, vector<2000x128xf32>
    tpu.vector_store %arg13[%swap3A, %swap3A_86], %add3A_85 {strides = array<i32>} : memref<2000x128xf32, #tpu.memory_space<vmem>>, vector<2000x128xf32>,
    return
  }
  func.func @transform_0(%arg0: i32) -> (i32, i32) {
    %c0_i32 = arith.constant 0 : i32
    %c0_i32_0 = arith.constant 0 : i32
    return %arg0, %c0_i32 : i32, i32
  }
  func.func @transform_1(%arg0: i32) -> (i32, i32) {
    %c0_i32 = arith.constant 0 : i32
    %c0_i32_0 = arith.constant 0 : i32
    return %arg0, %c0_i32 : i32, i32
  }
  func.func @transform_2(%arg0: i32) -> (i32, i32) {
    %c0_i32 = arith.constant 0 : i32
    %c0_i32_0 = arith.constant 0 : i32
    return %arg0, %c0_i32 : i32, i32
  }
  func.func @transform_3(%arg0: i32) -> (i32, i32) {
    %c0_i32 = arith.constant 0 : i32
    %c0_i32_0 = arith.constant 0 : i32
    %c0_i32_1 = arith.constant 0 : i32
    return %c0_i32, %c0_i32_0 : i32, i32
  }
  func.func @transform_4(%arg0: i32) -> (i32, i32) {
    %c0_i32 = arith.constant 0 : i32
    %c0_i32_0 = arith.constant 0 : i32
    %c0_i32_1 = arith.constant 0 : i32
    return %c0_i32, %c0_i32_0 : i32, i32
  }
  func.func @transform_5(%arg0: i32) -> (i32, i32) {
    %c0_i32 = arith.constant 0 : i32
    %c0_i32_0 = arith.constant 0 : i32
    %c0_i32_1 = arith.constant 0 : i32
    return %c0_i32, %c0_i32_0 : i32, i32
  }
  func.func @transform_6(%arg0: i32) -> (i32, i32) {
    %c0_i32 = arith.constant 0 : i32
    %c0_i32_0 = arith.constant 0 : i32
    %c0_i32_1 = arith.constant 0 : i32
    return %c0_i32, %c0_i32_0 : i32, i32
  }
  func.func @transform_7(%arg0: i32) -> (i32, i32) {
    %c0_i32 = arith.constant 0 : i32
    %c0_i32_0 = arith.constant 0 : i32
    %c0_i32_1 = arith.constant 0 : i32
    return %c0_i32, %c0_i32_0 : i32, i32
  }
  func.func @transform_8(%arg0: i32) -> (i32, i32) {
    %c0_i32 = arith.constant 0 : i32
    %c0_i32_0 = arith.constant 0 : i32
    %c0_i32_1 = arith.constant 0 : i32
    return %c0_i32, %c0_i32_0 : i32, i32
  }
  func.func @transform_9(%arg0: i32) -> (i32, i32) {
    %c0_i32 = arith.constant 0 : i32
    %c0_i32_0 = arith.constant 0 : i32
    %c0_i32_1 = arith.constant 0 : i32
    return %c0_i32, %c0_i32_0 : i32, i32
  }
  func.func @transform_10(%arg0: i32) -> (i32, i32) {
    %c0_i32 = arith.constant 0 : i32
    %c0_i32_0 = arith.constant 0 : i32
    %c0_i32_1 = arith.constant 0 : i32
    return %c0_i32, %c0_i32_0 : i32, i32
  }
  func.func @transform_11(%arg0: i32) -> (i32, i32) {
    %c0_i32 = arith.constant 0 : i32
    %c0_i32_0 = arith.constant 0 : i32
    %c0_i32_1 = arith.constant 0 : i32
    return %c0_i32, %c0_i32_0 : i32, i32
  }
  func.func @transform_12(%arg0: i32) -> (i32, i32) {
    %c0_i32 = arith.constant 0 : i32
    %c0_i32_0 = arith.constant 0 : i32
    return %arg0, %c0_i32 : i32, i32
  }
}

</mosaic_0001>

<sc_bundles>
// kernel: kernel.15.cloned.1.call-start
scs
__scs_entry_jumppad:
0x0: {  	(pc) =	sbr.rel $0x88, $3  }
0x1: {  	(tag) =	ssettag $0x0;
	lr =	simm.s32 $0x1  }
0x2: {  	[smem:$0x3F88] =	sst lr;
	_ =	strace $0xD0000000  }
0x3: {  	_ = 	snop  }
0x4: {  	_ = 	snop  }
0x5: {  	_ = 	snop  }
0x6: {  	_ = 	snop  }
0x7: {  	_ = 	snop  }
__scs_overlays_trampoline_lowered:
0x8: {  	[smem:$0x3F97] =	sst s0  }
0x9: {  	[smem:$0x3F98] =	sst s1  }
0xa: {  	[smem:$0x3F99] =	sst s2  }
0xb: {  	[smem:$0x3F9A] =	sst s3  }
0xc: {  	[smem:$0x3F9B] =	sst s4  }
0xd: {  	[smem:$0x3F9C] =	sst s5  }
0xe: {  	[smem:$0x3F9D] =	sst s6  }
0xf: {  	[smem:$0x3F9E] =	sst s7  }
0x10: {  	[smem:$0x3F9F] =	sst s8  }
0x11: {  	[smem:$0x3FA0] =	sst s9;
	s0 =	simm.s32 @!p0 $0x0  }
0x12: {  	s1 =	sld [smem:$0x3F86];
	s0 =	simm.s32 @p0 $0x1  }
0x13: {  	[smem:$0x3FA1] =	sst s0;
	s0 =	simm.s32 @!p1 $0x0  }
0x14: {  	s2 =	sld [smem:$0x3F85];
	s0 =	simm.s32 @p1 $0x1  }
0x15: {  	[smem:$0x3FA2] =	sst s0;
	s0 =	simm.s32 @!p2 $0x0  }
0x16: {  	s3 =	sld [smem:$0x3FDB];
	s0 =	simm.s32 @p2 $0x1  }
0x17: {  	s4 =	simm.s32 $0x1BF5;
	[smem:$0x3FA4] =	sst s0  }
0x18: {  	s0 =	sld [smem:$0x3F87];
	_ =	swait.ge [sflag:s4], $0x0  }
0x19: {  	s7 =	sld [smem:$0x3F88]  }
0x1a: {  	s8 =	sadd.s32 $0xFFFFE003, lr  }
0x1b: {  	s9 =	sadd.s32 $0xFFFFFEF7, lr;
	s5 =	simm.s32 $0xFFFFFFFF;
	p2 =	slt.u32 s8, $0xFFFFF086  }
0x1c: {  	p1 =	slt.u32 s9, $0xF7A;
	s5 =	simm.s32 @!p2 $0x0  }
0x1d: {  	s5 =	simm.s32 @p1 $0x1;
	p0 =	seq.s32 s7, s2  }
0x1e: {  	s7 =	smul.u32 @!p0 $0xF7A, s2;
	p2 =	seq.s32 @!p0 s5, $0x0  }
0x1f: {  	s9 =	smul.u32 $0xF7A, s1;
	s8 =	simm.s32 @!p0 $0x1BF5;
	p2 =	por !p2, p0  }
0x20: {  	[sflag:s8] =	ssyncset.s32 @!p0 $0xFFFFF086;
	s6 =	sadd.s32 @!p0 s3, s7;
	s7 =	simm.s32 @!p0 $0x108  }
0x21: {  	s3 =	sadd.s32 s3, s9;
	s6 =	sadd.s32 @!p0 $0x88, s6;
	s7 =	simm.s32 @p2 $0x1082  }
0x22: {  	[simem:s7], [sflag:s8] =	dma.local @!p0 [hbm:s6], $0xF7A  }
0x23: {  	s9 =	sor.u32 $0xD0000000, s2;
	s6 =	simm.s32 $0x108;
	_ =	swait.ge @!p0 [sflag:s8], $0x0  }
0x24: {  	s3 =	sadd.s32 $0x88, s3;
	s6 =	simm.s32 @!p1 $0x1082;
	[sflag:s4] =	ssyncset.s32 $0xFFFFF086  }
0x25: {  	[simem:s6], [sflag:s4] =	dma.local [hbm:s3], $0xF7A  }
0x26: {  	[smem:$0x3F88] =	sst s1;
	(tag) =	ssettag s2;
	_ =	strace s9  }
0x27: {  	s1 =	sld [smem:$0x3F98]  }
0x28: {  	s2 =	sld [smem:$0x3F99]  }
0x29: {  	s4 =	sld [smem:$0x3F9B]  }
0x2a: {  	p0 =	seq.s32 s5, $0x0;
	s5 =	sld [smem:$0x3F9C]  }
0x2b: {  	s6 =	sld [smem:$0x3F9D]  }
0x2c: {  	s7 =	sld [smem:$0x3F9E]  }
0x2d: {  	s3 =	simm.s32 $0x108;
	s8 =	sld [smem:$0x3F9F]  }
0x2e: {  	s3 =	simm.s32 @!p0 $0x1082;
	s9 =	sld [smem:$0x3FA0]  }
0x2f: {  	lr =	sadd.s32 s0, s3;
	s0 =	sld [smem:$0x3F97]  }
0x30: {  	s3 =	sld [smem:$0x3F9A]  }
0x31: {  	[smem:$0x3FA3] =	sst s10  }
0x32: {  	s10 =	sld [smem:$0x3FA1];
	_ =	sdelay $0x3  }
0x33: {  	p0 =	seq.s32 s10, $0x1;
	s10 =	sld [smem:$0x3FA3];
	_ =	sdelay $0x3  }
0x34: {  	[smem:$0x3FA3] =	sst s10  }
0x35: {  	s10 =	sld [smem:$0x3FA2];
	_ =	sdelay $0x3  }
0x36: {  	p1 =	seq.s32 s10, $0x1;
	s10 =	sld [smem:$0x3FA3];
	_ =	sdelay $0x3  }
0x37: {  	[smem:$0x3FA3] =	sst s10  }
0x38: {  	s10 =	sld [smem:$0x3FA4]  }
0x39: {  	_ = 	snop;
	(pc) =	sbr.ind lr, $3  }
0x3a: {  	_ = 	snop  }
0x3b: {  	_ = 	snop  }
0x3c: {  	p2 =	seq.s32 s10, $0x1;
	s10 =	sld [smem:$0x3FA3]  }
0x3d: {  	_ =	shalt  }
0x3e: {  	_ =	shalt  }
0x3f: {  	_ =	shalt  }
0x40: {  	_ =	shalt  }
0x41: {  	_ =	shalt  }
0x42: {  	_ =	shalt  }
0x43: {  	_ =	shalt  }
0x44: {  	_ =	shalt  }
0x45: {  	_ =	shalt  }
0x46: {  	_ =	shalt  }
0x47: {  	_ =	shalt  }
0x48: {  	_ =	shalt  }
0x49: {  	_ =	shalt  }
0x4a: {  	_ =	shalt  }
0x4b: {  	_ =	shalt  }
0x4c: {  	_ =	shalt  }
0x4d: {  	_ =	shalt  }
0x4e: {  	_ =	shalt  }
0x4f: {  	_ =	shalt  }
0x50: {  	_ =	shalt  }
0x51: {  	_ =	shalt  }
0x52: {  	_ =	shalt  }
0x53: {  	_ =	shalt  }
0x54: {  	_ =	shalt  }
0x55: {  	_ =	shalt  }
0x56: {  	_ =	shalt  }
0x57: {  	_ =	shalt  }
0x58: {  	_ =	shalt  }
0x59: {  	_ =	shalt  }
0x5a: {  	_ =	shalt  }
0x5b: {  	_ =	shalt  }
0x5c: {  	_ =	shalt  }
0x5d: {  	_ =	shalt  }
0x5e: {  	_ =	shalt  }
0x5f: {  	_ =	shalt  }
0x60: {  	_ =	shalt  }
0x61: {  	_ =	shalt  }
0x62: {  	_ =	shalt  }
0x63: {  	_ =	shalt  }
0x64: {  	_ =	shalt  }
0x65: {  	_ =	shalt  }
0x66: {  	_ =	shalt  }
0x67: {  	_ =	shalt  }
0x68: {  	_ =	shalt  }
0x69: {  	_ =	shalt  }
0x6a: {  	_ =	shalt  }
0x6b: {  	_ =	shalt  }
0x6c: {  	_ =	shalt  }
0x6d: {  	_ =	shalt  }
0x6e: {  	_ =	shalt  }
0x6f: {  	_ =	shalt  }
0x70: {  	_ =	shalt  }
0x71: {  	_ =	shalt  }
0x72: {  	_ =	shalt  }
0x73: {  	_ =	shalt  }
0x74: {  	_ =	shalt  }
0x75: {  	_ =	shalt  }
0x76: {  	_ =	shalt  }
0x77: {  	_ =	shalt  }
0x78: {  	_ =	shalt  }
0x79: {  	_ =	shalt  }
0x7a: {  	_ =	shalt  }
0x7b: {  	_ =	shalt  }
0x7c: {  	_ =	shalt  }
0x7d: {  	_ =	shalt  }
0x7e: {  	_ =	shalt  }
0x7f: {  	_ =	shalt  }
0x80: {  	_ =	shalt  }
0x81: {  	_ =	shalt  }
0x82: {  	_ =	shalt  }
0x83: {  	_ =	shalt  }
0x84: {  	_ =	shalt  }
0x85: {  	_ =	shalt  }
0x86: {  	_ =	shalt  }
0x87: {  	_ =	shalt  }
.Lfunc_end0:
.L_simem_size_0:
called_computation_lowered:
.L_overlay_start_0:
0x88: {  	s2 =	sld [smem:$0x3FD9]  }
0x89: {  	s3 =	sld [smem:$0x3FFE];
	_ =	sdelay $0x1  }
0x8a: {  	s1 =	srdreg.scid  }
0x8b: {  	s0 =	sand.u32 $0x1, s1  }
0x8c: {  	s16 =	sshll.u32 s0, $0xA;
	s2 =	sadd.s32 s3, s2  }
0x8d: {  	s2 =	sadd.s32 s2, s16  }
0x8e: {  	[smem:$0x3FAF] =	sst s2  }
0x8f: {  	_ = 	snop  }
0x90: {  	(tm) =	ssettm $0x1  }
0x91: {  	s17 =	sld [smem:$0x3FFB];
	_ =	sdelay $0x3  }
0x92: {  	_ =	strace s17  }
0x93: {  	s2 =	sld [smem:$0x3FFC];
	_ =	sdelay $0x3  }
0x94: {  	_ =	strace s2  }
0x95: {  	s2 =	sld [smem:$0x3FFD];
	_ =	sdelay $0x3  }
0x96: {  	_ =	strace s2  }
0x97: {  	_ =	strace $0x8FFFFFFF  }
0x98: {  	s18 =	sld [smem:$0x3FDB];
	_ =	sdelay $0x1  }
0x99: {  	s19 =	simm.s32 $_scs_section_size  }
0x9a: {  	s4 =	simm.s32 $_size__tile_overlayer_lowered;
	s5 =	simm.s32 $_tile_overlayer_lowered  }
0x9b: {  	s22 =	simm.s32 $0x1BFF;
	s21 =	sshll.u32 s5, $0x1;
	s2 =	sadd.s32 s19, s18  }
0x9c: {  	s6 =	simm.s32 $0x0;
	s20 =	sshll.u32 s4, $0x1;
	s4 =	sadd.s32 s21, s2  }
0x9d: {  	[timem:s6], [sflag:s22] =	dma.local [hbm:s4], s20  }
0x9e: {  	_ =	swait.ge [sflag:s22], s20  }
0x9f: {  	s3 =	ssub.s32 $0x0, s20;
	[sflag:s22] =	ssyncset.done $0x0  }
0xa0: {  	[sflag:s22] =	ssyncadd.s32 s3;
	_ =	sdelay $0x1  }
0xa1: {  	s23 =	simm.s32 $0x1B8B  }
0xa2: {  	_ =	swait.ge [sflag:s23], $0x1  }
0xa3: {  	[sflag:s23] =	ssyncset.done $0x0  }
0xa4: {  	s25 =	simm.s32 $0x1B8E;
	s24 =	sld [smem:$0x3FFE];
	[sflag:s23] =	ssyncadd.s32 $0xFFFFFFFF  }
0xa5: {  	s26 =	simm.s32 $execute0_lowered;
	[smem:$0x3FD2] =	sst s25  }
0xa6: {  	s4 =	sshll.u32 s26, $0x1;
	_ =	strace $0x80000046;
	[dreg:$0x1] =	wrdreg $0xFFFFFFFF  }
0xa7: {  	s28 =	simm.s32 $_size_execute0_lowered;
	s2 =	sadd.s32 s2, s4;
	[dreg:$0x0] =	wrdreg $0x0  }
0xa8: {  	s4 =	sshll.u32 s28, $0x1;
	[dreg:$0x2] =	wrdreg s2  }
0xa9: {  	[dreg:$0x3] =	wrdreg s4  }
0xaa: {  	[dreg:$0x4] =	wrdreg $0xC0  }
0xab: {  	_ =	task [dreg:s6], $0x5FFFF  }
0xac: {  	[dreg:$0x1] =	wrdreg $0xFFFFFFFF  }
0xad: {  	[dreg:$0x0] =	wrdreg $0x60  }
0xae: {  	[dreg:$0x2] =	wrdreg s24  }
0xaf: {  	[dreg:$0x3] =	wrdreg $0x9  }
0xb0: {  	_ =	task.clear_ibuf [dreg:s6], $0x4FFFF;
	_ =	strace $0x90000046  }
0xb1: {  	s29 =	simm.s32 $0x9;
	_ =	strace $0x80000048  }
0xb2: {  	_ =	swait.ge [sflag:s29], $0x1  }
0xb3: {  	[sflag:s29] =	ssyncadd.s32 $0xFFFFFFFF  }
0xb4: {  	_ =	strace $0x90000048  }
0xb5: {  	_ =	sfence  }
0xb6: {  	s30 =	sld [smem:$0x0];
	_ =	sdelay $0x2  }
0xb7: {  	s31 =	sshll.u32 s1, $0xD;
	s1 =	sshrl.u32 s1, $0x2  }
0xb8: {  	s3 =	sand.u32 $0x4000, s31;
	s1 =	sadd.s32 s1, s30  }
0xb9: {  	s0 =	sor.u32 s3, s0;
	s1 =	sshll.u32 s1, $0x11  }
0xba: {  	s0 =	sor.u32 s1, s0  }
0xbb: {  	s0 =	sadd.s32 $0x8F2B, s0  }
0xbc: {  	[sflag:s0] =	ssyncadd.remote.s32 $0x1  }
0xbd: {  	_ =	sfence.sel $0xFFFF  }
0xbe: {  	[dreg:$0x0] =	wrdreg $0xFFFFFFFF;
	(pc) =	sbr.abs _section_cstart, $3  }
0xbf: {  	[dreg:$0x1] =	wrdreg $0xFFFFFFFF  }
0xc0: {  	_ =	task.clear_ibuf [dreg:s6], $0x2FFFF;
	_ =	strace $0x9FFFFFFF  }
0xc1: {  	(tm) =	ssettm $0x7FFFFFFF  }
tec
execute0_lowered:
.L_overlay_start_1:
0x0: {  	(tag) =	ssettag $0x1  }
0x1: {  	s1 =	srdreg.scid  }
0x2: {  	s0 =	stileid.u32;
	s6 =	rddreg [dreg:$0x0];
	s2 =	simm.s32 $0x0  }
0x3: {  	s14 =	simm.s32 $0x1400;
	s15 =	simm.s32 $0x80;
	s16 =	simm.s32 $0x2800  }
0x4: {  	s17 =	simm.s32 $0x6800;
	s18 =	simm.s32 $0xA800;
	s19 =	simm.s32 $0xB000  }
0x5: {  	s20 =	simm.s32 $0x1;
	s21 =	simm.s32 $0x2;
	s22 =	simm.s32 $0x0  }
0x6: {  	s7 =	sand.u32 $0x1, s1;
	s1 =	rddreg [dreg:$0x1];
	s9 =	smul.u32 $0x28000, s0  }
0x7: {  	s3 =	sshll.u32 s0, $0x1;
	[smem:$0x7FF] =	sst s2;
	s10 =	smul.u32 $0x5000, s0  }
0x8: {  	s4 =	sadd.s32 $0x7DC00, s6;
	s5 =	sadd.s32 $0x34A00, s6;
	s12 =	smul.u32 $0x2800, s7  }
0x9: {  	s3 =	sor.u32 s7, s3;
	_ =	strace $0x80000047;
	s13 =	smul.u32 $0x14000, s7  }
0xa: {  	s29 =	ssub.s32 $0x2, s7;
	s8 =	smul.u32 $0x280, s3;
	s3 =	sadd.s32 $0x56A00, s6  }
0xb: {  	s11 =	sadd.s32 s9, s6;
	s10 =	sadd.s32 s10, s6;
	s30 =	sshrl.u32 s29, $0x1  }
0xc: {  	s9 =	ssub.s32 s29, s30;
	s10 =	sadd.s32 s12, s10;
	s31 =	sadd.s32 s13, s11  }
0xd: {  	s13 =	simm.s32 $0x3;
	s8 =	sadd.s32 s8, s6;
	s11 =	sadd.s32 $0x3EC000, s31  }
0xe: {  	s12 =	sadd.s32 $0x16C000, s31;
	s6 =	sadd.s32 $0x42A00, s8;
	s7 =	sadd.s32 $0x3DA00, s8  }
0xf: {  	s8 =	smax.u32 s9, $0x1;
	s9 =	sadd.s32 $0x11C000, s10;
	s10 =	sadd.s32 $0xCC000, s10  }
.LBB2_1:
0x10: {  	[tilespmem:s2], [sflag:$0x3] =	stream.linear.gather [hbm4b:s6+s2], $0x1400, $0x38;
	[tilespmem:$0xB800] =	vst v63  }
0x11: {  	_ =	swait.ge [sflag:s13], $0x1400  }
0x12: {  	[sflag:s13] =	ssyncset.done $0x0  }
0x13: {  	[sflag:s13] =	ssyncadd.s32 $0xFFFFEC00  }
0x14: {  	[tilespmem:s14], [sflag:$0x3] =	stream.linear.gather [hbm4b:s7+s2], $0x1400, $0x38;
	[tilespmem:$0xB800] =	vst v63  }
0x15: {  	_ =	swait.ge [sflag:s13], $0x1400  }
0x16: {  	[sflag:s13] =	ssyncset.done $0x0  }
0x17: {  	s23 =	simm.s32 $0x0;
	[sflag:s13] =	ssyncadd.s32 $0xFFFFEC00  }
0x18: {  	[tilespmem:s16], [sflag:$0x1] =	stream.indirect.gather [hbm4b:s3+s15], $0x80, s23, s15, $0xb8;
	[tilespmem:$0xB800] =	vst v63  }
0x19: {  	s24 =	simm.s32 $0x1400  }
0x1a: {  	[tilespmem:s17], [sflag:$0x2] =	stream.indirect.gather [hbm4b:s4+s15], $0x80, s24, s15, $0xb8;
	[tilespmem:$0xB800] =	vst v63  }
0x1b: {  	_ = 	snop  }
0x1c: {  	[tilespmem:s18], [sflag:$0x1] =	stream.indirect.gather [hbm4b:s5+s15], $0x10, s23, s15, $0xb8;
	[tilespmem:$0xB800] =	vst v63  }
0x1d: {  	_ = 	snop  }
0x1e: {  	[tilespmem:s19], [sflag:$0x2] =	stream.indirect.gather [hbm4b:s5+s15], $0x10, s24, s15, $0xb8;
	[tilespmem:$0xB800] =	vst v63  }
0x1f: {  	_ =	swait.ge [sflag:s20], $0x4000  }
0x20: {  	[sflag:s20] =	ssyncset.done $0x0  }
0x21: {  	[sflag:s20] =	ssyncadd.s32 $0xFFFFC000  }
0x22: {  	_ =	swait.ge [sflag:s21], $0x4000  }
0x23: {  	[sflag:s21] =	ssyncset.done $0x0  }
0x24: {  	[sflag:s21] =	ssyncadd.s32 $0xFFFFC000  }
0x25: {  	_ =	swait.ge [sflag:s20], $0x800  }
0x26: {  	[sflag:s20] =	ssyncset.done $0x0  }
0x27: {  	[sflag:s20] =	ssyncadd.s32 $0xFFFFF800  }
0x28: {  	_ =	swait.ge [sflag:s21], $0x800  }
0x29: {  	[sflag:s21] =	ssyncset.done $0x0  }
0x2a: {  	[sflag:s21] =	ssyncadd.s32 $0xFFFFF800  }
0x2b: {  	[hbm4b:s12+s2] =	stream.linear.scatter [tilespmem:s16], [sflag:$0x3], $0x4000, $0x38;
	[tilespmem:$0xB800] =	vst v63  }
0x2c: {  	_ =	swait.ge [sflag:s13], $0x4000  }
0x2d: {  	[sflag:s13] =	ssyncset.done $0x0  }
0x2e: {  	[sflag:s13] =	ssyncadd.s32 $0xFFFFC000  }
0x2f: {  	[hbm4b:s11+s2] =	stream.linear.scatter [tilespmem:s17], [sflag:$0x3], $0x4000, $0x38;
	[tilespmem:$0xB800] =	vst v63  }
0x30: {  	_ =	swait.ge [sflag:s13], $0x4000  }
0x31: {  	[sflag:s13] =	ssyncset.done $0x0  }
0x32: {  	[sflag:s13] =	ssyncadd.s32 $0xFFFFC000  }
0x33: {  	[hbm4b:s10+s2] =	stream.linear.scatter [tilespmem:s18], [sflag:$0x3], $0x800, $0x38;
	[tilespmem:$0xB800] =	vst v63  }
0x34: {  	_ =	swait.ge [sflag:s13], $0x800  }
0x35: {  	[sflag:s13] =	ssyncset.done $0x0  }
0x36: {  	s28 =	simm.s32 $0x200;
	s30 =	simm.s32 $0x400;
	[sflag:s13] =	ssyncadd.s32 $0xFFFFF800  }
0x37: {  	[hbm4b:s9+s2] =	stream.linear.scatter [tilespmem:s19], [sflag:$0x3], $0x800, $0x38;
	[tilespmem:$0xB800] =	vst v63  }
0x38: {  	s26 =	sadd.s32 $0x800, s12;
	s25 =	sadd.s32 $0x100, s10;
	_ =	swait.ge [sflag:s13], $0x800  }
0x39: {  	s23 =	sadd.s32 $0x100, s9;
	s24 =	sadd.s32 $0x800, s11;
	[sflag:s13] =	ssyncset.done $0x0  }
.LBB2_2:
0x3a: {  	s31 =	sshra.s32 s28, $0x2  }
0x3b: {  	[sflag:s13] =	ssyncadd.s32 $0xFFFFF800;
	s28 =	smov.u32 s30;
	s29 =	sadd.s32 $0x200, s30  }
0x3c: {  	[tilespmem:s16], [sflag:$0x1] =	stream.indirect.gather [hbm4b:s3+s15], $0x80, s31, s15, $0xb8;
	[tilespmem:$0xB800] =	vst v63  }
0x3d: {  	p0 =	sne.s32 s30, $0x4E00;
	s30 =	sadd.s32 $0x1400, s31  }
0x3e: {  	[tilespmem:s17], [sflag:$0x2] =	stream.indirect.gather [hbm4b:s4+s15], $0x80, s30, s15, $0xb8;
	[tilespmem:$0xB800] =	vst v63  }
0x3f: {  	_ = 	snop  }
0x40: {  	[tilespmem:s18], [sflag:$0x1] =	stream.indirect.gather [hbm4b:s5+s15], $0x10, s31, s15, $0xb8;
	[tilespmem:$0xB800] =	vst v63  }
0x41: {  	_ = 	snop  }
0x42: {  	[tilespmem:s19], [sflag:$0x2] =	stream.indirect.gather [hbm4b:s5+s15], $0x10, s30, s15, $0xb8;
	[tilespmem:$0xB800] =	vst v63  }
0x43: {  	_ =	swait.ge [sflag:s20], $0x4000  }
0x44: {  	[sflag:s20] =	ssyncset.done $0x0  }
0x45: {  	[sflag:s20] =	ssyncadd.s32 $0xFFFFC000  }
0x46: {  	_ =	swait.ge [sflag:s21], $0x4000  }
0x47: {  	[sflag:s21] =	ssyncset.done $0x0  }
0x48: {  	[sflag:s21] =	ssyncadd.s32 $0xFFFFC000  }
0x49: {  	_ =	swait.ge [sflag:s20], $0x800  }
0x4a: {  	[sflag:s20] =	ssyncset.done $0x0  }
0x4b: {  	[sflag:s20] =	ssyncadd.s32 $0xFFFFF800  }
0x4c: {  	_ =	swait.ge [sflag:s21], $0x800  }
0x4d: {  	[sflag:s21] =	ssyncset.done $0x0  }
0x4e: {  	[sflag:s21] =	ssyncadd.s32 $0xFFFFF800  }
0x4f: {  	[hbm4b:s26+s2] =	stream.linear.scatter [tilespmem:s16], [sflag:$0x3], $0x4000, $0x38;
	[tilespmem:$0xB800] =	vst v63  }
0x50: {  	_ =	swait.ge [sflag:s13], $0x4000  }
0x51: {  	[sflag:s13] =	ssyncset.done $0x0  }
0x52: {  	[sflag:s13] =	ssyncadd.s32 $0xFFFFC000  }
0x53: {  	[hbm4b:s24+s2] =	stream.linear.scatter [tilespmem:s17], [sflag:$0x3], $0x4000, $0x38;
	[tilespmem:$0xB800] =	vst v63  }
0x54: {  	_ =	swait.ge [sflag:s13], $0x4000  }
0x55: {  	[sflag:s13] =	ssyncset.done $0x0  }
0x56: {  	[sflag:s13] =	ssyncadd.s32 $0xFFFFC000  }
0x57: {  	[hbm4b:s25+s2] =	stream.linear.scatter [tilespmem:s18], [sflag:$0x3], $0x800, $0x38;
	[tilespmem:$0xB800] =	vst v63  }
0x58: {  	_ =	swait.ge [sflag:s13], $0x800  }
.Ltmp0:
0x59: {  	[sflag:s13] =	ssyncset.done $0x0;
	(pc) =	sbr.rel @p0 .LBB2_2-.Ltmp0, $4  }
0x5a: {  	s30 =	smov.u32 s29;
	[sflag:s13] =	ssyncadd.s32 $0xFFFFF800  }
0x5b: {  	[hbm4b:s23+s2] =	stream.linear.scatter [tilespmem:s19], [sflag:$0x3], $0x800, $0x38;
	[tilespmem:$0xB800] =	vst v63  }
0x5c: {  	s26 =	sadd.s32 $0x800, s26;
	s24 =	sadd.s32 $0x800, s24;
	_ =	swait.ge [sflag:s13], $0x800  }
0x5d: {  	s25 =	sadd.s32 $0x100, s25;
	s23 =	sadd.s32 $0x100, s23;
	[sflag:s13] =	ssyncset.done $0x0  }
0x5e: {  	s28 =	sshra.s32 s28, $0x2;
	[sflag:s13] =	ssyncadd.s32 $0xFFFFF800  }
0x5f: {  	[tilespmem:s16], [sflag:$0x1] =	stream.indirect.gather [hbm4b:s3+s15], $0x80, s28, s15, $0xb8;
	[tilespmem:$0xB800] =	vst v63  }
0x60: {  	s29 =	sadd.s32 $0x1400, s28  }
0x61: {  	[tilespmem:s17], [sflag:$0x2] =	stream.indirect.gather [hbm4b:s4+s15], $0x80, s29, s15, $0xb8;
	[tilespmem:$0xB800] =	vst v63  }
0x62: {  	_ = 	snop  }
0x63: {  	[tilespmem:s18], [sflag:$0x1] =	stream.indirect.gather [hbm4b:s5+s15], $0x10, s28, s15, $0xb8;
	[tilespmem:$0xB800] =	vst v63  }
0x64: {  	_ = 	snop  }
0x65: {  	[tilespmem:s19], [sflag:$0x2] =	stream.indirect.gather [hbm4b:s5+s15], $0x10, s29, s15, $0xb8;
	[tilespmem:$0xB800] =	vst v63  }
0x66: {  	_ =	swait.ge [sflag:s20], $0x4000  }
0x67: {  	[sflag:s20] =	ssyncset.done $0x0  }
0x68: {  	[sflag:s20] =	ssyncadd.s32 $0xFFFFC000  }
0x69: {  	_ =	swait.ge [sflag:s21], $0x4000  }
0x6a: {  	[sflag:s21] =	ssyncset.done $0x0  }
0x6b: {  	[sflag:s21] =	ssyncadd.s32 $0xFFFFC000  }
0x6c: {  	_ =	swait.ge [sflag:s20], $0x800  }
0x6d: {  	[sflag:s20] =	ssyncset.done $0x0  }
0x6e: {  	[sflag:s20] =	ssyncadd.s32 $0xFFFFF800  }
0x6f: {  	_ =	swait.ge [sflag:s21], $0x800  }
0x70: {  	[sflag:s21] =	ssyncset.done $0x0  }
0x71: {  	[sflag:s21] =	ssyncadd.s32 $0xFFFFF800  }
0x72: {  	[hbm4b:s26+s2] =	stream.linear.scatter [tilespmem:s16], [sflag:$0x3], $0x4000, $0x38;
	[tilespmem:$0xB800] =	vst v63  }
0x73: {  	_ =	swait.ge [sflag:s13], $0x4000  }
0x74: {  	[sflag:s13] =	ssyncset.done $0x0  }
0x75: {  	[sflag:s13] =	ssyncadd.s32 $0xFFFFC000  }
0x76: {  	[hbm4b:s24+s2] =	stream.linear.scatter [tilespmem:s17], [sflag:$0x3], $0x4000, $0x38;
	[tilespmem:$0xB800] =	vst v63  }
0x77: {  	_ =	swait.ge [sflag:s13], $0x4000  }
0x78: {  	[sflag:s13] =	ssyncset.done $0x0  }
0x79: {  	[sflag:s13] =	ssyncadd.s32 $0xFFFFC000  }
0x7a: {  	[hbm4b:s25+s2] =	stream.linear.scatter [tilespmem:s18], [sflag:$0x3], $0x800, $0x38;
	[tilespmem:$0xB800] =	vst v63  }
0x7b: {  	s22 =	sadd.s32 $0x1, s22;
	_ =	swait.ge [sflag:s13], $0x800  }
0x7c: {  	p0 =	sne.s32 s22, s8;
	[sflag:s13] =	ssyncset.done $0x0  }
.Ltmp1:
0x7d: {  	[sflag:s13] =	ssyncadd.s32 $0xFFFFF800;
	(pc) =	sbr.rel @p0 .LBB2_1-.Ltmp1, $4  }
0x7e: {  	[hbm4b:s23+s2] =	stream.linear.scatter [tilespmem:s19], [sflag:$0x3], $0x800, $0x38;
	[tilespmem:$0xB800] =	vst v63  }
0x7f: {  	_ =	swait.ge [sflag:s13], $0x800  }
0x80: {  	[sflag:s13] =	ssyncset.done $0x0  }
0x81: {  	[sflag:s13] =	ssyncadd.s32 $0xFFFFF800  }
0x82: {  	_ =	sfence.sel $0x180000  }
0x83: {  	[bflag:$0x0] =	sbarrier.arrive $0xFFFF  }
0x84: {  	p0 =	sne.s32 s0, $0x0;
	_ =	strace $0x90000047  }
0x85: {  	s0 =	sadd.s32 @!p0 $0x100000, s1;
	[bflag:$0x2] =	sbarrier.arrive $0xFFFF  }
0x86: {  	[sflag:s0] =	ssyncadd.tile.s32 @!p0 $0x1;
	_ =	shalt  }
.Lfunc_end2:
_tile_overlayer_lowered:
.L_overlay_start_2:
0x87: {  	(tag) =	ssettag $0x2  }
0x88: {  	s0 =	rddreg [dreg:$0x0];
	s2 =	stileid.u32  }
0x89: {  	s1 =	rddreg [dreg:$0x1];
	p0 =	sne.s32 s2, $0x0  }
0x8a: {  	s3 =	rddreg [dreg:$0x2];
	[bflag:$0x3] =	sbarrier.arrive $0xFFFF;
	s2 =	simm.s32 @!p0 $0x1C03  }
0x8b: {  	[timem:s3], [sflag:s2] =	dma.local @!p0 [hbm:s0], s1  }
0x8c: {  	s0 =	simm.s32 @!p0 $0x3  }
0x8d: {  	_ =	swait.ge @!p0 [sflag:s0], s1  }
0x8e: {  	s1 =	ssub.s32 @!p0 $0x0, s1;
	[sflag:s0] =	ssyncset.done @!p0 $0x0  }
0x8f: {  	[sflag:s0] =	ssyncadd.s32 @!p0 s1  }
0x90: {  	[bflag:$0x3] =	sbarrier.arrive $0xFFFF  }
0x91: {  	_ =	shalt  }

// kernel: kernel.18.cloned.1.call-start
scs
__scs_entry_jumppad:
0x0: {  	(pc) =	sbr.rel $0x88, $3  }
0x1: {  	(tag) =	ssettag $0x0;
	lr =	simm.s32 $0x1  }
0x2: {  	[smem:$0x3F88] =	sst lr;
	_ =	strace $0xD0000000  }
0x3: {  	_ = 	snop  }
0x4: {  	_ = 	snop  }
0x5: {  	_ = 	snop  }
0x6: {  	_ = 	snop  }
0x7: {  	_ = 	snop  }
__scs_overlays_trampoline_lowered:
0x8: {  	[smem:$0x3F97] =	sst s0  }
0x9: {  	[smem:$0x3F98] =	sst s1  }
0xa: {  	[smem:$0x3F99] =	sst s2  }
0xb: {  	[smem:$0x3F9A] =	sst s3  }
0xc: {  	[smem:$0x3F9B] =	sst s4  }
0xd: {  	[smem:$0x3F9C] =	sst s5  }
0xe: {  	[smem:$0x3F9D] =	sst s6  }
0xf: {  	[smem:$0x3F9E] =	sst s7  }
0x10: {  	[smem:$0x3F9F] =	sst s8  }
0x11: {  	[smem:$0x3FA0] =	sst s9;
	s0 =	simm.s32 @!p0 $0x0  }
0x12: {  	s1 =	sld [smem:$0x3F86];
	s0 =	simm.s32 @p0 $0x1  }
0x13: {  	[smem:$0x3FA1] =	sst s0;
	s0 =	simm.s32 @!p1 $0x0  }
0x14: {  	s2 =	sld [smem:$0x3F85];
	s0 =	simm.s32 @p1 $0x1  }
0x15: {  	[smem:$0x3FA2] =	sst s0;
	s0 =	simm.s32 @!p2 $0x0  }
0x16: {  	s3 =	sld [smem:$0x3FDB];
	s0 =	simm.s32 @p2 $0x1  }
0x17: {  	s4 =	simm.s32 $0x1BF5;
	[smem:$0x3FA4] =	sst s0  }
0x18: {  	s0 =	sld [smem:$0x3F87];
	_ =	swait.ge [sflag:s4], $0x0  }
0x19: {  	s7 =	sld [smem:$0x3F88]  }
0x1a: {  	s8 =	sadd.s32 $0xFFFFE003, lr  }
0x1b: {  	s9 =	sadd.s32 $0xFFFFFEF7, lr;
	s5 =	simm.s32 $0xFFFFFFFF;
	p2 =	slt.u32 s8, $0xFFFFF086  }
0x1c: {  	p1 =	slt.u32 s9, $0xF7A;
	s5 =	simm.s32 @!p2 $0x0  }
0x1d: {  	s5 =	simm.s32 @p1 $0x1;
	p0 =	seq.s32 s7, s2  }
0x1e: {  	s7 =	smul.u32 @!p0 $0xF7A, s2;
	p2 =	seq.s32 @!p0 s5, $0x0  }
0x1f: {  	s9 =	smul.u32 $0xF7A, s1;
	s8 =	simm.s32 @!p0 $0x1BF5;
	p2 =	por !p2, p0  }
0x20: {  	[sflag:s8] =	ssyncset.s32 @!p0 $0xFFFFF086;
	s6 =	sadd.s32 @!p0 s3, s7;
	s7 =	simm.s32 @!p0 $0x108  }
0x21: {  	s3 =	sadd.s32 s3, s9;
	s6 =	sadd.s32 @!p0 $0x88, s6;
	s7 =	simm.s32 @p2 $0x1082  }
0x22: {  	[simem:s7], [sflag:s8] =	dma.local @!p0 [hbm:s6], $0xF7A  }
0x23: {  	s9 =	sor.u32 $0xD0000000, s2;
	s6 =	simm.s32 $0x108;
	_ =	swait.ge @!p0 [sflag:s8], $0x0  }
0x24: {  	s3 =	sadd.s32 $0x88, s3;
	s6 =	simm.s32 @!p1 $0x1082;
	[sflag:s4] =	ssyncset.s32 $0xFFFFF086  }
0x25: {  	[simem:s6], [sflag:s4] =	dma.local [hbm:s3], $0xF7A  }
0x26: {  	[smem:$0x3F88] =	sst s1;
	(tag) =	ssettag s2;
	_ =	strace s9  }
0x27: {  	s1 =	sld [smem:$0x3F98]  }
0x28: {  	s2 =	sld [smem:$0x3F99]  }
0x29: {  	s4 =	sld [smem:$0x3F9B]  }
0x2a: {  	p0 =	seq.s32 s5, $0x0;
	s5 =	sld [smem:$0x3F9C]  }
0x2b: {  	s6 =	sld [smem:$0x3F9D]  }
0x2c: {  	s7 =	sld [smem:$0x3F9E]  }
0x2d: {  	s3 =	simm.s32 $0x108;
	s8 =	sld [smem:$0x3F9F]  }
0x2e: {  	s3 =	simm.s32 @!p0 $0x1082;
	s9 =	sld [smem:$0x3FA0]  }
0x2f: {  	lr =	sadd.s32 s0, s3;
	s0 =	sld [smem:$0x3F97]  }
0x30: {  	s3 =	sld [smem:$0x3F9A]  }
0x31: {  	[smem:$0x3FA3] =	sst s10  }
0x32: {  	s10 =	sld [smem:$0x3FA1];
	_ =	sdelay $0x3  }
0x33: {  	p0 =	seq.s32 s10, $0x1;
	s10 =	sld [smem:$0x3FA3];
	_ =	sdelay $0x3  }
0x34: {  	[smem:$0x3FA3] =	sst s10  }
0x35: {  	s10 =	sld [smem:$0x3FA2];
	_ =	sdelay $0x3  }
0x36: {  	p1 =	seq.s32 s10, $0x1;
	s10 =	sld [smem:$0x3FA3];
	_ =	sdelay $0x3  }
0x37: {  	[smem:$0x3FA3] =	sst s10  }
0x38: {  	s10 =	sld [smem:$0x3FA4]  }
0x39: {  	_ = 	snop;
	(pc) =	sbr.ind lr, $3  }
0x3a: {  	_ = 	snop  }
0x3b: {  	_ = 	snop  }
0x3c: {  	p2 =	seq.s32 s10, $0x1;
	s10 =	sld [smem:$0x3FA3]  }
0x3d: {  	_ =	shalt  }
0x3e: {  	_ =	shalt  }
0x3f: {  	_ =	shalt  }
0x40: {  	_ =	shalt  }
0x41: {  	_ =	shalt  }
0x42: {  	_ =	shalt  }
0x43: {  	_ =	shalt  }
0x44: {  	_ =	shalt  }
0x45: {  	_ =	shalt  }
0x46: {  	_ =	shalt  }
0x47: {  	_ =	shalt  }
0x48: {  	_ =	shalt  }
0x49: {  	_ =	shalt  }
0x4a: {  	_ =	shalt  }
0x4b: {  	_ =	shalt  }
0x4c: {  	_ =	shalt  }
0x4d: {  	_ =	shalt  }
0x4e: {  	_ =	shalt  }
0x4f: {  	_ =	shalt  }
0x50: {  	_ =	shalt  }
0x51: {  	_ =	shalt  }
0x52: {  	_ =	shalt  }
0x53: {  	_ =	shalt  }
0x54: {  	_ =	shalt  }
0x55: {  	_ =	shalt  }
0x56: {  	_ =	shalt  }
0x57: {  	_ =	shalt  }
0x58: {  	_ =	shalt  }
0x59: {  	_ =	shalt  }
0x5a: {  	_ =	shalt  }
0x5b: {  	_ =	shalt  }
0x5c: {  	_ =	shalt  }
0x5d: {  	_ =	shalt  }
0x5e: {  	_ =	shalt  }
0x5f: {  	_ =	shalt  }
0x60: {  	_ =	shalt  }
0x61: {  	_ =	shalt  }
0x62: {  	_ =	shalt  }
0x63: {  	_ =	shalt  }
0x64: {  	_ =	shalt  }
0x65: {  	_ =	shalt  }
0x66: {  	_ =	shalt  }
0x67: {  	_ =	shalt  }
0x68: {  	_ =	shalt  }
0x69: {  	_ =	shalt  }
0x6a: {  	_ =	shalt  }
0x6b: {  	_ =	shalt  }
0x6c: {  	_ =	shalt  }
0x6d: {  	_ =	shalt  }
0x6e: {  	_ =	shalt  }
0x6f: {  	_ =	shalt  }
0x70: {  	_ =	shalt  }
0x71: {  	_ =	shalt  }
0x72: {  	_ =	shalt  }
0x73: {  	_ =	shalt  }
0x74: {  	_ =	shalt  }
0x75: {  	_ =	shalt  }
0x76: {  	_ =	shalt  }
0x77: {  	_ =	shalt  }
0x78: {  	_ =	shalt  }
0x79: {  	_ =	shalt  }
0x7a: {  	_ =	shalt  }
0x7b: {  	_ =	shalt  }
0x7c: {  	_ =	shalt  }
0x7d: {  	_ =	shalt  }
0x7e: {  	_ =	shalt  }
0x7f: {  	_ =	shalt  }
0x80: {  	_ =	shalt  }
0x81: {  	_ =	shalt  }
0x82: {  	_ =	shalt  }
0x83: {  	_ =	shalt  }
0x84: {  	_ =	shalt  }
0x85: {  	_ =	shalt  }
0x86: {  	_ =	shalt  }
0x87: {  	_ =	shalt  }
.Lfunc_end0:
.L_simem_size_0:
called_computation.1_lowered:
.L_overlay_start_0:
0x88: {  	s2 =	sld [smem:$0x3FD9]  }
0x89: {  	s3 =	sld [smem:$0x3FFE];
	_ =	sdelay $0x1  }
0x8a: {  	s1 =	srdreg.scid  }
0x8b: {  	s0 =	sand.u32 $0x1, s1  }
0x8c: {  	s16 =	sshll.u32 s0, $0xA;
	s2 =	sadd.s32 s3, s2  }
0x8d: {  	s2 =	sadd.s32 s2, s16  }
0x8e: {  	[smem:$0x3FAF] =	sst s2  }
0x8f: {  	_ = 	snop  }
0x90: {  	(tm) =	ssettm $0x1  }
0x91: {  	s17 =	sld [smem:$0x3FFB];
	_ =	sdelay $0x3  }
0x92: {  	_ =	strace s17  }
0x93: {  	s2 =	sld [smem:$0x3FFC];
	_ =	sdelay $0x3  }
0x94: {  	_ =	strace s2  }
0x95: {  	s2 =	sld [smem:$0x3FFD];
	_ =	sdelay $0x3  }
0x96: {  	_ =	strace s2  }
0x97: {  	_ =	strace $0x8FFFFFFF  }
0x98: {  	s18 =	sld [smem:$0x3FDB];
	_ =	sdelay $0x1  }
0x99: {  	s19 =	simm.s32 $_scs_section_size  }
0x9a: {  	s4 =	simm.s32 $_size__tile_overlayer_lowered;
	s5 =	simm.s32 $_tile_overlayer_lowered  }
0x9b: {  	s22 =	simm.s32 $0x1BFF;
	s21 =	sshll.u32 s5, $0x1;
	s2 =	sadd.s32 s19, s18  }
0x9c: {  	s6 =	simm.s32 $0x0;
	s20 =	sshll.u32 s4, $0x1;
	s4 =	sadd.s32 s21, s2  }
0x9d: {  	[timem:s6], [sflag:s22] =	dma.local [hbm:s4], s20  }
0x9e: {  	_ =	swait.ge [sflag:s22], s20  }
0x9f: {  	s3 =	ssub.s32 $0x0, s20;
	[sflag:s22] =	ssyncset.done $0x0  }
0xa0: {  	[sflag:s22] =	ssyncadd.s32 s3;
	_ =	sdelay $0x1  }
0xa1: {  	s23 =	simm.s32 $0x1B8B  }
0xa2: {  	_ =	swait.ge [sflag:s23], $0x1  }
0xa3: {  	[sflag:s23] =	ssyncset.done $0x0  }
0xa4: {  	s25 =	simm.s32 $0x1B8E;
	s24 =	sld [smem:$0x3FFE];
	[sflag:s23] =	ssyncadd.s32 $0xFFFFFFFF  }
0xa5: {  	s26 =	simm.s32 $execute0_lowered;
	[smem:$0x3FD2] =	sst s25  }
0xa6: {  	s4 =	sshll.u32 s26, $0x1;
	_ =	strace $0x80000049;
	[dreg:$0x1] =	wrdreg $0xFFFFFFFF  }
0xa7: {  	s28 =	simm.s32 $_size_execute0_lowered;
	s2 =	sadd.s32 s2, s4;
	[dreg:$0x0] =	wrdreg $0x0  }
0xa8: {  	s4 =	sshll.u32 s28, $0x1;
	[dreg:$0x2] =	wrdreg s2  }
0xa9: {  	[dreg:$0x3] =	wrdreg s4  }
0xaa: {  	[dreg:$0x4] =	wrdreg $0xC0  }
0xab: {  	_ =	task [dreg:s6], $0x5FFFF  }
0xac: {  	[dreg:$0x1] =	wrdreg $0xFFFFFFFF  }
0xad: {  	[dreg:$0x0] =	wrdreg $0x60  }
0xae: {  	[dreg:$0x2] =	wrdreg s24  }
0xaf: {  	[dreg:$0x3] =	wrdreg $0x54000  }
0xb0: {  	[dreg:$0x4] =	wrdreg $0x9  }
0xb1: {  	_ =	task.clear_ibuf [dreg:s6], $0x5FFFF;
	_ =	strace $0x90000049  }
0xb2: {  	s29 =	simm.s32 $0x9;
	_ =	strace $0x8000004B  }
0xb3: {  	_ =	swait.ge [sflag:s29], $0x1  }
0xb4: {  	[sflag:s29] =	ssyncadd.s32 $0xFFFFFFFF  }
0xb5: {  	_ =	strace $0x9000004B  }
0xb6: {  	_ =	sfence  }
0xb7: {  	s30 =	sld [smem:$0x0];
	_ =	sdelay $0x2  }
0xb8: {  	s31 =	sshll.u32 s1, $0xD;
	s1 =	sshrl.u32 s1, $0x2  }
0xb9: {  	s3 =	sand.u32 $0x4000, s31;
	s1 =	sadd.s32 s1, s30  }
0xba: {  	s0 =	sor.u32 s3, s0;
	s1 =	sshll.u32 s1, $0x11  }
0xbb: {  	s0 =	sor.u32 s1, s0  }
0xbc: {  	s0 =	sadd.s32 $0x8F2B, s0  }
0xbd: {  	[sflag:s0] =	ssyncadd.remote.s32 $0x1  }
0xbe: {  	_ =	sfence.sel $0xFFFF  }
0xbf: {  	[dreg:$0x0] =	wrdreg $0xFFFFFFFF;
	(pc) =	sbr.abs _section_cstart, $3  }
0xc0: {  	[dreg:$0x1] =	wrdreg $0xFFFFFFFF  }
0xc1: {  	_ =	task.clear_ibuf [dreg:s6], $0x2FFFF;
	_ =	strace $0x9FFFFFFF  }
0xc2: {  	(tm) =	ssettm $0x7FFFFFFF  }
0xc3: {  	_ =	shalt  }
tec
execute0_lowered:
.L_overlay_start_1:
0x0: {  	(tag) =	ssettag $0x1  }
0x1: {  	s0 =	stileid.u32;
	s1 =	srdreg.scid  }
0x2: {  	s4 =	rddreg [dreg:$0x0];
	s5 =	smul.u32 $0x28000, s0  }
0x3: {  	s2 =	rddreg [dreg:$0x1];
	s3 =	simm.s32 $0x0;
	s8 =	smul.u32 $0x2780, s0  }
0x4: {  	s6 =	sand.u32 $0x1, s1;
	s1 =	rddreg [dreg:$0x2];
	s11 =	smul.u32 $0x4F000, s0  }
0x5: {  	s22 =	sshll.u32 s0, $0x1;
	[smem:$0x7FF] =	sst s3;
	s26 =	smul.u32 $0x4E000, s0  }
0x6: {  	s28 =	sshll.u32 s0, $0x6;
	s16 =	smul.u32 $0x2700, s0;
	s17 =	sadd.s32 $0x138000, s2  }
0x7: {  	p0 =	sne.s32 s0, $0xF;
	s7 =	sor.u32 s6, s22;
	s23 =	smul.u32 $0x27100, s6  }
0x8: {  	_ =	strace $0x8000004A;
	s10 =	ssub.s32 $0x2, s6;
	s30 =	smul.u32 $0x14000, s6  }
0x9: {  	s7 =	smul.u32 $0x280, s7;
	s9 =	sadd.s32 s5, s4;
	s8 =	sadd.s32 s8, s4  }
0xa: {  	s24 =	sshrl.u32 s10, $0x1;
	s25 =	sshrl.u32 s11, $0x2;
	s5 =	sor.u32 $0x1C01, s28  }
0xb: {  	s29 =	sshrl.u32 s26, $0x2;
	s11 =	simm.s32 $0x1400;
	s12 =	sadd.s32 s23, s4  }
0xc: {  	s10 =	ssub.s32 s10, s24;
	s13 =	sadd.s32 s25, s2;
	s14 =	sadd.s32 s29, s2  }
0xd: {  	s31 =	sadd.s32 s30, s9;
	s7 =	sadd.s32 s7, s4;
	s4 =	sadd.s32 $0x56A00, s8  }
0xe: {  	s15 =	sadd.s32 $0x66C800, s12;
	s8 =	sadd.s32 $0xB6C800, s31;
	s9 =	sshrl.u32 s13, $0x3  }
0xf: {  	s12 =	simm.s32 $0x80;
	s14 =	sshrl.u32 s14, $0x3;
	s6 =	sadd.s32 $0x51A00, s7  }
0x10: {  	s7 =	smax.u32 s10, $0x1;
	s10 =	simm.s32 $0x1;
	s13 =	sadd.s32 s16, s15  }
0x11: {  	s15 =	sadd.s32 @!p0 $0x27000, s15;
	s16 =	sshrl.u32 @!p0 s17, $0x3;
	s17 =	simm.s32 $0x0  }
.LBB2_1:
0x12: {  	[spmem:s9], [sflag:s5] =	dma.local [hbm:s4], $0x2780  }
0x13: {  	_ =	swait.ge [sflag:s10], $0x2780  }
0x14: {  	[sflag:s10] =	ssyncset.done $0x0  }
0x15: {  	[sflag:s10] =	ssyncadd.s32 $0xFFFFD880  }
0x16: {  	[tilespmem:s3], [sflag:$0x1] =	stream.linear.gather [hbm4b:s6+s3], $0x1400, $0x38;
	[tilespmem:$0x19000] =	vst v63  }
0x17: {  	_ =	swait.ge [sflag:s10], $0x1400  }
0x18: {  	[sflag:s10] =	ssyncset.done $0x0  }
0x19: {  	[sflag:s10] =	ssyncadd.s32 $0xFFFFEC00  }
0x1a: {  	[bflag:$0x0] =	sbarrier.arrive $0xFFFF  }
0x1b: {  	[tilespmem:s11], [sflag:$0x1] =	stream.linear.gather [hbm4b:s8+s3], $0x4000, $0x38;
	[tilespmem:$0x19000] =	vst v63  }
0x1c: {  	_ =	swait.ge [sflag:s10], $0x4000  }
0x1d: {  	[sflag:s10] =	ssyncset.done $0x0  }
0x1e: {  	s18 =	simm.s32 $0x0;
	[sflag:s10] =	ssyncadd.s32 $0xFFFFC000  }
0x1f: {  	[spmem:s2] =	stream.indirect.scatter.add.f32 [tilespmem:s11], [sflag:$0x1], $0x80, s18, s12, $0xb8;
	[tilespmem:$0x19000] =	vst v63  }
0x20: {  	_ =	swait.ge [sflag:s10], $0x4000  }
0x21: {  	s19 =	smov.u32 s8;
	s18 =	simm.s32 $0x200;
	[sflag:s10] =	ssyncset.done $0x0  }
.LBB2_2:
0x22: {  	p1 =	sne.s32 s18, $0x4E00;
	[sflag:s10] =	ssyncadd.s32 $0xFFFFC000;
	s19 =	sadd.s32 $0x800, s19  }
0x23: {  	[tilespmem:s11], [sflag:$0x1] =	stream.linear.gather [hbm4b:s19+s3], $0x4000, $0x38;
	[tilespmem:$0x19000] =	vst v63  }
0x24: {  	s20 =	smov.u32 s18;
	s18 =	sadd.s32 $0x200, s18;
	_ =	swait.ge [sflag:s10], $0x4000  }
.Ltmp0:
0x25: {  	[sflag:s10] =	ssyncset.done $0x0;
	(pc) =	sbr.rel @p1 .LBB2_2-.Ltmp0, $4  }
0x26: {  	s20 =	sshra.s32 s20, $0x2;
	[sflag:s10] =	ssyncadd.s32 $0xFFFFC000  }
0x27: {  	[spmem:s2] =	stream.indirect.scatter.add.f32 [tilespmem:s11], [sflag:$0x1], $0x80, s20, s12, $0xb8;
	[tilespmem:$0x19000] =	vst v63  }
0x28: {  	_ =	swait.ge [sflag:s10], $0x4000  }
0x29: {  	[sflag:s10] =	ssyncset.done $0x0  }
0x2a: {  	[sflag:s10] =	ssyncadd.s32 $0xFFFFC000  }
0x2b: {  	[bflag:$0x0] =	sbarrier.arrive $0xFFFF  }
0x2c: {  	[hbm:s13], [sflag:s5] =	dma.local [spmem:s14], $0x2700  }
0x2d: {  	s17 =	sadd.s32 $0x1, s17;
	_ =	swait.ge [sflag:s10], $0x2700  }
0x2e: {  	p1 =	sne.s32 s17, s7;
	[sflag:s10] =	ssyncset.done $0x0  }
.Ltmp1:
0x2f: {  	s18 =	simm.s32 @!p0 $0x1;
	[sflag:s10] =	ssyncadd.s32 $0xFFFFD900;
	(pc) =	sbr.rel @p1 .LBB2_1-.Ltmp1, $4  }
0x30: {  	[hbm:s15], [sflag:s5] =	dma.local @!p0 [spmem:s16], $0x100  }
0x31: {  	_ =	swait.ge @!p0 [sflag:s18], $0x100  }
0x32: {  	[sflag:s18] =	ssyncset.done @!p0 $0x0  }
0x33: {  	[sflag:s18] =	ssyncadd.s32 @!p0 $0xFFFFFF00  }
0x34: {  	_ =	sfence.sel $0x180000  }
0x35: {  	[bflag:$0x0] =	sbarrier.arrive $0xFFFF  }
0x36: {  	p0 =	sne.s32 s0, $0x0;
	_ =	strace $0x9000004A  }
0x37: {  	s0 =	sadd.s32 @!p0 $0x100000, s1;
	[bflag:$0x2] =	sbarrier.arrive $0xFFFF  }
0x38: {  	[sflag:s0] =	ssyncadd.tile.s32 @!p0 $0x1;
	_ =	shalt  }
.Lfunc_end2:
_tile_overlayer_lowered:
.L_overlay_start_2:
0x39: {  	(tag) =	ssettag $0x2  }
0x3a: {  	s0 =	rddreg [dreg:$0x0];
	s2 =	stileid.u32  }
0x3b: {  	s1 =	rddreg [dreg:$0x1];
	p0 =	sne.s32 s2, $0x0  }
0x3c: {  	s3 =	rddreg [dreg:$0x2];
	[bflag:$0x3] =	sbarrier.arrive $0xFFFF;
	s2 =	simm.s32 @!p0 $0x1C01  }
0x3d: {  	[timem:s3], [sflag:s2] =	dma.local @!p0 [hbm:s0], s1  }
0x3e: {  	s0 =	simm.s32 @!p0 $0x1  }
0x3f: {  	_ =	swait.ge @!p0 [sflag:s0], s1  }
0x40: {  	s1 =	ssub.s32 @!p0 $0x0, s1;
	[sflag:s0] =	ssyncset.done @!p0 $0x0  }
0x41: {  	[sflag:s0] =	ssyncadd.s32 @!p0 s1  }
0x42: {  	[bflag:$0x3] =	sbarrier.arrive $0xFFFF  }
0x43: {  	_ =	shalt  }

// kernel: kernel.21.cloned.1.call-start
scs
__scs_entry_jumppad:
0x0: {  	(pc) =	sbr.rel $0x88, $3  }
0x1: {  	(tag) =	ssettag $0x0;
	lr =	simm.s32 $0x1  }
0x2: {  	[smem:$0x3F88] =	sst lr;
	_ =	strace $0xD0000000  }
0x3: {  	_ = 	snop  }
0x4: {  	_ = 	snop  }
0x5: {  	_ = 	snop  }
0x6: {  	_ = 	snop  }
0x7: {  	_ = 	snop  }
__scs_overlays_trampoline_lowered:
0x8: {  	[smem:$0x3F97] =	sst s0  }
0x9: {  	[smem:$0x3F98] =	sst s1  }
0xa: {  	[smem:$0x3F99] =	sst s2  }
0xb: {  	[smem:$0x3F9A] =	sst s3  }
0xc: {  	[smem:$0x3F9B] =	sst s4  }
0xd: {  	[smem:$0x3F9C] =	sst s5  }
0xe: {  	[smem:$0x3F9D] =	sst s6  }
0xf: {  	[smem:$0x3F9E] =	sst s7  }
0x10: {  	[smem:$0x3F9F] =	sst s8  }
0x11: {  	[smem:$0x3FA0] =	sst s9;
	s0 =	simm.s32 @!p0 $0x0  }
0x12: {  	s1 =	sld [smem:$0x3F86];
	s0 =	simm.s32 @p0 $0x1  }
0x13: {  	[smem:$0x3FA1] =	sst s0;
	s0 =	simm.s32 @!p1 $0x0  }
0x14: {  	s2 =	sld [smem:$0x3F85];
	s0 =	simm.s32 @p1 $0x1  }
0x15: {  	[smem:$0x3FA2] =	sst s0;
	s0 =	simm.s32 @!p2 $0x0  }
0x16: {  	s3 =	sld [smem:$0x3FDB];
	s0 =	simm.s32 @p2 $0x1  }
0x17: {  	s4 =	simm.s32 $0x1BF5;
	[smem:$0x3FA4] =	sst s0  }
0x18: {  	s0 =	sld [smem:$0x3F87];
	_ =	swait.ge [sflag:s4], $0x0  }
0x19: {  	s7 =	sld [smem:$0x3F88]  }
0x1a: {  	s8 =	sadd.s32 $0xFFFFE003, lr  }
0x1b: {  	s9 =	sadd.s32 $0xFFFFFEF7, lr;
	s5 =	simm.s32 $0xFFFFFFFF;
	p2 =	slt.u32 s8, $0xFFFFF086  }
0x1c: {  	p1 =	slt.u32 s9, $0xF7A;
	s5 =	simm.s32 @!p2 $0x0  }
0x1d: {  	s5 =	simm.s32 @p1 $0x1;
	p0 =	seq.s32 s7, s2  }
0x1e: {  	s7 =	smul.u32 @!p0 $0xF7A, s2;
	p2 =	seq.s32 @!p0 s5, $0x0  }
0x1f: {  	s9 =	smul.u32 $0xF7A, s1;
	s8 =	simm.s32 @!p0 $0x1BF5;
	p2 =	por !p2, p0  }
0x20: {  	[sflag:s8] =	ssyncset.s32 @!p0 $0xFFFFF086;
	s6 =	sadd.s32 @!p0 s3, s7;
	s7 =	simm.s32 @!p0 $0x108  }
0x21: {  	s3 =	sadd.s32 s3, s9;
	s6 =	sadd.s32 @!p0 $0x88, s6;
	s7 =	simm.s32 @p2 $0x1082  }
0x22: {  	[simem:s7], [sflag:s8] =	dma.local @!p0 [hbm:s6], $0xF7A  }
0x23: {  	s9 =	sor.u32 $0xD0000000, s2;
	s6 =	simm.s32 $0x108;
	_ =	swait.ge @!p0 [sflag:s8], $0x0  }
0x24: {  	s3 =	sadd.s32 $0x88, s3;
	s6 =	simm.s32 @!p1 $0x1082;
	[sflag:s4] =	ssyncset.s32 $0xFFFFF086  }
0x25: {  	[simem:s6], [sflag:s4] =	dma.local [hbm:s3], $0xF7A  }
0x26: {  	[smem:$0x3F88] =	sst s1;
	(tag) =	ssettag s2;
	_ =	strace s9  }
0x27: {  	s1 =	sld [smem:$0x3F98]  }
0x28: {  	s2 =	sld [smem:$0x3F99]  }
0x29: {  	s4 =	sld [smem:$0x3F9B]  }
0x2a: {  	p0 =	seq.s32 s5, $0x0;
	s5 =	sld [smem:$0x3F9C]  }
0x2b: {  	s6 =	sld [smem:$0x3F9D]  }
0x2c: {  	s7 =	sld [smem:$0x3F9E]  }
0x2d: {  	s3 =	simm.s32 $0x108;
	s8 =	sld [smem:$0x3F9F]  }
0x2e: {  	s3 =	simm.s32 @!p0 $0x1082;
	s9 =	sld [smem:$0x3FA0]  }
0x2f: {  	lr =	sadd.s32 s0, s3;
	s0 =	sld [smem:$0x3F97]  }
0x30: {  	s3 =	sld [smem:$0x3F9A]  }
0x31: {  	[smem:$0x3FA3] =	sst s10  }
0x32: {  	s10 =	sld [smem:$0x3FA1];
	_ =	sdelay $0x3  }
0x33: {  	p0 =	seq.s32 s10, $0x1;
	s10 =	sld [smem:$0x3FA3];
	_ =	sdelay $0x3  }
0x34: {  	[smem:$0x3FA3] =	sst s10  }
0x35: {  	s10 =	sld [smem:$0x3FA2];
	_ =	sdelay $0x3  }
0x36: {  	p1 =	seq.s32 s10, $0x1;
	s10 =	sld [smem:$0x3FA3];
	_ =	sdelay $0x3  }
0x37: {  	[smem:$0x3FA3] =	sst s10  }
0x38: {  	s10 =	sld [smem:$0x3FA4]  }
0x39: {  	_ = 	snop;
	(pc) =	sbr.ind lr, $3  }
0x3a: {  	_ = 	snop  }
0x3b: {  	_ = 	snop  }
0x3c: {  	p2 =	seq.s32 s10, $0x1;
	s10 =	sld [smem:$0x3FA3]  }
0x3d: {  	_ =	shalt  }
0x3e: {  	_ =	shalt  }
0x3f: {  	_ =	shalt  }
0x40: {  	_ =	shalt  }
0x41: {  	_ =	shalt  }
0x42: {  	_ =	shalt  }
0x43: {  	_ =	shalt  }
0x44: {  	_ =	shalt  }
0x45: {  	_ =	shalt  }
0x46: {  	_ =	shalt  }
0x47: {  	_ =	shalt  }
0x48: {  	_ =	shalt  }
0x49: {  	_ =	shalt  }
0x4a: {  	_ =	shalt  }
0x4b: {  	_ =	shalt  }
0x4c: {  	_ =	shalt  }
0x4d: {  	_ =	shalt  }
0x4e: {  	_ =	shalt  }
0x4f: {  	_ =	shalt  }
0x50: {  	_ =	shalt  }
0x51: {  	_ =	shalt  }
0x52: {  	_ =	shalt  }
0x53: {  	_ =	shalt  }
0x54: {  	_ =	shalt  }
0x55: {  	_ =	shalt  }
0x56: {  	_ =	shalt  }
0x57: {  	_ =	shalt  }
0x58: {  	_ =	shalt  }
0x59: {  	_ =	shalt  }
0x5a: {  	_ =	shalt  }
0x5b: {  	_ =	shalt  }
0x5c: {  	_ =	shalt  }
0x5d: {  	_ =	shalt  }
0x5e: {  	_ =	shalt  }
0x5f: {  	_ =	shalt  }
0x60: {  	_ =	shalt  }
0x61: {  	_ =	shalt  }
0x62: {  	_ =	shalt  }
0x63: {  	_ =	shalt  }
0x64: {  	_ =	shalt  }
0x65: {  	_ =	shalt  }
0x66: {  	_ =	shalt  }
0x67: {  	_ =	shalt  }
0x68: {  	_ =	shalt  }
0x69: {  	_ =	shalt  }
0x6a: {  	_ =	shalt  }
0x6b: {  	_ =	shalt  }
0x6c: {  	_ =	shalt  }
0x6d: {  	_ =	shalt  }
0x6e: {  	_ =	shalt  }
0x6f: {  	_ =	shalt  }
0x70: {  	_ =	shalt  }
0x71: {  	_ =	shalt  }
0x72: {  	_ =	shalt  }
0x73: {  	_ =	shalt  }
0x74: {  	_ =	shalt  }
0x75: {  	_ =	shalt  }
0x76: {  	_ =	shalt  }
0x77: {  	_ =	shalt  }
0x78: {  	_ =	shalt  }
0x79: {  	_ =	shalt  }
0x7a: {  	_ =	shalt  }
0x7b: {  	_ =	shalt  }
0x7c: {  	_ =	shalt  }
0x7d: {  	_ =	shalt  }
0x7e: {  	_ =	shalt  }
0x7f: {  	_ =	shalt  }
0x80: {  	_ =	shalt  }
0x81: {  	_ =	shalt  }
0x82: {  	_ =	shalt  }
0x83: {  	_ =	shalt  }
0x84: {  	_ =	shalt  }
0x85: {  	_ =	shalt  }
0x86: {  	_ =	shalt  }
0x87: {  	_ =	shalt  }
.Lfunc_end0:
.L_simem_size_0:
called_computation.2_lowered:
.L_overlay_start_0:
0x88: {  	s2 =	sld [smem:$0x3FD9]  }
0x89: {  	s3 =	sld [smem:$0x3FFE];
	_ =	sdelay $0x1  }
0x8a: {  	s1 =	srdreg.scid  }
0x8b: {  	s0 =	sand.u32 $0x1, s1  }
0x8c: {  	s16 =	sshll.u32 s0, $0xA;
	s2 =	sadd.s32 s3, s2  }
0x8d: {  	s2 =	sadd.s32 s2, s16  }
0x8e: {  	[smem:$0x3FAF] =	sst s2  }
0x8f: {  	_ = 	snop  }
0x90: {  	(tm) =	ssettm $0x1  }
0x91: {  	s17 =	sld [smem:$0x3FFB];
	_ =	sdelay $0x3  }
0x92: {  	_ =	strace s17  }
0x93: {  	s2 =	sld [smem:$0x3FFC];
	_ =	sdelay $0x3  }
0x94: {  	_ =	strace s2  }
0x95: {  	s2 =	sld [smem:$0x3FFD];
	_ =	sdelay $0x3  }
0x96: {  	_ =	strace s2  }
0x97: {  	_ =	strace $0x8FFFFFFF  }
0x98: {  	s18 =	sld [smem:$0x3FDB];
	_ =	sdelay $0x1  }
0x99: {  	s19 =	simm.s32 $_scs_section_size  }
0x9a: {  	s4 =	simm.s32 $_size__tile_overlayer_lowered;
	s5 =	simm.s32 $_tile_overlayer_lowered  }
0x9b: {  	s22 =	simm.s32 $0x1BFF;
	s21 =	sshll.u32 s5, $0x1;
	s2 =	sadd.s32 s19, s18  }
0x9c: {  	s6 =	simm.s32 $0x0;
	s20 =	sshll.u32 s4, $0x1;
	s4 =	sadd.s32 s21, s2  }
0x9d: {  	[timem:s6], [sflag:s22] =	dma.local [hbm:s4], s20  }
0x9e: {  	_ =	swait.ge [sflag:s22], s20  }
0x9f: {  	s3 =	ssub.s32 $0x0, s20;
	[sflag:s22] =	ssyncset.done $0x0  }
0xa0: {  	[sflag:s22] =	ssyncadd.s32 s3;
	_ =	sdelay $0x1  }
0xa1: {  	s23 =	simm.s32 $0x1B8B  }
0xa2: {  	_ =	swait.ge [sflag:s23], $0x1  }
0xa3: {  	[sflag:s23] =	ssyncset.done $0x0  }
0xa4: {  	s25 =	simm.s32 $0x1B8E;
	s24 =	sld [smem:$0x3FFE];
	[sflag:s23] =	ssyncadd.s32 $0xFFFFFFFF  }
0xa5: {  	s26 =	simm.s32 $execute0_lowered;
	[smem:$0x3FD2] =	sst s25  }
0xa6: {  	s4 =	sshll.u32 s26, $0x1;
	_ =	strace $0x8000004C;
	[dreg:$0x1] =	wrdreg $0xFFFFFFFF  }
0xa7: {  	s28 =	simm.s32 $_size_execute0_lowered;
	s2 =	sadd.s32 s2, s4;
	[dreg:$0x0] =	wrdreg $0x0  }
0xa8: {  	s4 =	sshll.u32 s28, $0x1;
	[dreg:$0x2] =	wrdreg s2  }
0xa9: {  	[dreg:$0x3] =	wrdreg s4  }
0xaa: {  	[dreg:$0x4] =	wrdreg $0xC0  }
0xab: {  	_ =	task [dreg:s6], $0x5FFFF  }
0xac: {  	[dreg:$0x1] =	wrdreg $0xFFFFFFFF  }
0xad: {  	[dreg:$0x0] =	wrdreg $0x60  }
0xae: {  	[dreg:$0x2] =	wrdreg s24  }
0xaf: {  	[dreg:$0x3] =	wrdreg $0x9  }
0xb0: {  	_ =	task.clear_ibuf [dreg:s6], $0x4FFFF;
	_ =	strace $0x9000004C  }
0xb1: {  	s29 =	simm.s32 $0x9;
	_ =	strace $0x8000004E  }
0xb2: {  	_ =	swait.ge [sflag:s29], $0x1  }
0xb3: {  	[sflag:s29] =	ssyncadd.s32 $0xFFFFFFFF  }
0xb4: {  	_ =	strace $0x9000004E  }
0xb5: {  	_ =	sfence  }
0xb6: {  	s30 =	sld [smem:$0x0];
	_ =	sdelay $0x2  }
0xb7: {  	s31 =	sshll.u32 s1, $0xD;
	s1 =	sshrl.u32 s1, $0x2  }
0xb8: {  	s3 =	sand.u32 $0x4000, s31;
	s1 =	sadd.s32 s1, s30  }
0xb9: {  	s0 =	sor.u32 s3, s0;
	s1 =	sshll.u32 s1, $0x11  }
0xba: {  	s0 =	sor.u32 s1, s0  }
0xbb: {  	s0 =	sadd.s32 $0x8F2B, s0  }
0xbc: {  	[sflag:s0] =	ssyncadd.remote.s32 $0x1  }
0xbd: {  	_ =	sfence.sel $0xFFFF  }
0xbe: {  	[dreg:$0x0] =	wrdreg $0xFFFFFFFF;
	(pc) =	sbr.abs _section_cstart, $3  }
0xbf: {  	[dreg:$0x1] =	wrdreg $0xFFFFFFFF  }
0xc0: {  	_ =	task.clear_ibuf [dreg:s6], $0x2FFFF;
	_ =	strace $0x9FFFFFFF  }
0xc1: {  	(tm) =	ssettm $0x7FFFFFFF  }
tec
execute0_lowered:
.L_overlay_start_1:
0x0: {  	(tag) =	ssettag $0x1  }
0x1: {  	s5 =	rddreg [dreg:$0x0]  }
0x2: {  	s0 =	rddreg [dreg:$0x1]  }
0x3: {  	s3 =	srdreg.scid;
	s1 =	stileid.u32  }
0x4: {  	s2 =	simm.s32 $0x0;
	s11 =	simm.s32 $0x1400;
	s12 =	simm.s32 $0x80  }
0x5: {  	s13 =	simm.s32 $0x2800;
	s14 =	simm.s32 $0x6800;
	s15 =	simm.s32 $0x1  }
0x6: {  	s16 =	simm.s32 $0x2;
	s6 =	sand.u32 $0x1, s3;
	s30 =	sshll.u32 s1, $0x1  }
0x7: {  	[smem:$0x7FF] =	sst s2;
	s8 =	smul.u32 $0x28000, s1;
	s4 =	sadd.s32 $0x693A00, s5  }
0x8: {  	s3 =	sor.u32 s6, s30;
	s9 =	ssub.s32 $0x2, s6;
	s6 =	smul.u32 $0x14000, s6  }
0x9: {  	s17 =	simm.s32 $0x0;
	_ =	strace $0x8000004D;
	s7 =	smul.u32 $0x280, s3  }
0xa: {  	s3 =	sadd.s32 $0x66C800, s5;
	s8 =	sadd.s32 s8, s5;
	s31 =	sshrl.u32 s9, $0x1  }
0xb: {  	s9 =	ssub.s32 s9, s31;
	s10 =	sadd.s32 s6, s8;
	s7 =	sadd.s32 s7, s5  }
0xc: {  	s8 =	sadd.s32 $0x7E200, s10;
	s5 =	sadd.s32 $0x4CA00, s7;
	s6 =	sadd.s32 $0x47A00, s7  }
0xd: {  	s7 =	smax.u32 s9, $0x1;
	s9 =	sadd.s32 $0x6E1E00, s10;
	s10 =	simm.s32 $0x3  }
.LBB2_1:
0xe: {  	[tilespmem:s2], [sflag:$0x3] =	stream.linear.gather [hbm4b:s5+s2], $0x1400, $0x38;
	[tilespmem:$0xA800] =	vst v63  }
0xf: {  	_ =	swait.ge [sflag:s10], $0x1400  }
0x10: {  	[sflag:s10] =	ssyncset.done $0x0  }
0x11: {  	[sflag:s10] =	ssyncadd.s32 $0xFFFFEC00  }
0x12: {  	[tilespmem:s11], [sflag:$0x3] =	stream.linear.gather [hbm4b:s6+s2], $0x1400, $0x38;
	[tilespmem:$0xA800] =	vst v63  }
0x13: {  	_ =	swait.ge [sflag:s10], $0x1400  }
0x14: {  	[sflag:s10] =	ssyncset.done $0x0  }
0x15: {  	s18 =	simm.s32 $0x0;
	[sflag:s10] =	ssyncadd.s32 $0xFFFFEC00  }
0x16: {  	[tilespmem:s13], [sflag:$0x1] =	stream.indirect.gather [hbm4b:s3+s12], $0x80, s18, s12, $0xb8;
	[tilespmem:$0xA800] =	vst v63  }
0x17: {  	s31 =	simm.s32 $0x1400  }
0x18: {  	[tilespmem:s14], [sflag:$0x2] =	stream.indirect.gather [hbm4b:s4+s12], $0x80, s31, s12, $0xb8;
	[tilespmem:$0xA800] =	vst v63  }
0x19: {  	_ =	swait.ge [sflag:s15], $0x4000  }
0x1a: {  	[sflag:s15] =	ssyncset.done $0x0  }
0x1b: {  	[sflag:s15] =	ssyncadd.s32 $0xFFFFC000  }
0x1c: {  	_ =	swait.ge [sflag:s16], $0x4000  }
0x1d: {  	[sflag:s16] =	ssyncset.done $0x0  }
0x1e: {  	[sflag:s16] =	ssyncadd.s32 $0xFFFFC000  }
0x1f: {  	[hbm4b:s9+s2] =	stream.linear.scatter [tilespmem:s13], [sflag:$0x3], $0x4000, $0x38;
	[tilespmem:$0xA800] =	vst v63  }
0x20: {  	_ =	swait.ge [sflag:s10], $0x4000  }
0x21: {  	[sflag:s10] =	ssyncset.done $0x0  }
0x22: {  	[sflag:s10] =	ssyncadd.s32 $0xFFFFC000  }
0x23: {  	[hbm4b:s8+s2] =	stream.linear.scatter [tilespmem:s14], [sflag:$0x3], $0x4000, $0x38;
	[tilespmem:$0xA800] =	vst v63  }
0x24: {  	s20 =	simm.s32 $0x200;
	s21 =	simm.s32 $0x400;
	_ =	swait.ge [sflag:s10], $0x4000  }
0x25: {  	s19 =	sadd.s32 $0x800, s9;
	s18 =	sadd.s32 $0x800, s8;
	[sflag:s10] =	ssyncset.done $0x0  }
.LBB2_2:
0x26: {  	s22 =	sshra.s32 s20, $0x2  }
0x27: {  	[sflag:s10] =	ssyncadd.s32 $0xFFFFC000;
	s20 =	smov.u32 s21;
	s23 =	sadd.s32 $0x200, s21  }
0x28: {  	[tilespmem:s13], [sflag:$0x1] =	stream.indirect.gather [hbm4b:s3+s12], $0x80, s22, s12, $0xb8;
	[tilespmem:$0xA800] =	vst v63  }
0x29: {  	p0 =	sne.s32 s21, $0x4E00;
	s21 =	sadd.s32 $0x1400, s22  }
0x2a: {  	[tilespmem:s14], [sflag:$0x2] =	stream.indirect.gather [hbm4b:s4+s12], $0x80, s21, s12, $0xb8;
	[tilespmem:$0xA800] =	vst v63  }
0x2b: {  	_ =	swait.ge [sflag:s15], $0x4000  }
0x2c: {  	[sflag:s15] =	ssyncset.done $0x0  }
0x2d: {  	[sflag:s15] =	ssyncadd.s32 $0xFFFFC000  }
0x2e: {  	_ =	swait.ge [sflag:s16], $0x4000  }
0x2f: {  	[sflag:s16] =	ssyncset.done $0x0  }
0x30: {  	[sflag:s16] =	ssyncadd.s32 $0xFFFFC000  }
0x31: {  	[hbm4b:s19+s2] =	stream.linear.scatter [tilespmem:s13], [sflag:$0x3], $0x4000, $0x38;
	[tilespmem:$0xA800] =	vst v63  }
0x32: {  	_ =	swait.ge [sflag:s10], $0x4000  }
.Ltmp0:
0x33: {  	[sflag:s10] =	ssyncset.done $0x0;
	(pc) =	sbr.rel @p0 .LBB2_2-.Ltmp0, $4  }
0x34: {  	[sflag:s10] =	ssyncadd.s32 $0xFFFFC000  }
0x35: {  	[hbm4b:s18+s2] =	stream.linear.scatter [tilespmem:s14], [sflag:$0x3], $0x4000, $0x38;
	[tilespmem:$0xA800] =	vst v63  }
0x36: {  	s21 =	smov.u32 s23;
	_ =	swait.ge [sflag:s10], $0x4000  }
0x37: {  	s19 =	sadd.s32 $0x800, s19;
	s18 =	sadd.s32 $0x800, s18;
	[sflag:s10] =	ssyncset.done $0x0  }
0x38: {  	s20 =	sshra.s32 s20, $0x2;
	[sflag:s10] =	ssyncadd.s32 $0xFFFFC000  }
0x39: {  	[tilespmem:s13], [sflag:$0x1] =	stream.indirect.gather [hbm4b:s3+s12], $0x80, s20, s12, $0xb8;
	[tilespmem:$0xA800] =	vst v63  }
0x3a: {  	s20 =	sadd.s32 $0x1400, s20  }
0x3b: {  	[tilespmem:s14], [sflag:$0x2] =	stream.indirect.gather [hbm4b:s4+s12], $0x80, s20, s12, $0xb8;
	[tilespmem:$0xA800] =	vst v63  }
0x3c: {  	_ =	swait.ge [sflag:s15], $0x4000  }
0x3d: {  	[sflag:s15] =	ssyncset.done $0x0  }
0x3e: {  	[sflag:s15] =	ssyncadd.s32 $0xFFFFC000  }
0x3f: {  	_ =	swait.ge [sflag:s16], $0x4000  }
0x40: {  	[sflag:s16] =	ssyncset.done $0x0  }
0x41: {  	[sflag:s16] =	ssyncadd.s32 $0xFFFFC000  }
0x42: {  	[hbm4b:s19+s2] =	stream.linear.scatter [tilespmem:s13], [sflag:$0x3], $0x4000, $0x38;
	[tilespmem:$0xA800] =	vst v63  }
0x43: {  	s17 =	sadd.s32 $0x1, s17;
	_ =	swait.ge [sflag:s10], $0x4000  }
0x44: {  	p0 =	sne.s32 s17, s7;
	[sflag:s10] =	ssyncset.done $0x0  }
.Ltmp1:
0x45: {  	[sflag:s10] =	ssyncadd.s32 $0xFFFFC000;
	(pc) =	sbr.rel @p0 .LBB2_1-.Ltmp1, $4  }
0x46: {  	[hbm4b:s18+s2] =	stream.linear.scatter [tilespmem:s14], [sflag:$0x3], $0x4000, $0x38;
	[tilespmem:$0xA800] =	vst v63  }
0x47: {  	_ =	swait.ge [sflag:s10], $0x4000  }
0x48: {  	[sflag:s10] =	ssyncset.done $0x0  }
0x49: {  	[sflag:s10] =	ssyncadd.s32 $0xFFFFC000  }
0x4a: {  	_ =	sfence.sel $0x180000  }
0x4b: {  	[bflag:$0x0] =	sbarrier.arrive $0xFFFF  }
0x4c: {  	p0 =	sne.s32 s1, $0x0;
	_ =	strace $0x9000004D  }
0x4d: {  	s0 =	sadd.s32 @!p0 $0x100000, s0;
	[bflag:$0x2] =	sbarrier.arrive $0xFFFF  }
0x4e: {  	[sflag:s0] =	ssyncadd.tile.s32 @!p0 $0x1;
	_ =	shalt  }
.Lfunc_end2:
_tile_overlayer_lowered:
.L_overlay_start_2:
0x4f: {  	(tag) =	ssettag $0x2  }
0x50: {  	s0 =	rddreg [dreg:$0x0];
	s2 =	stileid.u32  }
0x51: {  	s1 =	rddreg [dreg:$0x1];
	p0 =	sne.s32 s2, $0x0  }
0x52: {  	s3 =	rddreg [dreg:$0x2];
	[bflag:$0x3] =	sbarrier.arrive $0xFFFF;
	s2 =	simm.s32 @!p0 $0x1C03  }
0x53: {  	[timem:s3], [sflag:s2] =	dma.local @!p0 [hbm:s0], s1  }
0x54: {  	s0 =	simm.s32 @!p0 $0x3  }
0x55: {  	_ =	swait.ge @!p0 [sflag:s0], s1  }
0x56: {  	s1 =	ssub.s32 @!p0 $0x0, s1;
	[sflag:s0] =	ssyncset.done @!p0 $0x0  }
0x57: {  	[sflag:s0] =	ssyncadd.s32 @!p0 s1  }
0x58: {  	[bflag:$0x3] =	sbarrier.arrive $0xFFFF  }
0x59: {  	_ =	shalt  }

// kernel: kernel.24.cloned.1.call-start
scs
__scs_entry_jumppad:
0x0: {  	(pc) =	sbr.rel $0x88, $3  }
0x1: {  	(tag) =	ssettag $0x0;
	lr =	simm.s32 $0x1  }
0x2: {  	[smem:$0x3F88] =	sst lr;
	_ =	strace $0xD0000000  }
0x3: {  	_ = 	snop  }
0x4: {  	_ = 	snop  }
0x5: {  	_ = 	snop  }
0x6: {  	_ = 	snop  }
0x7: {  	_ = 	snop  }
__scs_overlays_trampoline_lowered:
0x8: {  	[smem:$0x3F97] =	sst s0  }
0x9: {  	[smem:$0x3F98] =	sst s1  }
0xa: {  	[smem:$0x3F99] =	sst s2  }
0xb: {  	[smem:$0x3F9A] =	sst s3  }
0xc: {  	[smem:$0x3F9B] =	sst s4  }
0xd: {  	[smem:$0x3F9C] =	sst s5  }
0xe: {  	[smem:$0x3F9D] =	sst s6  }
0xf: {  	[smem:$0x3F9E] =	sst s7  }
0x10: {  	[smem:$0x3F9F] =	sst s8  }
0x11: {  	[smem:$0x3FA0] =	sst s9;
	s0 =	simm.s32 @!p0 $0x0  }
0x12: {  	s1 =	sld [smem:$0x3F86];
	s0 =	simm.s32 @p0 $0x1  }
0x13: {  	[smem:$0x3FA1] =	sst s0;
	s0 =	simm.s32 @!p1 $0x0  }
0x14: {  	s2 =	sld [smem:$0x3F85];
	s0 =	simm.s32 @p1 $0x1  }
0x15: {  	[smem:$0x3FA2] =	sst s0;
	s0 =	simm.s32 @!p2 $0x0  }
0x16: {  	s3 =	sld [smem:$0x3FDB];
	s0 =	simm.s32 @p2 $0x1  }
0x17: {  	s4 =	simm.s32 $0x1BF5;
	[smem:$0x3FA4] =	sst s0  }
0x18: {  	s0 =	sld [smem:$0x3F87];
	_ =	swait.ge [sflag:s4], $0x0  }
0x19: {  	s7 =	sld [smem:$0x3F88]  }
0x1a: {  	s8 =	sadd.s32 $0xFFFFE003, lr  }
0x1b: {  	s9 =	sadd.s32 $0xFFFFFEF7, lr;
	s5 =	simm.s32 $0xFFFFFFFF;
	p2 =	slt.u32 s8, $0xFFFFF086  }
0x1c: {  	p1 =	slt.u32 s9, $0xF7A;
	s5 =	simm.s32 @!p2 $0x0  }
0x1d: {  	s5 =	simm.s32 @p1 $0x1;
	p0 =	seq.s32 s7, s2  }
0x1e: {  	s7 =	smul.u32 @!p0 $0xF7A, s2;
	p2 =	seq.s32 @!p0 s5, $0x0  }
0x1f: {  	s9 =	smul.u32 $0xF7A, s1;
	s8 =	simm.s32 @!p0 $0x1BF5;
	p2 =	por !p2, p0  }
0x20: {  	[sflag:s8] =	ssyncset.s32 @!p0 $0xFFFFF086;
	s6 =	sadd.s32 @!p0 s3, s7;
	s7 =	simm.s32 @!p0 $0x108  }
0x21: {  	s3 =	sadd.s32 s3, s9;
	s6 =	sadd.s32 @!p0 $0x88, s6;
	s7 =	simm.s32 @p2 $0x1082  }
0x22: {  	[simem:s7], [sflag:s8] =	dma.local @!p0 [hbm:s6], $0xF7A  }
0x23: {  	s9 =	sor.u32 $0xD0000000, s2;
	s6 =	simm.s32 $0x108;
	_ =	swait.ge @!p0 [sflag:s8], $0x0  }
0x24: {  	s3 =	sadd.s32 $0x88, s3;
	s6 =	simm.s32 @!p1 $0x1082;
	[sflag:s4] =	ssyncset.s32 $0xFFFFF086  }
0x25: {  	[simem:s6], [sflag:s4] =	dma.local [hbm:s3], $0xF7A  }
0x26: {  	[smem:$0x3F88] =	sst s1;
	(tag) =	ssettag s2;
	_ =	strace s9  }
0x27: {  	s1 =	sld [smem:$0x3F98]  }
0x28: {  	s2 =	sld [smem:$0x3F99]  }
0x29: {  	s4 =	sld [smem:$0x3F9B]  }
0x2a: {  	p0 =	seq.s32 s5, $0x0;
	s5 =	sld [smem:$0x3F9C]  }
0x2b: {  	s6 =	sld [smem:$0x3F9D]  }
0x2c: {  	s7 =	sld [smem:$0x3F9E]  }
0x2d: {  	s3 =	simm.s32 $0x108;
	s8 =	sld [smem:$0x3F9F]  }
0x2e: {  	s3 =	simm.s32 @!p0 $0x1082;
	s9 =	sld [smem:$0x3FA0]  }
0x2f: {  	lr =	sadd.s32 s0, s3;
	s0 =	sld [smem:$0x3F97]  }
0x30: {  	s3 =	sld [smem:$0x3F9A]  }
0x31: {  	[smem:$0x3FA3] =	sst s10  }
0x32: {  	s10 =	sld [smem:$0x3FA1];
	_ =	sdelay $0x3  }
0x33: {  	p0 =	seq.s32 s10, $0x1;
	s10 =	sld [smem:$0x3FA3];
	_ =	sdelay $0x3  }
0x34: {  	[smem:$0x3FA3] =	sst s10  }
0x35: {  	s10 =	sld [smem:$0x3FA2];
	_ =	sdelay $0x3  }
0x36: {  	p1 =	seq.s32 s10, $0x1;
	s10 =	sld [smem:$0x3FA3];
	_ =	sdelay $0x3  }
0x37: {  	[smem:$0x3FA3] =	sst s10  }
0x38: {  	s10 =	sld [smem:$0x3FA4]  }
0x39: {  	_ = 	snop;
	(pc) =	sbr.ind lr, $3  }
0x3a: {  	_ = 	snop  }
0x3b: {  	_ = 	snop  }
0x3c: {  	p2 =	seq.s32 s10, $0x1;
	s10 =	sld [smem:$0x3FA3]  }
0x3d: {  	_ =	shalt  }
0x3e: {  	_ =	shalt  }
0x3f: {  	_ =	shalt  }
0x40: {  	_ =	shalt  }
0x41: {  	_ =	shalt  }
0x42: {  	_ =	shalt  }
0x43: {  	_ =	shalt  }
0x44: {  	_ =	shalt  }
0x45: {  	_ =	shalt  }
0x46: {  	_ =	shalt  }
0x47: {  	_ =	shalt  }
0x48: {  	_ =	shalt  }
0x49: {  	_ =	shalt  }
0x4a: {  	_ =	shalt  }
0x4b: {  	_ =	shalt  }
0x4c: {  	_ =	shalt  }
0x4d: {  	_ =	shalt  }
0x4e: {  	_ =	shalt  }
0x4f: {  	_ =	shalt  }
0x50: {  	_ =	shalt  }
0x51: {  	_ =	shalt  }
0x52: {  	_ =	shalt  }
0x53: {  	_ =	shalt  }
0x54: {  	_ =	shalt  }
0x55: {  	_ =	shalt  }
0x56: {  	_ =	shalt  }
0x57: {  	_ =	shalt  }
0x58: {  	_ =	shalt  }
0x59: {  	_ =	shalt  }
0x5a: {  	_ =	shalt  }
0x5b: {  	_ =	shalt  }
0x5c: {  	_ =	shalt  }
0x5d: {  	_ =	shalt  }
0x5e: {  	_ =	shalt  }
0x5f: {  	_ =	shalt  }
0x60: {  	_ =	shalt  }
0x61: {  	_ =	shalt  }
0x62: {  	_ =	shalt  }
0x63: {  	_ =	shalt  }
0x64: {  	_ =	shalt  }
0x65: {  	_ =	shalt  }
0x66: {  	_ =	shalt  }
0x67: {  	_ =	shalt  }
0x68: {  	_ =	shalt  }
0x69: {  	_ =	shalt  }
0x6a: {  	_ =	shalt  }
0x6b: {  	_ =	shalt  }
0x6c: {  	_ =	shalt  }
0x6d: {  	_ =	shalt  }
0x6e: {  	_ =	shalt  }
0x6f: {  	_ =	shalt  }
0x70: {  	_ =	shalt  }
0x71: {  	_ =	shalt  }
0x72: {  	_ =	shalt  }
0x73: {  	_ =	shalt  }
0x74: {  	_ =	shalt  }
0x75: {  	_ =	shalt  }
0x76: {  	_ =	shalt  }
0x77: {  	_ =	shalt  }
0x78: {  	_ =	shalt  }
0x79: {  	_ =	shalt  }
0x7a: {  	_ =	shalt  }
0x7b: {  	_ =	shalt  }
0x7c: {  	_ =	shalt  }
0x7d: {  	_ =	shalt  }
0x7e: {  	_ =	shalt  }
0x7f: {  	_ =	shalt  }
0x80: {  	_ =	shalt  }
0x81: {  	_ =	shalt  }
0x82: {  	_ =	shalt  }
0x83: {  	_ =	shalt  }
0x84: {  	_ =	shalt  }
0x85: {  	_ =	shalt  }
0x86: {  	_ =	shalt  }
0x87: {  	_ =	shalt  }
.Lfunc_end0:
.L_simem_size_0:
called_computation.3_lowered:
.L_overlay_start_0:
0x88: {  	s2 =	sld [smem:$0x3FD9]  }
0x89: {  	s3 =	sld [smem:$0x3FFE];
	_ =	sdelay $0x1  }
0x8a: {  	s1 =	srdreg.scid  }
0x8b: {  	s0 =	sand.u32 $0x1, s1  }
0x8c: {  	s16 =	sshll.u32 s0, $0xA;
	s2 =	sadd.s32 s3, s2  }
0x8d: {  	s2 =	sadd.s32 s2, s16  }
0x8e: {  	[smem:$0x3FAF] =	sst s2  }
0x8f: {  	_ = 	snop  }
0x90: {  	(tm) =	ssettm $0x1  }
0x91: {  	s17 =	sld [smem:$0x3FFB];
	_ =	sdelay $0x3  }
0x92: {  	_ =	strace s17  }
0x93: {  	s2 =	sld [smem:$0x3FFC];
	_ =	sdelay $0x3  }
0x94: {  	_ =	strace s2  }
0x95: {  	s2 =	sld [smem:$0x3FFD];
	_ =	sdelay $0x3  }
0x96: {  	_ =	strace s2  }
0x97: {  	_ =	strace $0x8FFFFFFF  }
0x98: {  	s18 =	sld [smem:$0x3FDB];
	_ =	sdelay $0x1  }
0x99: {  	s19 =	simm.s32 $_scs_section_size  }
0x9a: {  	s4 =	simm.s32 $_size__tile_overlayer_lowered;
	s5 =	simm.s32 $_tile_overlayer_lowered  }
0x9b: {  	s22 =	simm.s32 $0x1BFF;
	s21 =	sshll.u32 s5, $0x1;
	s2 =	sadd.s32 s19, s18  }
0x9c: {  	s6 =	simm.s32 $0x0;
	s20 =	sshll.u32 s4, $0x1;
	s4 =	sadd.s32 s21, s2  }
0x9d: {  	[timem:s6], [sflag:s22] =	dma.local [hbm:s4], s20  }
0x9e: {  	_ =	swait.ge [sflag:s22], s20  }
0x9f: {  	s3 =	ssub.s32 $0x0, s20;
	[sflag:s22] =	ssyncset.done $0x0  }
0xa0: {  	[sflag:s22] =	ssyncadd.s32 s3;
	_ =	sdelay $0x1  }
0xa1: {  	s23 =	simm.s32 $0x1B8B  }
0xa2: {  	_ =	swait.ge [sflag:s23], $0x1  }
0xa3: {  	[sflag:s23] =	ssyncset.done $0x0  }
0xa4: {  	s25 =	simm.s32 $0x1B8E;
	s24 =	sld [smem:$0x3FFE];
	[sflag:s23] =	ssyncadd.s32 $0xFFFFFFFF  }
0xa5: {  	s26 =	simm.s32 $execute0_lowered;
	[smem:$0x3FD2] =	sst s25  }
0xa6: {  	s4 =	sshll.u32 s26, $0x1;
	_ =	strace $0x8000004F;
	[dreg:$0x1] =	wrdreg $0xFFFFFFFF  }
0xa7: {  	s28 =	simm.s32 $_size_execute0_lowered;
	s2 =	sadd.s32 s2, s4;
	[dreg:$0x0] =	wrdreg $0x0  }
0xa8: {  	s4 =	sshll.u32 s28, $0x1;
	[dreg:$0x2] =	wrdreg s2  }
0xa9: {  	[dreg:$0x3] =	wrdreg s4  }
0xaa: {  	[dreg:$0x4] =	wrdreg $0xC0  }
0xab: {  	_ =	task [dreg:s6], $0x5FFFF  }
0xac: {  	[dreg:$0x1] =	wrdreg $0xFFFFFFFF  }
0xad: {  	[dreg:$0x0] =	wrdreg $0x60  }
0xae: {  	[dreg:$0x2] =	wrdreg s24  }
0xaf: {  	[dreg:$0x3] =	wrdreg $0x54000  }
0xb0: {  	[dreg:$0x4] =	wrdreg $0x9  }
0xb1: {  	_ =	task.clear_ibuf [dreg:s6], $0x5FFFF;
	_ =	strace $0x9000004F  }
0xb2: {  	s29 =	simm.s32 $0x9;
	_ =	strace $0x80000051  }
0xb3: {  	_ =	swait.ge [sflag:s29], $0x1  }
0xb4: {  	[sflag:s29] =	ssyncadd.s32 $0xFFFFFFFF  }
0xb5: {  	_ =	strace $0x90000051  }
0xb6: {  	_ =	sfence  }
0xb7: {  	s30 =	sld [smem:$0x0];
	_ =	sdelay $0x2  }
0xb8: {  	s31 =	sshll.u32 s1, $0xD;
	s1 =	sshrl.u32 s1, $0x2  }
0xb9: {  	s3 =	sand.u32 $0x4000, s31;
	s1 =	sadd.s32 s1, s30  }
0xba: {  	s0 =	sor.u32 s3, s0;
	s1 =	sshll.u32 s1, $0x11  }
0xbb: {  	s0 =	sor.u32 s1, s0  }
0xbc: {  	s0 =	sadd.s32 $0x8F2B, s0  }
0xbd: {  	[sflag:s0] =	ssyncadd.remote.s32 $0x1  }
0xbe: {  	_ =	sfence.sel $0xFFFF  }
0xbf: {  	[dreg:$0x0] =	wrdreg $0xFFFFFFFF;
	(pc) =	sbr.abs _section_cstart, $3  }
0xc0: {  	[dreg:$0x1] =	wrdreg $0xFFFFFFFF  }
0xc1: {  	_ =	task.clear_ibuf [dreg:s6], $0x2FFFF;
	_ =	strace $0x9FFFFFFF  }
0xc2: {  	(tm) =	ssettm $0x7FFFFFFF  }
0xc3: {  	_ =	shalt  }
tec
execute0_lowered:
.L_overlay_start_1:
0x0: {  	(tag) =	ssettag $0x1  }
0x1: {  	s0 =	stileid.u32;
	s1 =	srdreg.scid  }
0x2: {  	s4 =	rddreg [dreg:$0x0];
	s5 =	smul.u32 $0x28000, s0  }
0x3: {  	s2 =	rddreg [dreg:$0x1];
	s3 =	simm.s32 $0x0;
	s8 =	smul.u32 $0x2780, s0  }
0x4: {  	s6 =	sand.u32 $0x1, s1;
	s1 =	rddreg [dreg:$0x2];
	s11 =	smul.u32 $0x4F000, s0  }
0x5: {  	s22 =	sshll.u32 s0, $0x1;
	[smem:$0x7FF] =	sst s3;
	s26 =	smul.u32 $0x4E000, s0  }
0x6: {  	s28 =	sshll.u32 s0, $0x6;
	s16 =	smul.u32 $0x2700, s0;
	s17 =	sadd.s32 $0x138000, s2  }
0x7: {  	p0 =	sne.s32 s0, $0xF;
	s7 =	sor.u32 s6, s22;
	s23 =	smul.u32 $0x27100, s6  }
0x8: {  	_ =	strace $0x80000050;
	s10 =	ssub.s32 $0x2, s6;
	s30 =	smul.u32 $0x14000, s6  }
0x9: {  	s7 =	smul.u32 $0x280, s7;
	s9 =	sadd.s32 s5, s4;
	s8 =	sadd.s32 s8, s4  }
0xa: {  	s24 =	sshrl.u32 s10, $0x1;
	s25 =	sshrl.u32 s11, $0x2;
	s5 =	sor.u32 $0x1C01, s28  }
0xb: {  	s29 =	sshrl.u32 s26, $0x2;
	s11 =	simm.s32 $0x1400;
	s12 =	sadd.s32 s23, s4  }
0xc: {  	s10 =	ssub.s32 s10, s24;
	s13 =	sadd.s32 s25, s2;
	s14 =	sadd.s32 s29, s2  }
0xd: {  	s31 =	sadd.s32 s30, s9;
	s7 =	sadd.s32 s7, s4;
	s4 =	sadd.s32 $0x56A00, s8  }
0xe: {  	s15 =	sadd.s32 $0x66C800, s12;
	s8 =	sadd.s32 $0x2FE200, s31;
	s9 =	sshrl.u32 s13, $0x3  }
0xf: {  	s12 =	simm.s32 $0x80;
	s14 =	sshrl.u32 s14, $0x3;
	s6 =	sadd.s32 $0x51A00, s7  }
0x10: {  	s7 =	smax.u32 s10, $0x1;
	s10 =	simm.s32 $0x1;
	s13 =	sadd.s32 s16, s15  }
0x11: {  	s15 =	sadd.s32 @!p0 $0x27000, s15;
	s16 =	sshrl.u32 @!p0 s17, $0x3;
	s17 =	simm.s32 $0x0  }
.LBB2_1:
0x12: {  	[spmem:s9], [sflag:s5] =	dma.local [hbm:s4], $0x2780  }
0x13: {  	_ =	swait.ge [sflag:s10], $0x2780  }
0x14: {  	[sflag:s10] =	ssyncset.done $0x0  }
0x15: {  	[sflag:s10] =	ssyncadd.s32 $0xFFFFD880  }
0x16: {  	[tilespmem:s3], [sflag:$0x1] =	stream.linear.gather [hbm4b:s6+s3], $0x1400, $0x38;
	[tilespmem:$0x19000] =	vst v63  }
0x17: {  	_ =	swait.ge [sflag:s10], $0x1400  }
0x18: {  	[sflag:s10] =	ssyncset.done $0x0  }
0x19: {  	[sflag:s10] =	ssyncadd.s32 $0xFFFFEC00  }
0x1a: {  	[bflag:$0x0] =	sbarrier.arrive $0xFFFF  }
0x1b: {  	[tilespmem:s11], [sflag:$0x1] =	stream.linear.gather [hbm4b:s8+s3], $0x4000, $0x38;
	[tilespmem:$0x19000] =	vst v63  }
0x1c: {  	_ =	swait.ge [sflag:s10], $0x4000  }
0x1d: {  	[sflag:s10] =	ssyncset.done $0x0  }
0x1e: {  	s18 =	simm.s32 $0x0;
	[sflag:s10] =	ssyncadd.s32 $0xFFFFC000  }
0x1f: {  	[spmem:s2] =	stream.indirect.scatter.add.f32 [tilespmem:s11], [sflag:$0x1], $0x80, s18, s12, $0xb8;
	[tilespmem:$0x19000] =	vst v63  }
0x20: {  	_ =	swait.ge [sflag:s10], $0x4000  }
0x21: {  	s19 =	smov.u32 s8;
	s18 =	simm.s32 $0x200;
	[sflag:s10] =	ssyncset.done $0x0  }
.LBB2_2:
0x22: {  	p1 =	sne.s32 s18, $0x4E00;
	[sflag:s10] =	ssyncadd.s32 $0xFFFFC000;
	s19 =	sadd.s32 $0x800, s19  }
0x23: {  	[tilespmem:s11], [sflag:$0x1] =	stream.linear.gather [hbm4b:s19+s3], $0x4000, $0x38;
	[tilespmem:$0x19000] =	vst v63  }
0x24: {  	s20 =	smov.u32 s18;
	s18 =	sadd.s32 $0x200, s18;
	_ =	swait.ge [sflag:s10], $0x4000  }
.Ltmp0:
0x25: {  	[sflag:s10] =	ssyncset.done $0x0;
	(pc) =	sbr.rel @p1 .LBB2_2-.Ltmp0, $4  }
0x26: {  	s20 =	sshra.s32 s20, $0x2;
	[sflag:s10] =	ssyncadd.s32 $0xFFFFC000  }
0x27: {  	[spmem:s2] =	stream.indirect.scatter.add.f32 [tilespmem:s11], [sflag:$0x1], $0x80, s20, s12, $0xb8;
	[tilespmem:$0x19000] =	vst v63  }
0x28: {  	_ =	swait.ge [sflag:s10], $0x4000  }
0x29: {  	[sflag:s10] =	ssyncset.done $0x0  }
0x2a: {  	[sflag:s10] =	ssyncadd.s32 $0xFFFFC000  }
0x2b: {  	[bflag:$0x0] =	sbarrier.arrive $0xFFFF  }
0x2c: {  	[hbm:s13], [sflag:s5] =	dma.local [spmem:s14], $0x2700  }
0x2d: {  	s17 =	sadd.s32 $0x1, s17;
	_ =	swait.ge [sflag:s10], $0x2700  }
0x2e: {  	p1 =	sne.s32 s17, s7;
	[sflag:s10] =	ssyncset.done $0x0  }
.Ltmp1:
0x2f: {  	s18 =	simm.s32 @!p0 $0x1;
	[sflag:s10] =	ssyncadd.s32 $0xFFFFD900;
	(pc) =	sbr.rel @p1 .LBB2_1-.Ltmp1, $4  }
0x30: {  	[hbm:s15], [sflag:s5] =	dma.local @!p0 [spmem:s16], $0x100  }
0x31: {  	_ =	swait.ge @!p0 [sflag:s18], $0x100  }
0x32: {  	[sflag:s18] =	ssyncset.done @!p0 $0x0  }
0x33: {  	[sflag:s18] =	ssyncadd.s32 @!p0 $0xFFFFFF00  }
0x34: {  	_ =	sfence.sel $0x180000  }
0x35: {  	[bflag:$0x0] =	sbarrier.arrive $0xFFFF  }
0x36: {  	p0 =	sne.s32 s0, $0x0;
	_ =	strace $0x90000050  }
0x37: {  	s0 =	sadd.s32 @!p0 $0x100000, s1;
	[bflag:$0x2] =	sbarrier.arrive $0xFFFF  }
0x38: {  	[sflag:s0] =	ssyncadd.tile.s32 @!p0 $0x1;
	_ =	shalt  }
.Lfunc_end2:
_tile_overlayer_lowered:
.L_overlay_start_2:
0x39: {  	(tag) =	ssettag $0x2  }
0x3a: {  	s0 =	rddreg [dreg:$0x0];
	s2 =	stileid.u32  }
0x3b: {  	s1 =	rddreg [dreg:$0x1];
	p0 =	sne.s32 s2, $0x0  }
0x3c: {  	s3 =	rddreg [dreg:$0x2];
	[bflag:$0x3] =	sbarrier.arrive $0xFFFF;
	s2 =	simm.s32 @!p0 $0x1C01  }
0x3d: {  	[timem:s3], [sflag:s2] =	dma.local @!p0 [hbm:s0], s1  }
0x3e: {  	s0 =	simm.s32 @!p0 $0x1  }
0x3f: {  	_ =	swait.ge @!p0 [sflag:s0], s1  }
0x40: {  	s1 =	ssub.s32 @!p0 $0x0, s1;
	[sflag:s0] =	ssyncset.done @!p0 $0x0  }
0x41: {  	[sflag:s0] =	ssyncadd.s32 @!p0 s1  }
0x42: {  	[bflag:$0x3] =	sbarrier.arrive $0xFFFF  }
0x43: {  	_ =	shalt  }

// kernel: kernel.27.cloned.1.call-start
scs
__scs_entry_jumppad:
0x0: {  	(pc) =	sbr.rel $0x88, $3  }
0x1: {  	(tag) =	ssettag $0x0;
	lr =	simm.s32 $0x1  }
0x2: {  	[smem:$0x3F88] =	sst lr;
	_ =	strace $0xD0000000  }
0x3: {  	_ = 	snop  }
0x4: {  	_ = 	snop  }
0x5: {  	_ = 	snop  }
0x6: {  	_ = 	snop  }
0x7: {  	_ = 	snop  }
__scs_overlays_trampoline_lowered:
0x8: {  	[smem:$0x3F97] =	sst s0  }
0x9: {  	[smem:$0x3F98] =	sst s1  }
0xa: {  	[smem:$0x3F99] =	sst s2  }
0xb: {  	[smem:$0x3F9A] =	sst s3  }
0xc: {  	[smem:$0x3F9B] =	sst s4  }
0xd: {  	[smem:$0x3F9C] =	sst s5  }
0xe: {  	[smem:$0x3F9D] =	sst s6  }
0xf: {  	[smem:$0x3F9E] =	sst s7  }
0x10: {  	[smem:$0x3F9F] =	sst s8  }
0x11: {  	[smem:$0x3FA0] =	sst s9;
	s0 =	simm.s32 @!p0 $0x0  }
0x12: {  	s1 =	sld [smem:$0x3F86];
	s0 =	simm.s32 @p0 $0x1  }
0x13: {  	[smem:$0x3FA1] =	sst s0;
	s0 =	simm.s32 @!p1 $0x0  }
0x14: {  	s2 =	sld [smem:$0x3F85];
	s0 =	simm.s32 @p1 $0x1  }
0x15: {  	[smem:$0x3FA2] =	sst s0;
	s0 =	simm.s32 @!p2 $0x0  }
0x16: {  	s3 =	sld [smem:$0x3FDB];
	s0 =	simm.s32 @p2 $0x1  }
0x17: {  	s4 =	simm.s32 $0x1BF5;
	[smem:$0x3FA4] =	sst s0  }
0x18: {  	s0 =	sld [smem:$0x3F87];
	_ =	swait.ge [sflag:s4], $0x0  }
0x19: {  	s7 =	sld [smem:$0x3F88]  }
0x1a: {  	s8 =	sadd.s32 $0xFFFFE003, lr  }
0x1b: {  	s9 =	sadd.s32 $0xFFFFFEF7, lr;
	s5 =	simm.s32 $0xFFFFFFFF;
	p2 =	slt.u32 s8, $0xFFFFF086  }
0x1c: {  	p1 =	slt.u32 s9, $0xF7A;
	s5 =	simm.s32 @!p2 $0x0  }
0x1d: {  	s5 =	simm.s32 @p1 $0x1;
	p0 =	seq.s32 s7, s2  }
0x1e: {  	s7 =	smul.u32 @!p0 $0xF7A, s2;
	p2 =	seq.s32 @!p0 s5, $0x0  }
0x1f: {  	s9 =	smul.u32 $0xF7A, s1;
	s8 =	simm.s32 @!p0 $0x1BF5;
	p2 =	por !p2, p0  }
0x20: {  	[sflag:s8] =	ssyncset.s32 @!p0 $0xFFFFF086;
	s6 =	sadd.s32 @!p0 s3, s7;
	s7 =	simm.s32 @!p0 $0x108  }
0x21: {  	s3 =	sadd.s32 s3, s9;
	s6 =	sadd.s32 @!p0 $0x88, s6;
	s7 =	simm.s32 @p2 $0x1082  }
0x22: {  	[simem:s7], [sflag:s8] =	dma.local @!p0 [hbm:s6], $0xF7A  }
0x23: {  	s9 =	sor.u32 $0xD0000000, s2;
	s6 =	simm.s32 $0x108;
	_ =	swait.ge @!p0 [sflag:s8], $0x0  }
0x24: {  	s3 =	sadd.s32 $0x88, s3;
	s6 =	simm.s32 @!p1 $0x1082;
	[sflag:s4] =	ssyncset.s32 $0xFFFFF086  }
0x25: {  	[simem:s6], [sflag:s4] =	dma.local [hbm:s3], $0xF7A  }
0x26: {  	[smem:$0x3F88] =	sst s1;
	(tag) =	ssettag s2;
	_ =	strace s9  }
0x27: {  	s1 =	sld [smem:$0x3F98]  }
0x28: {  	s2 =	sld [smem:$0x3F99]  }
0x29: {  	s4 =	sld [smem:$0x3F9B]  }
0x2a: {  	p0 =	seq.s32 s5, $0x0;
	s5 =	sld [smem:$0x3F9C]  }
0x2b: {  	s6 =	sld [smem:$0x3F9D]  }
0x2c: {  	s7 =	sld [smem:$0x3F9E]  }
0x2d: {  	s3 =	simm.s32 $0x108;
	s8 =	sld [smem:$0x3F9F]  }
0x2e: {  	s3 =	simm.s32 @!p0 $0x1082;
	s9 =	sld [smem:$0x3FA0]  }
0x2f: {  	lr =	sadd.s32 s0, s3;
	s0 =	sld [smem:$0x3F97]  }
0x30: {  	s3 =	sld [smem:$0x3F9A]  }
0x31: {  	[smem:$0x3FA3] =	sst s10  }
0x32: {  	s10 =	sld [smem:$0x3FA1];
	_ =	sdelay $0x3  }
0x33: {  	p0 =	seq.s32 s10, $0x1;
	s10 =	sld [smem:$0x3FA3];
	_ =	sdelay $0x3  }
0x34: {  	[smem:$0x3FA3] =	sst s10  }
0x35: {  	s10 =	sld [smem:$0x3FA2];
	_ =	sdelay $0x3  }
0x36: {  	p1 =	seq.s32 s10, $0x1;
	s10 =	sld [smem:$0x3FA3];
	_ =	sdelay $0x3  }
0x37: {  	[smem:$0x3FA3] =	sst s10  }
0x38: {  	s10 =	sld [smem:$0x3FA4]  }
0x39: {  	_ = 	snop;
	(pc) =	sbr.ind lr, $3  }
0x3a: {  	_ = 	snop  }
0x3b: {  	_ = 	snop  }
0x3c: {  	p2 =	seq.s32 s10, $0x1;
	s10 =	sld [smem:$0x3FA3]  }
0x3d: {  	_ =	shalt  }
0x3e: {  	_ =	shalt  }
0x3f: {  	_ =	shalt  }
0x40: {  	_ =	shalt  }
0x41: {  	_ =	shalt  }
0x42: {  	_ =	shalt  }
0x43: {  	_ =	shalt  }
0x44: {  	_ =	shalt  }
0x45: {  	_ =	shalt  }
0x46: {  	_ =	shalt  }
0x47: {  	_ =	shalt  }
0x48: {  	_ =	shalt  }
0x49: {  	_ =	shalt  }
0x4a: {  	_ =	shalt  }
0x4b: {  	_ =	shalt  }
0x4c: {  	_ =	shalt  }
0x4d: {  	_ =	shalt  }
0x4e: {  	_ =	shalt  }
0x4f: {  	_ =	shalt  }
0x50: {  	_ =	shalt  }
0x51: {  	_ =	shalt  }
0x52: {  	_ =	shalt  }
0x53: {  	_ =	shalt  }
0x54: {  	_ =	shalt  }
0x55: {  	_ =	shalt  }
0x56: {  	_ =	shalt  }
0x57: {  	_ =	shalt  }
0x58: {  	_ =	shalt  }
0x59: {  	_ =	shalt  }
0x5a: {  	_ =	shalt  }
0x5b: {  	_ =	shalt  }
0x5c: {  	_ =	shalt  }
0x5d: {  	_ =	shalt  }
0x5e: {  	_ =	shalt  }
0x5f: {  	_ =	shalt  }
0x60: {  	_ =	shalt  }
0x61: {  	_ =	shalt  }
0x62: {  	_ =	shalt  }
0x63: {  	_ =	shalt  }
0x64: {  	_ =	shalt  }
0x65: {  	_ =	shalt  }
0x66: {  	_ =	shalt  }
0x67: {  	_ =	shalt  }
0x68: {  	_ =	shalt  }
0x69: {  	_ =	shalt  }
0x6a: {  	_ =	shalt  }
0x6b: {  	_ =	shalt  }
0x6c: {  	_ =	shalt  }
0x6d: {  	_ =	shalt  }
0x6e: {  	_ =	shalt  }
0x6f: {  	_ =	shalt  }
0x70: {  	_ =	shalt  }
0x71: {  	_ =	shalt  }
0x72: {  	_ =	shalt  }
0x73: {  	_ =	shalt  }
0x74: {  	_ =	shalt  }
0x75: {  	_ =	shalt  }
0x76: {  	_ =	shalt  }
0x77: {  	_ =	shalt  }
0x78: {  	_ =	shalt  }
0x79: {  	_ =	shalt  }
0x7a: {  	_ =	shalt  }
0x7b: {  	_ =	shalt  }
0x7c: {  	_ =	shalt  }
0x7d: {  	_ =	shalt  }
0x7e: {  	_ =	shalt  }
0x7f: {  	_ =	shalt  }
0x80: {  	_ =	shalt  }
0x81: {  	_ =	shalt  }
0x82: {  	_ =	shalt  }
0x83: {  	_ =	shalt  }
0x84: {  	_ =	shalt  }
0x85: {  	_ =	shalt  }
0x86: {  	_ =	shalt  }
0x87: {  	_ =	shalt  }
.Lfunc_end0:
.L_simem_size_0:
called_computation.4_lowered:
.L_overlay_start_0:
0x88: {  	s2 =	sld [smem:$0x3FD9]  }
0x89: {  	s3 =	sld [smem:$0x3FFE];
	_ =	sdelay $0x1  }
0x8a: {  	s1 =	srdreg.scid  }
0x8b: {  	s0 =	sand.u32 $0x1, s1  }
0x8c: {  	s16 =	sshll.u32 s0, $0xA;
	s2 =	sadd.s32 s3, s2  }
0x8d: {  	s2 =	sadd.s32 s2, s16  }
0x8e: {  	[smem:$0x3FAF] =	sst s2  }
0x8f: {  	_ = 	snop  }
0x90: {  	(tm) =	ssettm $0x1  }
0x91: {  	s17 =	sld [smem:$0x3FFB];
	_ =	sdelay $0x3  }
0x92: {  	_ =	strace s17  }
0x93: {  	s2 =	sld [smem:$0x3FFC];
	_ =	sdelay $0x3  }
0x94: {  	_ =	strace s2  }
0x95: {  	s2 =	sld [smem:$0x3FFD];
	_ =	sdelay $0x3  }
0x96: {  	_ =	strace s2  }
0x97: {  	_ =	strace $0x8FFFFFFF  }
0x98: {  	s18 =	sld [smem:$0x3FDB];
	_ =	sdelay $0x1  }
0x99: {  	s19 =	simm.s32 $_scs_section_size  }
0x9a: {  	s4 =	simm.s32 $_size__tile_overlayer_lowered;
	s5 =	simm.s32 $_tile_overlayer_lowered  }
0x9b: {  	s22 =	simm.s32 $0x1BFF;
	s21 =	sshll.u32 s5, $0x1;
	s2 =	sadd.s32 s19, s18  }
0x9c: {  	s6 =	simm.s32 $0x0;
	s20 =	sshll.u32 s4, $0x1;
	s4 =	sadd.s32 s21, s2  }
0x9d: {  	[timem:s6], [sflag:s22] =	dma.local [hbm:s4], s20  }
0x9e: {  	_ =	swait.ge [sflag:s22], s20  }
0x9f: {  	s3 =	ssub.s32 $0x0, s20;
	[sflag:s22] =	ssyncset.done $0x0  }
0xa0: {  	[sflag:s22] =	ssyncadd.s32 s3;
	_ =	sdelay $0x1  }
0xa1: {  	s23 =	simm.s32 $0x1B8B  }
0xa2: {  	_ =	swait.ge [sflag:s23], $0x1  }
0xa3: {  	[sflag:s23] =	ssyncset.done $0x0  }
0xa4: {  	s25 =	simm.s32 $0x1B8E;
	s24 =	sld [smem:$0x3FFE];
	[sflag:s23] =	ssyncadd.s32 $0xFFFFFFFF  }
0xa5: {  	s26 =	simm.s32 $execute0_lowered;
	[smem:$0x3FD2] =	sst s25  }
0xa6: {  	s4 =	sshll.u32 s26, $0x1;
	_ =	strace $0x80000052;
	[dreg:$0x1] =	wrdreg $0xFFFFFFFF  }
0xa7: {  	s28 =	simm.s32 $_size_execute0_lowered;
	s2 =	sadd.s32 s2, s4;
	[dreg:$0x0] =	wrdreg $0x0  }
0xa8: {  	s4 =	sshll.u32 s28, $0x1;
	[dreg:$0x2] =	wrdreg s2  }
0xa9: {  	[dreg:$0x3] =	wrdreg s4  }
0xaa: {  	[dreg:$0x4] =	wrdreg $0xC0  }
0xab: {  	_ =	task [dreg:s6], $0x5FFFF  }
0xac: {  	[dreg:$0x1] =	wrdreg $0xFFFFFFFF  }
0xad: {  	[dreg:$0x0] =	wrdreg $0x60  }
0xae: {  	[dreg:$0x2] =	wrdreg s24  }
0xaf: {  	[dreg:$0x3] =	wrdreg $0x9  }
0xb0: {  	_ =	task.clear_ibuf [dreg:s6], $0x4FFFF;
	_ =	strace $0x90000052  }
0xb1: {  	s29 =	simm.s32 $0x9;
	_ =	strace $0x80000054  }
0xb2: {  	_ =	swait.ge [sflag:s29], $0x1  }
0xb3: {  	[sflag:s29] =	ssyncadd.s32 $0xFFFFFFFF  }
0xb4: {  	_ =	strace $0x90000054  }
0xb5: {  	_ =	sfence  }
0xb6: {  	s30 =	sld [smem:$0x0];
	_ =	sdelay $0x2  }
0xb7: {  	s31 =	sshll.u32 s1, $0xD;
	s1 =	sshrl.u32 s1, $0x2  }
0xb8: {  	s3 =	sand.u32 $0x4000, s31;
	s1 =	sadd.s32 s1, s30  }
0xb9: {  	s0 =	sor.u32 s3, s0;
	s1 =	sshll.u32 s1, $0x11  }
0xba: {  	s0 =	sor.u32 s1, s0  }
0xbb: {  	s0 =	sadd.s32 $0x8F2B, s0  }
0xbc: {  	[sflag:s0] =	ssyncadd.remote.s32 $0x1  }
0xbd: {  	_ =	sfence.sel $0xFFFF  }
0xbe: {  	[dreg:$0x0] =	wrdreg $0xFFFFFFFF;
	(pc) =	sbr.abs _section_cstart, $3  }
0xbf: {  	[dreg:$0x1] =	wrdreg $0xFFFFFFFF  }
0xc0: {  	_ =	task.clear_ibuf [dreg:s6], $0x2FFFF;
	_ =	strace $0x9FFFFFFF  }
0xc1: {  	(tm) =	ssettm $0x7FFFFFFF  }
tec
execute0_lowered:
.L_overlay_start_1:
0x0: {  	(tag) =	ssettag $0x1  }
0x1: {  	s5 =	rddreg [dreg:$0x0]  }
0x2: {  	s0 =	rddreg [dreg:$0x1]  }
0x3: {  	s3 =	srdreg.scid;
	s1 =	stileid.u32  }
0x4: {  	s2 =	simm.s32 $0x0;
	s11 =	simm.s32 $0x1400;
	s12 =	simm.s32 $0x80  }
0x5: {  	s13 =	simm.s32 $0x2800;
	s14 =	simm.s32 $0x6800;
	s15 =	simm.s32 $0x1  }
0x6: {  	s16 =	simm.s32 $0x2;
	s6 =	sand.u32 $0x1, s3;
	s30 =	sshll.u32 s1, $0x1  }
0x7: {  	[smem:$0x7FF] =	sst s2;
	s8 =	smul.u32 $0x28000, s1;
	s4 =	sadd.s32 $0x5A5400, s5  }
0x8: {  	s3 =	sor.u32 s6, s30;
	s9 =	ssub.s32 $0x2, s6;
	s6 =	smul.u32 $0x14000, s6  }
0x9: {  	s17 =	simm.s32 $0x0;
	_ =	strace $0x80000053;
	s7 =	smul.u32 $0x280, s3  }
0xa: {  	s3 =	sadd.s32 $0x57E200, s5;
	s8 =	sadd.s32 s8, s5;
	s31 =	sshrl.u32 s9, $0x1  }
0xb: {  	s9 =	ssub.s32 s9, s31;
	s10 =	sadd.s32 s6, s8;
	s7 =	sadd.s32 s7, s5  }
0xc: {  	s8 =	sadd.s32 $0x66C800, s10;
	s5 =	sadd.s32 $0x4CA00, s7;
	s6 =	sadd.s32 $0x47A00, s7  }
0xd: {  	s7 =	smax.u32 s9, $0x1;
	s9 =	sadd.s32 $0x7E200, s10;
	s10 =	simm.s32 $0x3  }
.LBB2_1:
0xe: {  	[tilespmem:s2], [sflag:$0x3] =	stream.linear.gather [hbm4b:s5+s2], $0x1400, $0x38;
	[tilespmem:$0xA800] =	vst v63  }
0xf: {  	_ =	swait.ge [sflag:s10], $0x1400  }
0x10: {  	[sflag:s10] =	ssyncset.done $0x0  }
0x11: {  	[sflag:s10] =	ssyncadd.s32 $0xFFFFEC00  }
0x12: {  	[tilespmem:s11], [sflag:$0x3] =	stream.linear.gather [hbm4b:s6+s2], $0x1400, $0x38;
	[tilespmem:$0xA800] =	vst v63  }
0x13: {  	_ =	swait.ge [sflag:s10], $0x1400  }
0x14: {  	[sflag:s10] =	ssyncset.done $0x0  }
0x15: {  	s18 =	simm.s32 $0x0;
	[sflag:s10] =	ssyncadd.s32 $0xFFFFEC00  }
0x16: {  	[tilespmem:s13], [sflag:$0x1] =	stream.indirect.gather [hbm4b:s3+s12], $0x80, s18, s12, $0xb8;
	[tilespmem:$0xA800] =	vst v63  }
0x17: {  	s31 =	simm.s32 $0x1400  }
0x18: {  	[tilespmem:s14], [sflag:$0x2] =	stream.indirect.gather [hbm4b:s4+s12], $0x80, s31, s12, $0xb8;
	[tilespmem:$0xA800] =	vst v63  }
0x19: {  	_ =	swait.ge [sflag:s15], $0x4000  }
0x1a: {  	[sflag:s15] =	ssyncset.done $0x0  }
0x1b: {  	[sflag:s15] =	ssyncadd.s32 $0xFFFFC000  }
0x1c: {  	_ =	swait.ge [sflag:s16], $0x4000  }
0x1d: {  	[sflag:s16] =	ssyncset.done $0x0  }
0x1e: {  	[sflag:s16] =	ssyncadd.s32 $0xFFFFC000  }
0x1f: {  	[hbm4b:s9+s2] =	stream.linear.scatter [tilespmem:s13], [sflag:$0x3], $0x4000, $0x38;
	[tilespmem:$0xA800] =	vst v63  }
0x20: {  	_ =	swait.ge [sflag:s10], $0x4000  }
0x21: {  	[sflag:s10] =	ssyncset.done $0x0  }
0x22: {  	[sflag:s10] =	ssyncadd.s32 $0xFFFFC000  }
0x23: {  	[hbm4b:s8+s2] =	stream.linear.scatter [tilespmem:s14], [sflag:$0x3], $0x4000, $0x38;
	[tilespmem:$0xA800] =	vst v63  }
0x24: {  	s20 =	simm.s32 $0x200;
	s21 =	simm.s32 $0x400;
	_ =	swait.ge [sflag:s10], $0x4000  }
0x25: {  	s19 =	sadd.s32 $0x800, s9;
	s18 =	sadd.s32 $0x800, s8;
	[sflag:s10] =	ssyncset.done $0x0  }
.LBB2_2:
0x26: {  	s22 =	sshra.s32 s20, $0x2  }
0x27: {  	[sflag:s10] =	ssyncadd.s32 $0xFFFFC000;
	s20 =	smov.u32 s21;
	s23 =	sadd.s32 $0x200, s21  }
0x28: {  	[tilespmem:s13], [sflag:$0x1] =	stream.indirect.gather [hbm4b:s3+s12], $0x80, s22, s12, $0xb8;
	[tilespmem:$0xA800] =	vst v63  }
0x29: {  	p0 =	sne.s32 s21, $0x4E00;
	s21 =	sadd.s32 $0x1400, s22  }
0x2a: {  	[tilespmem:s14], [sflag:$0x2] =	stream.indirect.gather [hbm4b:s4+s12], $0x80, s21, s12, $0xb8;
	[tilespmem:$0xA800] =	vst v63  }
0x2b: {  	_ =	swait.ge [sflag:s15], $0x4000  }
0x2c: {  	[sflag:s15] =	ssyncset.done $0x0  }
0x2d: {  	[sflag:s15] =	ssyncadd.s32 $0xFFFFC000  }
0x2e: {  	_ =	swait.ge [sflag:s16], $0x4000  }
0x2f: {  	[sflag:s16] =	ssyncset.done $0x0  }
0x30: {  	[sflag:s16] =	ssyncadd.s32 $0xFFFFC000  }
0x31: {  	[hbm4b:s19+s2] =	stream.linear.scatter [tilespmem:s13], [sflag:$0x3], $0x4000, $0x38;
	[tilespmem:$0xA800] =	vst v63  }
0x32: {  	_ =	swait.ge [sflag:s10], $0x4000  }
.Ltmp0:
0x33: {  	[sflag:s10] =	ssyncset.done $0x0;
	(pc) =	sbr.rel @p0 .LBB2_2-.Ltmp0, $4  }
0x34: {  	[sflag:s10] =	ssyncadd.s32 $0xFFFFC000  }
0x35: {  	[hbm4b:s18+s2] =	stream.linear.scatter [tilespmem:s14], [sflag:$0x3], $0x4000, $0x38;
	[tilespmem:$0xA800] =	vst v63  }
0x36: {  	s21 =	smov.u32 s23;
	_ =	swait.ge [sflag:s10], $0x4000  }
0x37: {  	s19 =	sadd.s32 $0x800, s19;
	s18 =	sadd.s32 $0x800, s18;
	[sflag:s10] =	ssyncset.done $0x0  }
0x38: {  	s20 =	sshra.s32 s20, $0x2;
	[sflag:s10] =	ssyncadd.s32 $0xFFFFC000  }
0x39: {  	[tilespmem:s13], [sflag:$0x1] =	stream.indirect.gather [hbm4b:s3+s12], $0x80, s20, s12, $0xb8;
	[tilespmem:$0xA800] =	vst v63  }
0x3a: {  	s20 =	sadd.s32 $0x1400, s20  }
0x3b: {  	[tilespmem:s14], [sflag:$0x2] =	stream.indirect.gather [hbm4b:s4+s12], $0x80, s20, s12, $0xb8;
	[tilespmem:$0xA800] =	vst v63  }
0x3c: {  	_ =	swait.ge [sflag:s15], $0x4000  }
0x3d: {  	[sflag:s15] =	ssyncset.done $0x0  }
0x3e: {  	[sflag:s15] =	ssyncadd.s32 $0xFFFFC000  }
0x3f: {  	_ =	swait.ge [sflag:s16], $0x4000  }
0x40: {  	[sflag:s16] =	ssyncset.done $0x0  }
0x41: {  	[sflag:s16] =	ssyncadd.s32 $0xFFFFC000  }
0x42: {  	[hbm4b:s19+s2] =	stream.linear.scatter [tilespmem:s13], [sflag:$0x3], $0x4000, $0x38;
	[tilespmem:$0xA800] =	vst v63  }
0x43: {  	s17 =	sadd.s32 $0x1, s17;
	_ =	swait.ge [sflag:s10], $0x4000  }
0x44: {  	p0 =	sne.s32 s17, s7;
	[sflag:s10] =	ssyncset.done $0x0  }
.Ltmp1:
0x45: {  	[sflag:s10] =	ssyncadd.s32 $0xFFFFC000;
	(pc) =	sbr.rel @p0 .LBB2_1-.Ltmp1, $4  }
0x46: {  	[hbm4b:s18+s2] =	stream.linear.scatter [tilespmem:s14], [sflag:$0x3], $0x4000, $0x38;
	[tilespmem:$0xA800] =	vst v63  }
0x47: {  	_ =	swait.ge [sflag:s10], $0x4000  }
0x48: {  	[sflag:s10] =	ssyncset.done $0x0  }
0x49: {  	[sflag:s10] =	ssyncadd.s32 $0xFFFFC000  }
0x4a: {  	_ =	sfence.sel $0x180000  }
0x4b: {  	[bflag:$0x0] =	sbarrier.arrive $0xFFFF  }
0x4c: {  	p0 =	sne.s32 s1, $0x0;
	_ =	strace $0x90000053  }
0x4d: {  	s0 =	sadd.s32 @!p0 $0x100000, s0;
	[bflag:$0x2] =	sbarrier.arrive $0xFFFF  }
0x4e: {  	[sflag:s0] =	ssyncadd.tile.s32 @!p0 $0x1;
	_ =	shalt  }
.Lfunc_end2:
_tile_overlayer_lowered:
.L_overlay_start_2:
0x4f: {  	(tag) =	ssettag $0x2  }
0x50: {  	s0 =	rddreg [dreg:$0x0];
	s2 =	stileid.u32  }
0x51: {  	s1 =	rddreg [dreg:$0x1];
	p0 =	sne.s32 s2, $0x0  }
0x52: {  	s3 =	rddreg [dreg:$0x2];
	[bflag:$0x3] =	sbarrier.arrive $0xFFFF;
	s2 =	simm.s32 @!p0 $0x1C03  }
0x53: {  	[timem:s3], [sflag:s2] =	dma.local @!p0 [hbm:s0], s1  }
0x54: {  	s0 =	simm.s32 @!p0 $0x3  }
0x55: {  	_ =	swait.ge @!p0 [sflag:s0], s1  }
0x56: {  	s1 =	ssub.s32 @!p0 $0x0, s1;
	[sflag:s0] =	ssyncset.done @!p0 $0x0  }
0x57: {  	[sflag:s0] =	ssyncadd.s32 @!p0 s1  }
0x58: {  	[bflag:$0x3] =	sbarrier.arrive $0xFFFF  }
0x59: {  	_ =	shalt  }

// kernel: kernel.30.cloned.1.call-start
scs
__scs_entry_jumppad:
0x0: {  	(pc) =	sbr.rel $0x88, $3  }
0x1: {  	(tag) =	ssettag $0x0;
	lr =	simm.s32 $0x1  }
0x2: {  	[smem:$0x3F88] =	sst lr;
	_ =	strace $0xD0000000  }
0x3: {  	_ = 	snop  }
0x4: {  	_ = 	snop  }
0x5: {  	_ = 	snop  }
0x6: {  	_ = 	snop  }
0x7: {  	_ = 	snop  }
__scs_overlays_trampoline_lowered:
0x8: {  	[smem:$0x3F97] =	sst s0  }
0x9: {  	[smem:$0x3F98] =	sst s1  }
0xa: {  	[smem:$0x3F99] =	sst s2  }
0xb: {  	[smem:$0x3F9A] =	sst s3  }
0xc: {  	[smem:$0x3F9B] =	sst s4  }
0xd: {  	[smem:$0x3F9C] =	sst s5  }
0xe: {  	[smem:$0x3F9D] =	sst s6  }
0xf: {  	[smem:$0x3F9E] =	sst s7  }
0x10: {  	[smem:$0x3F9F] =	sst s8  }
0x11: {  	[smem:$0x3FA0] =	sst s9;
	s0 =	simm.s32 @!p0 $0x0  }
0x12: {  	s1 =	sld [smem:$0x3F86];
	s0 =	simm.s32 @p0 $0x1  }
0x13: {  	[smem:$0x3FA1] =	sst s0;
	s0 =	simm.s32 @!p1 $0x0  }
0x14: {  	s2 =	sld [smem:$0x3F85];
	s0 =	simm.s32 @p1 $0x1  }
0x15: {  	[smem:$0x3FA2] =	sst s0;
	s0 =	simm.s32 @!p2 $0x0  }
0x16: {  	s3 =	sld [smem:$0x3FDB];
	s0 =	simm.s32 @p2 $0x1  }
0x17: {  	s4 =	simm.s32 $0x1BF5;
	[smem:$0x3FA4] =	sst s0  }
0x18: {  	s0 =	sld [smem:$0x3F87];
	_ =	swait.ge [sflag:s4], $0x0  }
0x19: {  	s7 =	sld [smem:$0x3F88]  }
0x1a: {  	s8 =	sadd.s32 $0xFFFFE003, lr  }
0x1b: {  	s9 =	sadd.s32 $0xFFFFFEF7, lr;
	s5 =	simm.s32 $0xFFFFFFFF;
	p2 =	slt.u32 s8, $0xFFFFF086  }
0x1c: {  	p1 =	slt.u32 s9, $0xF7A;
	s5 =	simm.s32 @!p2 $0x0  }
0x1d: {  	s5 =	simm.s32 @p1 $0x1;
	p0 =	seq.s32 s7, s2  }
0x1e: {  	s7 =	smul.u32 @!p0 $0xF7A, s2;
	p2 =	seq.s32 @!p0 s5, $0x0  }
0x1f: {  	s9 =	smul.u32 $0xF7A, s1;
	s8 =	simm.s32 @!p0 $0x1BF5;
	p2 =	por !p2, p0  }
0x20: {  	[sflag:s8] =	ssyncset.s32 @!p0 $0xFFFFF086;
	s6 =	sadd.s32 @!p0 s3, s7;
	s7 =	simm.s32 @!p0 $0x108  }
0x21: {  	s3 =	sadd.s32 s3, s9;
	s6 =	sadd.s32 @!p0 $0x88, s6;
	s7 =	simm.s32 @p2 $0x1082  }
0x22: {  	[simem:s7], [sflag:s8] =	dma.local @!p0 [hbm:s6], $0xF7A  }
0x23: {  	s9 =	sor.u32 $0xD0000000, s2;
	s6 =	simm.s32 $0x108;
	_ =	swait.ge @!p0 [sflag:s8], $0x0  }
0x24: {  	s3 =	sadd.s32 $0x88, s3;
	s6 =	simm.s32 @!p1 $0x1082;
	[sflag:s4] =	ssyncset.s32 $0xFFFFF086  }
0x25: {  	[simem:s6], [sflag:s4] =	dma.local [hbm:s3], $0xF7A  }
0x26: {  	[smem:$0x3F88] =	sst s1;
	(tag) =	ssettag s2;
	_ =	strace s9  }
0x27: {  	s1 =	sld [smem:$0x3F98]  }
0x28: {  	s2 =	sld [smem:$0x3F99]  }
0x29: {  	s4 =	sld [smem:$0x3F9B]  }
0x2a: {  	p0 =	seq.s32 s5, $0x0;
	s5 =	sld [smem:$0x3F9C]  }
0x2b: {  	s6 =	sld [smem:$0x3F9D]  }
0x2c: {  	s7 =	sld [smem:$0x3F9E]  }
0x2d: {  	s3 =	simm.s32 $0x108;
	s8 =	sld [smem:$0x3F9F]  }
0x2e: {  	s3 =	simm.s32 @!p0 $0x1082;
	s9 =	sld [smem:$0x3FA0]  }
0x2f: {  	lr =	sadd.s32 s0, s3;
	s0 =	sld [smem:$0x3F97]  }
0x30: {  	s3 =	sld [smem:$0x3F9A]  }
0x31: {  	[smem:$0x3FA3] =	sst s10  }
0x32: {  	s10 =	sld [smem:$0x3FA1];
	_ =	sdelay $0x3  }
0x33: {  	p0 =	seq.s32 s10, $0x1;
	s10 =	sld [smem:$0x3FA3];
	_ =	sdelay $0x3  }
0x34: {  	[smem:$0x3FA3] =	sst s10  }
0x35: {  	s10 =	sld [smem:$0x3FA2];
	_ =	sdelay $0x3  }
0x36: {  	p1 =	seq.s32 s10, $0x1;
	s10 =	sld [smem:$0x3FA3];
	_ =	sdelay $0x3  }
0x37: {  	[smem:$0x3FA3] =	sst s10  }
0x38: {  	s10 =	sld [smem:$0x3FA4]  }
0x39: {  	_ = 	snop;
	(pc) =	sbr.ind lr, $3  }
0x3a: {  	_ = 	snop  }
0x3b: {  	_ = 	snop  }
0x3c: {  	p2 =	seq.s32 s10, $0x1;
	s10 =	sld [smem:$0x3FA3]  }
0x3d: {  	_ =	shalt  }
0x3e: {  	_ =	shalt  }
0x3f: {  	_ =	shalt  }
0x40: {  	_ =	shalt  }
0x41: {  	_ =	shalt  }
0x42: {  	_ =	shalt  }
0x43: {  	_ =	shalt  }
0x44: {  	_ =	shalt  }
0x45: {  	_ =	shalt  }
0x46: {  	_ =	shalt  }
0x47: {  	_ =	shalt  }
0x48: {  	_ =	shalt  }
0x49: {  	_ =	shalt  }
0x4a: {  	_ =	shalt  }
0x4b: {  	_ =	shalt  }
0x4c: {  	_ =	shalt  }
0x4d: {  	_ =	shalt  }
0x4e: {  	_ =	shalt  }
0x4f: {  	_ =	shalt  }
0x50: {  	_ =	shalt  }
0x51: {  	_ =	shalt  }
0x52: {  	_ =	shalt  }
0x53: {  	_ =	shalt  }
0x54: {  	_ =	shalt  }
0x55: {  	_ =	shalt  }
0x56: {  	_ =	shalt  }
0x57: {  	_ =	shalt  }
0x58: {  	_ =	shalt  }
0x59: {  	_ =	shalt  }
0x5a: {  	_ =	shalt  }
0x5b: {  	_ =	shalt  }
0x5c: {  	_ =	shalt  }
0x5d: {  	_ =	shalt  }
0x5e: {  	_ =	shalt  }
0x5f: {  	_ =	shalt  }
0x60: {  	_ =	shalt  }
0x61: {  	_ =	shalt  }
0x62: {  	_ =	shalt  }
0x63: {  	_ =	shalt  }
0x64: {  	_ =	shalt  }
0x65: {  	_ =	shalt  }
0x66: {  	_ =	shalt  }
0x67: {  	_ =	shalt  }
0x68: {  	_ =	shalt  }
0x69: {  	_ =	shalt  }
0x6a: {  	_ =	shalt  }
0x6b: {  	_ =	shalt  }
0x6c: {  	_ =	shalt  }
0x6d: {  	_ =	shalt  }
0x6e: {  	_ =	shalt  }
0x6f: {  	_ =	shalt  }
0x70: {  	_ =	shalt  }
0x71: {  	_ =	shalt  }
0x72: {  	_ =	shalt  }
0x73: {  	_ =	shalt  }
0x74: {  	_ =	shalt  }
0x75: {  	_ =	shalt  }
0x76: {  	_ =	shalt  }
0x77: {  	_ =	shalt  }
0x78: {  	_ =	shalt  }
0x79: {  	_ =	shalt  }
0x7a: {  	_ =	shalt  }
0x7b: {  	_ =	shalt  }
0x7c: {  	_ =	shalt  }
0x7d: {  	_ =	shalt  }
0x7e: {  	_ =	shalt  }
0x7f: {  	_ =	shalt  }
0x80: {  	_ =	shalt  }
0x81: {  	_ =	shalt  }
0x82: {  	_ =	shalt  }
0x83: {  	_ =	shalt  }
0x84: {  	_ =	shalt  }
0x85: {  	_ =	shalt  }
0x86: {  	_ =	shalt  }
0x87: {  	_ =	shalt  }
.Lfunc_end0:
.L_simem_size_0:
called_computation.5_lowered:
.L_overlay_start_0:
0x88: {  	s2 =	sld [smem:$0x3FD9]  }
0x89: {  	s3 =	sld [smem:$0x3FFE];
	_ =	sdelay $0x1  }
0x8a: {  	s1 =	srdreg.scid  }
0x8b: {  	s0 =	sand.u32 $0x1, s1  }
0x8c: {  	s16 =	sshll.u32 s0, $0xA;
	s2 =	sadd.s32 s3, s2  }
0x8d: {  	s2 =	sadd.s32 s2, s16  }
0x8e: {  	[smem:$0x3FAF] =	sst s2  }
0x8f: {  	_ = 	snop  }
0x90: {  	(tm) =	ssettm $0x1  }
0x91: {  	s17 =	sld [smem:$0x3FFB];
	_ =	sdelay $0x3  }
0x92: {  	_ =	strace s17  }
0x93: {  	s2 =	sld [smem:$0x3FFC];
	_ =	sdelay $0x3  }
0x94: {  	_ =	strace s2  }
0x95: {  	s2 =	sld [smem:$0x3FFD];
	_ =	sdelay $0x3  }
0x96: {  	_ =	strace s2  }
0x97: {  	_ =	strace $0x8FFFFFFF  }
0x98: {  	s18 =	sld [smem:$0x3FDB];
	_ =	sdelay $0x1  }
0x99: {  	s19 =	simm.s32 $_scs_section_size  }
0x9a: {  	s4 =	simm.s32 $_size__tile_overlayer_lowered;
	s5 =	simm.s32 $_tile_overlayer_lowered  }
0x9b: {  	s22 =	simm.s32 $0x1BFF;
	s21 =	sshll.u32 s5, $0x1;
	s2 =	sadd.s32 s19, s18  }
0x9c: {  	s6 =	simm.s32 $0x0;
	s20 =	sshll.u32 s4, $0x1;
	s4 =	sadd.s32 s21, s2  }
0x9d: {  	[timem:s6], [sflag:s22] =	dma.local [hbm:s4], s20  }
0x9e: {  	_ =	swait.ge [sflag:s22], s20  }
0x9f: {  	s3 =	ssub.s32 $0x0, s20;
	[sflag:s22] =	ssyncset.done $0x0  }
0xa0: {  	[sflag:s22] =	ssyncadd.s32 s3;
	_ =	sdelay $0x1  }
0xa1: {  	s23 =	simm.s32 $0x1B8B  }
0xa2: {  	_ =	swait.ge [sflag:s23], $0x1  }
0xa3: {  	[sflag:s23] =	ssyncset.done $0x0  }
0xa4: {  	s25 =	simm.s32 $0x1B8E;
	s24 =	sld [smem:$0x3FFE];
	[sflag:s23] =	ssyncadd.s32 $0xFFFFFFFF  }
0xa5: {  	s26 =	simm.s32 $execute0_lowered;
	[smem:$0x3FD2] =	sst s25  }
0xa6: {  	s4 =	sshll.u32 s26, $0x1;
	_ =	strace $0x80000055;
	[dreg:$0x1] =	wrdreg $0xFFFFFFFF  }
0xa7: {  	s28 =	simm.s32 $_size_execute0_lowered;
	s2 =	sadd.s32 s2, s4;
	[dreg:$0x0] =	wrdreg $0x0  }
0xa8: {  	s4 =	sshll.u32 s28, $0x1;
	[dreg:$0x2] =	wrdreg s2  }
0xa9: {  	[dreg:$0x3] =	wrdreg s4  }
0xaa: {  	[dreg:$0x4] =	wrdreg $0xC0  }
0xab: {  	_ =	task [dreg:s6], $0x5FFFF  }
0xac: {  	[dreg:$0x1] =	wrdreg $0xFFFFFFFF  }
0xad: {  	[dreg:$0x0] =	wrdreg $0x60  }
0xae: {  	[dreg:$0x2] =	wrdreg s24  }
0xaf: {  	[dreg:$0x3] =	wrdreg $0x54000  }
0xb0: {  	[dreg:$0x4] =	wrdreg $0x9  }
0xb1: {  	_ =	task.clear_ibuf [dreg:s6], $0x5FFFF;
	_ =	strace $0x90000055  }
0xb2: {  	s29 =	simm.s32 $0x9;
	_ =	strace $0x80000057  }
0xb3: {  	_ =	swait.ge [sflag:s29], $0x1  }
0xb4: {  	[sflag:s29] =	ssyncadd.s32 $0xFFFFFFFF  }
0xb5: {  	_ =	strace $0x90000057  }
0xb6: {  	_ =	sfence  }
0xb7: {  	s30 =	sld [smem:$0x0];
	_ =	sdelay $0x2  }
0xb8: {  	s31 =	sshll.u32 s1, $0xD;
	s1 =	sshrl.u32 s1, $0x2  }
0xb9: {  	s3 =	sand.u32 $0x4000, s31;
	s1 =	sadd.s32 s1, s30  }
0xba: {  	s0 =	sor.u32 s3, s0;
	s1 =	sshll.u32 s1, $0x11  }
0xbb: {  	s0 =	sor.u32 s1, s0  }
0xbc: {  	s0 =	sadd.s32 $0x8F2B, s0  }
0xbd: {  	[sflag:s0] =	ssyncadd.remote.s32 $0x1  }
0xbe: {  	_ =	sfence.sel $0xFFFF  }
0xbf: {  	[dreg:$0x0] =	wrdreg $0xFFFFFFFF;
	(pc) =	sbr.abs _section_cstart, $3  }
0xc0: {  	[dreg:$0x1] =	wrdreg $0xFFFFFFFF  }
0xc1: {  	_ =	task.clear_ibuf [dreg:s6], $0x2FFFF;
	_ =	strace $0x9FFFFFFF  }
0xc2: {  	(tm) =	ssettm $0x7FFFFFFF  }
0xc3: {  	_ =	shalt  }
tec
execute0_lowered:
.L_overlay_start_1:
0x0: {  	(tag) =	ssettag $0x1  }
0x1: {  	s0 =	stileid.u32;
	s1 =	srdreg.scid  }
0x2: {  	s4 =	rddreg [dreg:$0x0];
	s5 =	smul.u32 $0x28000, s0  }
0x3: {  	s2 =	rddreg [dreg:$0x1];
	s3 =	simm.s32 $0x0;
	s8 =	smul.u32 $0x2780, s0  }
0x4: {  	s6 =	sand.u32 $0x1, s1;
	s1 =	rddreg [dreg:$0x2];
	s11 =	smul.u32 $0x4F000, s0  }
0x5: {  	s22 =	sshll.u32 s0, $0x1;
	[smem:$0x7FF] =	sst s3;
	s26 =	smul.u32 $0x4E000, s0  }
0x6: {  	s28 =	sshll.u32 s0, $0x6;
	s16 =	smul.u32 $0x2700, s0;
	s17 =	sadd.s32 $0x138000, s2  }
0x7: {  	p0 =	sne.s32 s0, $0xF;
	s7 =	sor.u32 s6, s22;
	s23 =	smul.u32 $0x27100, s6  }
0x8: {  	_ =	strace $0x80000056;
	s10 =	ssub.s32 $0x2, s6;
	s30 =	smul.u32 $0x14000, s6  }
0x9: {  	s7 =	smul.u32 $0x280, s7;
	s9 =	sadd.s32 s5, s4;
	s8 =	sadd.s32 s8, s4  }
0xa: {  	s24 =	sshrl.u32 s10, $0x1;
	s25 =	sshrl.u32 s11, $0x2;
	s5 =	sor.u32 $0x1C01, s28  }
0xb: {  	s29 =	sshrl.u32 s26, $0x2;
	s11 =	simm.s32 $0x1400;
	s12 =	sadd.s32 s23, s4  }
0xc: {  	s10 =	ssub.s32 s10, s24;
	s13 =	sadd.s32 s25, s2;
	s14 =	sadd.s32 s29, s2  }
0xd: {  	s31 =	sadd.s32 s30, s9;
	s7 =	sadd.s32 s7, s4;
	s4 =	sadd.s32 $0x56A00, s8  }
0xe: {  	s15 =	sadd.s32 $0x5F3800, s12;
	s8 =	sadd.s32 $0x8EC800, s31;
	s9 =	sshrl.u32 s13, $0x3  }
0xf: {  	s12 =	simm.s32 $0x80;
	s14 =	sshrl.u32 s14, $0x3;
	s6 =	sadd.s32 $0x51A00, s7  }
0x10: {  	s7 =	smax.u32 s10, $0x1;
	s10 =	simm.s32 $0x1;
	s13 =	sadd.s32 s16, s15  }
0x11: {  	s15 =	sadd.s32 @!p0 $0x27000, s15;
	s16 =	sshrl.u32 @!p0 s17, $0x3;
	s17 =	simm.s32 $0x0  }
.LBB2_1:
0x12: {  	[spmem:s9], [sflag:s5] =	dma.local [hbm:s4], $0x2780  }
0x13: {  	_ =	swait.ge [sflag:s10], $0x2780  }
0x14: {  	[sflag:s10] =	ssyncset.done $0x0  }
0x15: {  	[sflag:s10] =	ssyncadd.s32 $0xFFFFD880  }
0x16: {  	[tilespmem:s3], [sflag:$0x1] =	stream.linear.gather [hbm4b:s6+s3], $0x1400, $0x38;
	[tilespmem:$0x19000] =	vst v63  }
0x17: {  	_ =	swait.ge [sflag:s10], $0x1400  }
0x18: {  	[sflag:s10] =	ssyncset.done $0x0  }
0x19: {  	[sflag:s10] =	ssyncadd.s32 $0xFFFFEC00  }
0x1a: {  	[bflag:$0x0] =	sbarrier.arrive $0xFFFF  }
0x1b: {  	[tilespmem:s11], [sflag:$0x1] =	stream.linear.gather [hbm4b:s8+s3], $0x4000, $0x38;
	[tilespmem:$0x19000] =	vst v63  }
0x1c: {  	_ =	swait.ge [sflag:s10], $0x4000  }
0x1d: {  	[sflag:s10] =	ssyncset.done $0x0  }
0x1e: {  	s18 =	simm.s32 $0x0;
	[sflag:s10] =	ssyncadd.s32 $0xFFFFC000  }
0x1f: {  	[spmem:s2] =	stream.indirect.scatter.add.f32 [tilespmem:s11], [sflag:$0x1], $0x80, s18, s12, $0xb8;
	[tilespmem:$0x19000] =	vst v63  }
0x20: {  	_ =	swait.ge [sflag:s10], $0x4000  }
0x21: {  	s19 =	smov.u32 s8;
	s18 =	simm.s32 $0x200;
	[sflag:s10] =	ssyncset.done $0x0  }
.LBB2_2:
0x22: {  	p1 =	sne.s32 s18, $0x4E00;
	[sflag:s10] =	ssyncadd.s32 $0xFFFFC000;
	s19 =	sadd.s32 $0x800, s19  }
0x23: {  	[tilespmem:s11], [sflag:$0x1] =	stream.linear.gather [hbm4b:s19+s3], $0x4000, $0x38;
	[tilespmem:$0x19000] =	vst v63  }
0x24: {  	s20 =	smov.u32 s18;
	s18 =	sadd.s32 $0x200, s18;
	_ =	swait.ge [sflag:s10], $0x4000  }
.Ltmp0:
0x25: {  	[sflag:s10] =	ssyncset.done $0x0;
	(pc) =	sbr.rel @p1 .LBB2_2-.Ltmp0, $4  }
0x26: {  	s20 =	sshra.s32 s20, $0x2;
	[sflag:s10] =	ssyncadd.s32 $0xFFFFC000  }
0x27: {  	[spmem:s2] =	stream.indirect.scatter.add.f32 [tilespmem:s11], [sflag:$0x1], $0x80, s20, s12, $0xb8;
	[tilespmem:$0x19000] =	vst v63  }
0x28: {  	_ =	swait.ge [sflag:s10], $0x4000  }
0x29: {  	[sflag:s10] =	ssyncset.done $0x0  }
0x2a: {  	[sflag:s10] =	ssyncadd.s32 $0xFFFFC000  }
0x2b: {  	[bflag:$0x0] =	sbarrier.arrive $0xFFFF  }
0x2c: {  	[hbm:s13], [sflag:s5] =	dma.local [spmem:s14], $0x2700  }
0x2d: {  	s17 =	sadd.s32 $0x1, s17;
	_ =	swait.ge [sflag:s10], $0x2700  }
0x2e: {  	p1 =	sne.s32 s17, s7;
	[sflag:s10] =	ssyncset.done $0x0  }
.Ltmp1:
0x2f: {  	s18 =	simm.s32 @!p0 $0x1;
	[sflag:s10] =	ssyncadd.s32 $0xFFFFD900;
	(pc) =	sbr.rel @p1 .LBB2_1-.Ltmp1, $4  }
0x30: {  	[hbm:s15], [sflag:s5] =	dma.local @!p0 [spmem:s16], $0x100  }
0x31: {  	_ =	swait.ge @!p0 [sflag:s18], $0x100  }
0x32: {  	[sflag:s18] =	ssyncset.done @!p0 $0x0  }
0x33: {  	[sflag:s18] =	ssyncadd.s32 @!p0 $0xFFFFFF00  }
0x34: {  	_ =	sfence.sel $0x180000  }
0x35: {  	[bflag:$0x0] =	sbarrier.arrive $0xFFFF  }
0x36: {  	p0 =	sne.s32 s0, $0x0;
	_ =	strace $0x90000056  }
0x37: {  	s0 =	sadd.s32 @!p0 $0x100000, s1;
	[bflag:$0x2] =	sbarrier.arrive $0xFFFF  }
0x38: {  	[sflag:s0] =	ssyncadd.tile.s32 @!p0 $0x1;
	_ =	shalt  }
.Lfunc_end2:
_tile_overlayer_lowered:
.L_overlay_start_2:
0x39: {  	(tag) =	ssettag $0x2  }
0x3a: {  	s0 =	rddreg [dreg:$0x0];
	s2 =	stileid.u32  }
0x3b: {  	s1 =	rddreg [dreg:$0x1];
	p0 =	sne.s32 s2, $0x0  }
0x3c: {  	s3 =	rddreg [dreg:$0x2];
	[bflag:$0x3] =	sbarrier.arrive $0xFFFF;
	s2 =	simm.s32 @!p0 $0x1C01  }
0x3d: {  	[timem:s3], [sflag:s2] =	dma.local @!p0 [hbm:s0], s1  }
0x3e: {  	s0 =	simm.s32 @!p0 $0x1  }
0x3f: {  	_ =	swait.ge @!p0 [sflag:s0], s1  }
0x40: {  	s1 =	ssub.s32 @!p0 $0x0, s1;
	[sflag:s0] =	ssyncset.done @!p0 $0x0  }
0x41: {  	[sflag:s0] =	ssyncadd.s32 @!p0 s1  }
0x42: {  	[bflag:$0x3] =	sbarrier.arrive $0xFFFF  }
0x43: {  	_ =	shalt  }

</sc_bundles>
